<compile_context>
chip_gen: v7x
topology: tpu7x:2x2x1
jax: 0.10.2.dev20260603
libtpu: 0.0.44.dev20260713+nightly
codegen_flags: <defaults>
</compile_context>

<pallas_src>
import functools

import jax
import jax.numpy as jnp
from jax import lax
from jax.experimental import pallas as pl
from jax.experimental.pallas import tpu as pltpu
from jax.experimental.pallas import tpu_sc as plsc

_NODES = 10000
_D = 128
_E = 320000
_NC = 2
_NS = 16
_NW = _NC * _NS
_EW = _E // _NW
_C = 32
_NCH = 312
_TAIL = _EW - _NCH * _C


def _ipd_body(z_hbm, row_hbm, col_hbm, out_hbm,
              idxr_v, idxc_v, rr_v, rc_v, out_v, z_sp, gsems):
    cid = lax.axis_index("c")
    sid = lax.axis_index("s")
    wid = sid * _NC + cid
    wbase = wid * _EW

    iota = lax.iota(jnp.int32, 16)

    zrows = 624
    pltpu.sync_copy(z_hbm.at[pl.ds(sid * zrows, zrows)],
                    z_sp.at[pl.ds(sid * zrows, zrows)])

    @pl.when(sid == 0)
    def _():
        pltpu.sync_copy(z_hbm.at[pl.ds(_NS * zrows, _NODES - _NS * zrows)],
                        z_sp.at[pl.ds(_NS * zrows, _NODES - _NS * zrows)])

    pltpu.sync_copy(row_hbm.at[pl.ds(wbase, _EW)], idxr_v)
    pltpu.sync_copy(col_hbm.at[pl.ds(wbase, _EW)], idxc_v)

    plsc.subcore_barrier()

    def start(i, b, sz):
        idxr = idxr_v.at[pl.ds(i * _C, sz)]
        idxc = idxc_v.at[pl.ds(i * _C, sz)]
        dstr = rr_v.at[b, pl.ds(0, sz)]
        dstc = rc_v.at[b, pl.ds(0, sz)]
        pltpu.async_copy(z_sp.at[idxr], dstr, gsems.at[b])
        pltpu.async_copy(z_sp.at[idxc], dstc, gsems.at[b])

    def finish(i, b, sz):
        idxr = idxr_v.at[pl.ds(i * _C, sz)]
        idxc = idxc_v.at[pl.ds(i * _C, sz)]
        dstr = rr_v.at[b, pl.ds(0, sz)]
        dstc = rc_v.at[b, pl.ds(0, sz)]
        pltpu.make_async_copy(z_sp.at[idxr], dstr, gsems.at[b]).wait()
        pltpu.make_async_copy(z_sp.at[idxc], dstc, gsems.at[b]).wait()
        for g in range(sz // 16):

            def jbody(j, gacc):
                rrow = rr_v.at[b, g * 16 + j]
                crow = rc_v.at[b, g * 16 + j]
                acc = rrow[pl.ds(0, 16)] * crow[pl.ds(0, 16)]
                for k in range(1, _D // 16):
                    acc = acc + (rrow[pl.ds(k * 16, 16)]
                                 * crow[pl.ds(k * 16, 16)])
                s = jnp.sum(acc)
                return jnp.where(iota == j, s, gacc)

            group_acc = lax.fori_loop(0, 16, jbody,
                                      jnp.zeros((16,), jnp.float32),
                                      unroll=2)
            out_v[pl.ds(i * _C + g * 16, 16)] = (
                1.0 / (1.0 + jnp.exp(-group_acc)))

    start(0, 0, _C)

    def outer(j, carry):
        i0 = j * 2
        for b in range(2):
            i = i0 + b

            @pl.when(i + 1 < _NCH)
            def _():
                start(i + 1, 1 - b, _C)

            finish(i, b, _C)
        return carry

    lax.fori_loop(0, _NCH // 2, outer, 0)

    start(_NCH, 0, _TAIL)
    finish(_NCH, 0, _TAIL)

    pltpu.sync_copy(out_v, out_hbm.at[pl.ds(wbase, _EW)])


@jax.jit
def kernel(z, edge_index):
    ei = edge_index.astype(jnp.int32)
    row = ei[0]
    col = ei[1]
    mesh = plsc.VectorSubcoreMesh(
        core_axis_name="c", subcore_axis_name="s",
        num_cores=_NC, num_subcores=_NS)
    f = pl.kernel(
        _ipd_body,
        out_type=jax.ShapeDtypeStruct((_E,), jnp.float32),
        mesh=mesh,
        scratch_types=[
            pltpu.VMEM((_EW,), jnp.int32),
            pltpu.VMEM((_EW,), jnp.int32),
            pltpu.VMEM((2, _C, _D), jnp.float32),
            pltpu.VMEM((2, _C, _D), jnp.float32),
            pltpu.VMEM((_EW,), jnp.float32),
            pltpu.VMEM_SHARED((_NODES, _D), jnp.float32),
            pltpu.SemaphoreType.DMA((2,)),
        ],
        compiler_params=pltpu.CompilerParams(needs_layout_passes=False),
    )
    return f(z, row, col)

# --- scband reference (transcript-rebuilt; emitter-appended) ---
"""Pipeline reference for scband-inner-product-decoder-13262859010450 (READ-ONLY COPY).

The authoritative reference and input builder live on the scoring server;
editing this copy changes nothing except your own understanding.
"""

import jax, jax.numpy as jnp
import numpy as np


def setup_inputs(seed: int = 0) -> dict:
    key = jax.random.key(seed)
    k1, k2 = jax.random.split(key)
    z = jax.random.normal(k1, (10000, 128), dtype=jnp.float32)
    edge_index = jax.random.randint(k2, (2, 320000), 0, 10000, dtype=jnp.int64)
    return {"z": z, "edge_index": edge_index}


def reference(z, edge_index):
    row = edge_index[0]
    col = edge_index[1]
    inner_product = jnp.sum(jnp.take(z, row, axis=0) * jnp.take(z, col, axis=0), axis=1)
    return jax.nn.sigmoid(inner_product)

if __name__ == "__main__":
    import jax
    _d = setup_inputs()
    print(jax.jit(kernel)(*tuple(_d.values())))

</pallas_src>

<mosaic_0001>
#map = affine_map<(d0, d1) -> (0, 0)>
#map1 = affine_map<(d0, d1) -> (0)>
module attributes {stable_mosaic.version = 14 : i64} {
  func.func @_ipd_body(%arg0: i32, %arg1: i32, %arg2: memref<10000x128xf32, #tpu.memory_space<hbm>>, %arg3: memref<320000xi32, #tpu.memory_space<hbm>>, %arg4: memref<320000xi32, #tpu.memory_space<hbm>>, %arg5: memref<320000xf32, #tpu.memory_space<hbm>>, %arg6: memref<10000xi32, #tpu.memory_space<vmem>>, %arg7: memref<10000xi32, #tpu.memory_space<vmem>>, %arg8: memref<2x32x128xf32, #tpu.memory_space<vmem>>, %arg9: memref<2x32x128xf32, #tpu.memory_space<vmem>>, %arg10: memref<10000xf32, #tpu.memory_space<vmem>>, %arg11: memref<10000x128xf32, #tpu.memory_space<vmem_shared>>, %arg12: memref<2x!tpu.dma_semaphore, #tpu.memory_space<semaphore_mem>>) attributes {dimension_semantics = [#tpu.dimension_semantics<core_parallel>, #tpu.dimension_semantics<subcore_parallel>], iteration_bounds = array<i64: 2, 16>, scalar_prefetch = 0 : i64, scratch_operands = 7 : i64, tpu.core_type = #tpu.core_type<sc_vector_subcore>, window_params = [{transform_indices = #map}, {transform_indices = #map1}, {transform_indices = #map1}, {transform_indices = #map1}]} {
    %mul3A = arith.constant 2 : i32
    %mul3A_0 = arith.muli %arg1, %mul3A : i32
    %add3A = arith.addi %mul3A_0, %arg0 : i32
    %mul3A_1 = arith.constant 10000 : i32
    %mul3A_2 = arith.muli %add3A, %mul3A_1 : i32
    %iota3A = tpu.iota {dimensions = array<i32: 0>} : vector<16xi32>
    %mul3A_3 = arith.constant 624 : i32
    %mul3A_4 = arith.muli %arg1, %mul3A_3 : i32
    %mul3A_5 = arith.constant 624 : i32
    %mul3A_6 = arith.muli %arg1, %mul3A_5 : i32
    "tpu.region"() ({
      %run_scoped3A = tpu.sem_alloc : memref<!tpu.dma_semaphore, #tpu.memory_space<semaphore_mem>>
      %dma_start3A_105 = arith.constant 0 : i32
      %dma_start3A_106 = tpu.memref_slice %arg11[%mul3A_6, %dma_start3A_105] : memref<10000x128xf32, #tpu.memory_space<vmem_shared>> -> memref<624x128xf32, #tpu.memory_space<vmem_shared>>
      %dma_start3A_107 = arith.constant 0 : i32
      %dma_start3A_108 = tpu.memref_slice %arg2[%mul3A_4, %dma_start3A_107] : memref<10000x128xf32, #tpu.memory_space<hbm>> -> memref<624x128xf32, #tpu.memory_space<hbm>>
      tpu.enqueue_dma source(%dma_start3A_108 : memref<624x128xf32, #tpu.memory_space<hbm>>) target(%dma_start3A_106 : memref<624x128xf32, #tpu.memory_space<vmem_shared>>) target_semaphore(%run_scoped3A : memref<!tpu.dma_semaphore, #tpu.memory_space<semaphore_mem>>)
      %dma_wait3A_109 = arith.constant 0 : i32
      %dma_wait3A_110 = tpu.memref_slice %arg11[%mul3A_6, %dma_wait3A_109] : memref<10000x128xf32, #tpu.memory_space<vmem_shared>> -> memref<624x128xf32, #tpu.memory_space<vmem_shared>>
      %dma_wait3A_111 = arith.constant 0 : i32
      %dma_wait3A_112 = tpu.memref_slice %arg2[%mul3A_4, %dma_wait3A_111] : memref<10000x128xf32, #tpu.memory_space<hbm>> -> memref<624x128xf32, #tpu.memory_space<hbm>>
      tpu.wait_dma2 semaphore(%run_scoped3A : memref<!tpu.dma_semaphore, #tpu.memory_space<semaphore_mem>>) src(%dma_wait3A_112 : memref<624x128xf32, #tpu.memory_space<hbm>>) dst(%dma_wait3A_110 : memref<624x128xf32, #tpu.memory_space<vmem_shared>>)
      tpu.yield
    }) : () -> ()
    %eq3A = arith.constant 0 : i32
    %eq3A_7 = arith.cmpi eq, %arg1, %eq3A : i32
    %convert_element_type3A = arith.extui %eq3A_7 : i1 to i32
    %cond3A = arith.constant 0 : i32
    %cond3A_8 = arith.cmpi ne, %convert_element_type3A, %cond3A : i32
    scf.if %cond3A_8 {
      "tpu.region"() ({
        %run_scoped3A = tpu.sem_alloc : memref<!tpu.dma_semaphore, #tpu.memory_space<semaphore_mem>>
        %dma_start3A_105 = arith.constant 9984 : i32
        %dma_start3A_106 = arith.constant 0 : i32
        %dma_start3A_107 = tpu.memref_slice %arg11[%dma_start3A_105, %dma_start3A_106] : memref<10000x128xf32, #tpu.memory_space<vmem_shared>> -> memref<16x128xf32, #tpu.memory_space<vmem_shared>>
        %dma_start3A_108 = arith.constant 9984 : i32
        %dma_start3A_109 = arith.constant 0 : i32
        %dma_start3A_110 = tpu.memref_slice %arg2[%dma_start3A_108, %dma_start3A_109] : memref<10000x128xf32, #tpu.memory_space<hbm>> -> memref<16x128xf32, #tpu.memory_space<hbm>>
        tpu.enqueue_dma source(%dma_start3A_110 : memref<16x128xf32, #tpu.memory_space<hbm>>) target(%dma_start3A_107 : memref<16x128xf32, #tpu.memory_space<vmem_shared>>) target_semaphore(%run_scoped3A : memref<!tpu.dma_semaphore, #tpu.memory_space<semaphore_mem>>)
        %dma_wait3A_111 = arith.constant 9984 : i32
        %dma_wait3A_112 = arith.constant 0 : i32
        %dma_wait3A_113 = tpu.memref_slice %arg11[%dma_wait3A_111, %dma_wait3A_112] : memref<10000x128xf32, #tpu.memory_space<vmem_shared>> -> memref<16x128xf32, #tpu.memory_space<vmem_shared>>
        %dma_wait3A_114 = arith.constant 9984 : i32
        %dma_wait3A_115 = arith.constant 0 : i32
        %dma_wait3A_116 = tpu.memref_slice %arg2[%dma_wait3A_114, %dma_wait3A_115] : memref<10000x128xf32, #tpu.memory_space<hbm>> -> memref<16x128xf32, #tpu.memory_space<hbm>>
        tpu.wait_dma2 semaphore(%run_scoped3A : memref<!tpu.dma_semaphore, #tpu.memory_space<semaphore_mem>>) src(%dma_wait3A_116 : memref<16x128xf32, #tpu.memory_space<hbm>>) dst(%dma_wait3A_113 : memref<16x128xf32, #tpu.memory_space<vmem_shared>>)
        tpu.yield
      }) : () -> ()
    } else {
    }
    "tpu.region"() ({
      %run_scoped3A = tpu.sem_alloc : memref<!tpu.dma_semaphore, #tpu.memory_space<semaphore_mem>>
      %dma_start3A_105 = tpu.memref_slice %arg3[%mul3A_2] : memref<320000xi32, #tpu.memory_space<hbm>> -> memref<10000xi32, #tpu.memory_space<hbm>>
      %dma_start3A_106 = tpu.memref_slice %arg3[%mul3A_2] : memref<320000xi32, #tpu.memory_space<hbm>> -> memref<10000xi32, #tpu.memory_space<hbm>>
      tpu.enqueue_dma source(%dma_start3A_106 : memref<10000xi32, #tpu.memory_space<hbm>>) target(%arg6 : memref<10000xi32, #tpu.memory_space<vmem>>) target_semaphore(%run_scoped3A : memref<!tpu.dma_semaphore, #tpu.memory_space<semaphore_mem>>)
      %dma_wait3A_107 = tpu.memref_slice %arg3[%mul3A_2] : memref<320000xi32, #tpu.memory_space<hbm>> -> memref<10000xi32, #tpu.memory_space<hbm>>
      %dma_wait3A_108 = tpu.memref_slice %arg3[%mul3A_2] : memref<320000xi32, #tpu.memory_space<hbm>> -> memref<10000xi32, #tpu.memory_space<hbm>>
      tpu.wait_dma2 semaphore(%run_scoped3A : memref<!tpu.dma_semaphore, #tpu.memory_space<semaphore_mem>>) src(%dma_wait3A_108 : memref<10000xi32, #tpu.memory_space<hbm>>) dst(%arg6 : memref<10000xi32, #tpu.memory_space<vmem>>)
      tpu.yield
    }) : () -> ()
    "tpu.region"() ({
      %run_scoped3A = tpu.sem_alloc : memref<!tpu.dma_semaphore, #tpu.memory_space<semaphore_mem>>
      %dma_start3A_105 = tpu.memref_slice %arg4[%mul3A_2] : memref<320000xi32, #tpu.memory_space<hbm>> -> memref<10000xi32, #tpu.memory_space<hbm>>
      %dma_start3A_106 = tpu.memref_slice %arg4[%mul3A_2] : memref<320000xi32, #tpu.memory_space<hbm>> -> memref<10000xi32, #tpu.memory_space<hbm>>
      tpu.enqueue_dma source(%dma_start3A_106 : memref<10000xi32, #tpu.memory_space<hbm>>) target(%arg7 : memref<10000xi32, #tpu.memory_space<vmem>>) target_semaphore(%run_scoped3A : memref<!tpu.dma_semaphore, #tpu.memory_space<semaphore_mem>>)
      %dma_wait3A_107 = tpu.memref_slice %arg4[%mul3A_2] : memref<320000xi32, #tpu.memory_space<hbm>> -> memref<10000xi32, #tpu.memory_space<hbm>>
      %dma_wait3A_108 = tpu.memref_slice %arg4[%mul3A_2] : memref<320000xi32, #tpu.memory_space<hbm>> -> memref<10000xi32, #tpu.memory_space<hbm>>
      tpu.wait_dma2 semaphore(%run_scoped3A : memref<!tpu.dma_semaphore, #tpu.memory_space<semaphore_mem>>) src(%dma_wait3A_108 : memref<10000xi32, #tpu.memory_space<hbm>>) dst(%arg7 : memref<10000xi32, #tpu.memory_space<vmem>>)
      tpu.yield
    }) : () -> ()
    %barrier3A = arith.constant 0 : index
    tpu.barrier barrier_id(%barrier3A)
    %dma_start3A = arith.constant 0 : i32
    %dma_start3A_9 = arith.constant 0 : i32
    %dma_start3A_10 = arith.constant 0 : i32
    %dma_start3A_11 = arith.constant 0 : i32
    %dma_start3A_12 = tpu.memref_slice %arg8[%dma_start3A, %dma_start3A_10, %dma_start3A_11] : memref<2x32x128xf32, #tpu.memory_space<vmem>> -> memref<1x32x128xf32, #tpu.memory_space<vmem>>
    %dma_start3A_13 = tpu.memref_squeeze %dma_start3A_12 : memref<1x32x128xf32, #tpu.memory_space<vmem>> -> memref<32x128xf32, #tpu.memory_space<vmem>>
    %dma_start3A_14 = arith.constant 0 : i32
    %dma_start3A_15 = tpu.memref_slice %arg6[%dma_start3A_14] : memref<10000xi32, #tpu.memory_space<vmem>> -> memref<32xi32, #tpu.memory_space<vmem>>
    %dma_start3A_16 = arith.constant 0 : i32
    %dma_start3A_17 = arith.constant 0 : i32
    %dma_start3A_18 = tpu.memref_slice %arg11[%dma_start3A_16, %dma_start3A_17] : memref<10000x128xf32, #tpu.memory_space<vmem_shared>> -> memref<10000x128xf32, #tpu.memory_space<vmem_shared>>
    %dma_start3A_19 = tpu.memref_slice %arg12[%dma_start3A_9] : memref<2x!tpu.dma_semaphore, #tpu.memory_space<semaphore_mem>> -> memref<1x!tpu.dma_semaphore, #tpu.memory_space<semaphore_mem>>
    %dma_start3A_20 = tpu.memref_squeeze %dma_start3A_19 : memref<1x!tpu.dma_semaphore, #tpu.memory_space<semaphore_mem>> -> memref<!tpu.dma_semaphore, #tpu.memory_space<semaphore_mem>>
    tpu.enqueue_indirect_dma source(%dma_start3A_18 : memref<10000x128xf32, #tpu.memory_space<vmem_shared>>) target(%dma_start3A_13 : memref<32x128xf32, #tpu.memory_space<vmem>>) offsets(%dma_start3A_15 : memref<32xi32, #tpu.memory_space<vmem>>) semaphore(%dma_start3A_20 : memref<!tpu.dma_semaphore, #tpu.memory_space<semaphore_mem>>)
    %dma_start3A_21 = arith.constant 0 : i32
    %dma_start3A_22 = arith.constant 0 : i32
    %dma_start3A_23 = arith.constant 0 : i32
    %dma_start3A_24 = arith.constant 0 : i32
    %dma_start3A_25 = tpu.memref_slice %arg9[%dma_start3A_21, %dma_start3A_23, %dma_start3A_24] : memref<2x32x128xf32, #tpu.memory_space<vmem>> -> memref<1x32x128xf32, #tpu.memory_space<vmem>>
    %dma_start3A_26 = tpu.memref_squeeze %dma_start3A_25 : memref<1x32x128xf32, #tpu.memory_space<vmem>> -> memref<32x128xf32, #tpu.memory_space<vmem>>
    %dma_start3A_27 = arith.constant 0 : i32
    %dma_start3A_28 = tpu.memref_slice %arg7[%dma_start3A_27] : memref<10000xi32, #tpu.memory_space<vmem>> -> memref<32xi32, #tpu.memory_space<vmem>>
    %dma_start3A_29 = arith.constant 0 : i32
    %dma_start3A_30 = arith.constant 0 : i32
    %dma_start3A_31 = tpu.memref_slice %arg11[%dma_start3A_29, %dma_start3A_30] : memref<10000x128xf32, #tpu.memory_space<vmem_shared>> -> memref<10000x128xf32, #tpu.memory_space<vmem_shared>>
    %dma_start3A_32 = tpu.memref_slice %arg12[%dma_start3A_22] : memref<2x!tpu.dma_semaphore, #tpu.memory_space<semaphore_mem>> -> memref<1x!tpu.dma_semaphore, #tpu.memory_space<semaphore_mem>>
    %dma_start3A_33 = tpu.memref_squeeze %dma_start3A_32 : memref<1x!tpu.dma_semaphore, #tpu.memory_space<semaphore_mem>> -> memref<!tpu.dma_semaphore, #tpu.memory_space<semaphore_mem>>
    tpu.enqueue_indirect_dma source(%dma_start3A_31 : memref<10000x128xf32, #tpu.memory_space<vmem_shared>>) target(%dma_start3A_26 : memref<32x128xf32, #tpu.memory_space<vmem>>) offsets(%dma_start3A_28 : memref<32xi32, #tpu.memory_space<vmem>>) semaphore(%dma_start3A_33 : memref<!tpu.dma_semaphore, #tpu.memory_space<semaphore_mem>>)
    %scan3A = arith.constant 0 : i32
    %scan3A_34 = arith.constant 0 : i32
    %scan3A_35 = arith.constant 156 : i32
    %scan3A_36 = arith.addi %scan3A_34, %scan3A_35 : i32
    %scan3A_37 = arith.constant 1 : i32
    scf.for %scan3A_105 = %scan3A_34 to %scan3A_36 step %scan3A_37  : i32 {
      %mul3A_106 = arith.constant 2 : i32
      %mul3A_107 = arith.muli %scan3A_105, %mul3A_106 : i32
      %add3A_108 = arith.constant 0 : i32
      %add3A_109 = arith.addi %mul3A_107, %add3A_108 : i32
      %add3A_110 = arith.constant 1 : i32
      %add3A_111 = arith.addi %add3A_109, %add3A_110 : i32
      %lt3A = arith.constant 312 : i32
      %lt3A_112 = arith.cmpi slt, %add3A_111, %lt3A : i32
      %convert_element_type3A_113 = arith.extui %lt3A_112 : i1 to i32
      %cond3A_114 = arith.constant 0 : i32
      %cond3A_115 = arith.cmpi ne, %convert_element_type3A_113, %cond3A_114 : i32
      scf.if %cond3A_115 {
        %add3A_277 = arith.constant 1 : i32
        %add3A_278 = arith.addi %add3A_109, %add3A_277 : i32
        %mul3A_279 = arith.constant 32 : i32
        %mul3A_280 = arith.muli %add3A_278, %mul3A_279 : i32
        %mul3A_281 = arith.constant 32 : i32
        %mul3A_282 = arith.muli %add3A_278, %mul3A_281 : i32
        %dma_start3A_283 = arith.constant 1 : i32
        %dma_start3A_284 = arith.constant 1 : i32
        %dma_start3A_285 = arith.constant 0 : i32
        %dma_start3A_286 = arith.constant 0 : i32
        %dma_start3A_287 = tpu.memref_slice %arg8[%dma_start3A_283, %dma_start3A_285, %dma_start3A_286] : memref<2x32x128xf32, #tpu.memory_space<vmem>> -> memref<1x32x128xf32, #tpu.memory_space<vmem>>
        %dma_start3A_288 = tpu.memref_squeeze %dma_start3A_287 : memref<1x32x128xf32, #tpu.memory_space<vmem>> -> memref<32x128xf32, #tpu.memory_space<vmem>>
        %dma_start3A_289 = tpu.memref_slice %arg6[%mul3A_280] : memref<10000xi32, #tpu.memory_space<vmem>> -> memref<32xi32, #tpu.memory_space<vmem>>
        %dma_start3A_290 = arith.constant 0 : i32
        %dma_start3A_291 = arith.constant 0 : i32
        %dma_start3A_292 = tpu.memref_slice %arg11[%dma_start3A_290, %dma_start3A_291] : memref<10000x128xf32, #tpu.memory_space<vmem_shared>> -> memref<10000x128xf32, #tpu.memory_space<vmem_shared>>
        %dma_start3A_293 = tpu.memref_slice %arg12[%dma_start3A_284] : memref<2x!tpu.dma_semaphore, #tpu.memory_space<semaphore_mem>> -> memref<1x!tpu.dma_semaphore, #tpu.memory_space<semaphore_mem>>
        %dma_start3A_294 = tpu.memref_squeeze %dma_start3A_293 : memref<1x!tpu.dma_semaphore, #tpu.memory_space<semaphore_mem>> -> memref<!tpu.dma_semaphore, #tpu.memory_space<semaphore_mem>>
        tpu.enqueue_indirect_dma source(%dma_start3A_292 : memref<10000x128xf32, #tpu.memory_space<vmem_shared>>) target(%dma_start3A_288 : memref<32x128xf32, #tpu.memory_space<vmem>>) offsets(%dma_start3A_289 : memref<32xi32, #tpu.memory_space<vmem>>) semaphore(%dma_start3A_294 : memref<!tpu.dma_semaphore, #tpu.memory_space<semaphore_mem>>)
        %dma_start3A_295 = arith.constant 1 : i32
        %dma_start3A_296 = arith.constant 1 : i32
        %dma_start3A_297 = arith.constant 0 : i32
        %dma_start3A_298 = arith.constant 0 : i32
        %dma_start3A_299 = tpu.memref_slice %arg9[%dma_start3A_295, %dma_start3A_297, %dma_start3A_298] : memref<2x32x128xf32, #tpu.memory_space<vmem>> -> memref<1x32x128xf32, #tpu.memory_space<vmem>>
        %dma_start3A_300 = tpu.memref_squeeze %dma_start3A_299 : memref<1x32x128xf32, #tpu.memory_space<vmem>> -> memref<32x128xf32, #tpu.memory_space<vmem>>
        %dma_start3A_301 = tpu.memref_slice %arg7[%mul3A_282] : memref<10000xi32, #tpu.memory_space<vmem>> -> memref<32xi32, #tpu.memory_space<vmem>>
        %dma_start3A_302 = arith.constant 0 : i32
        %dma_start3A_303 = arith.constant 0 : i32
        %dma_start3A_304 = tpu.memref_slice %arg11[%dma_start3A_302, %dma_start3A_303] : memref<10000x128xf32, #tpu.memory_space<vmem_shared>> -> memref<10000x128xf32, #tpu.memory_space<vmem_shared>>
        %dma_start3A_305 = tpu.memref_slice %arg12[%dma_start3A_296] : memref<2x!tpu.dma_semaphore, #tpu.memory_space<semaphore_mem>> -> memref<1x!tpu.dma_semaphore, #tpu.memory_space<semaphore_mem>>
        %dma_start3A_306 = tpu.memref_squeeze %dma_start3A_305 : memref<1x!tpu.dma_semaphore, #tpu.memory_space<semaphore_mem>> -> memref<!tpu.dma_semaphore, #tpu.memory_space<semaphore_mem>>
        tpu.enqueue_indirect_dma source(%dma_start3A_304 : memref<10000x128xf32, #tpu.memory_space<vmem_shared>>) target(%dma_start3A_300 : memref<32x128xf32, #tpu.memory_space<vmem>>) offsets(%dma_start3A_301 : memref<32xi32, #tpu.memory_space<vmem>>) semaphore(%dma_start3A_306 : memref<!tpu.dma_semaphore, #tpu.memory_space<semaphore_mem>>)
      } else {
      }
      %mul3A_116 = arith.constant 32 : i32
      %mul3A_117 = arith.muli %add3A_109, %mul3A_116 : i32
      %mul3A_118 = arith.constant 32 : i32
      %mul3A_119 = arith.muli %add3A_109, %mul3A_118 : i32
      %dma_wait3A_120 = arith.constant 0 : i32
      %dma_wait3A_121 = arith.constant 0 : i32
      %dma_wait3A_122 = arith.constant 0 : i32
      %dma_wait3A_123 = arith.constant 0 : i32
      %dma_wait3A_124 = tpu.memref_slice %arg8[%dma_wait3A_120, %dma_wait3A_122, %dma_wait3A_123] : memref<2x32x128xf32, #tpu.memory_space<vmem>> -> memref<1x32x128xf32, #tpu.memory_space<vmem>>
      %dma_wait3A_125 = tpu.memref_squeeze %dma_wait3A_124 : memref<1x32x128xf32, #tpu.memory_space<vmem>> -> memref<32x128xf32, #tpu.memory_space<vmem>>
      %dma_wait3A_126 = tpu.memref_slice %arg6[%mul3A_117] : memref<10000xi32, #tpu.memory_space<vmem>> -> memref<32xi32, #tpu.memory_space<vmem>>
      %dma_wait3A_127 = arith.constant 0 : i32
      %dma_wait3A_128 = arith.constant 0 : i32
      %dma_wait3A_129 = tpu.memref_slice %arg11[%dma_wait3A_127, %dma_wait3A_128] : memref<10000x128xf32, #tpu.memory_space<vmem_shared>> -> memref<10000x128xf32, #tpu.memory_space<vmem_shared>>
      %dma_wait3A_130 = tpu.memref_slice %arg12[%dma_wait3A_121] : memref<2x!tpu.dma_semaphore, #tpu.memory_space<semaphore_mem>> -> memref<1x!tpu.dma_semaphore, #tpu.memory_space<semaphore_mem>>
      %dma_wait3A_131 = tpu.memref_squeeze %dma_wait3A_130 : memref<1x!tpu.dma_semaphore, #tpu.memory_space<semaphore_mem>> -> memref<!tpu.dma_semaphore, #tpu.memory_space<semaphore_mem>>
      tpu.wait_indirect_dma semaphore(%dma_wait3A_131 : memref<!tpu.dma_semaphore, #tpu.memory_space<semaphore_mem>>) src(%dma_wait3A_129 : memref<10000x128xf32, #tpu.memory_space<vmem_shared>>) dst(%dma_wait3A_125 : memref<32x128xf32, #tpu.memory_space<vmem>>)
      %dma_wait3A_132 = arith.constant 0 : i32
      %dma_wait3A_133 = arith.constant 0 : i32
      %dma_wait3A_134 = arith.constant 0 : i32
      %dma_wait3A_135 = arith.constant 0 : i32
      %dma_wait3A_136 = tpu.memref_slice %arg9[%dma_wait3A_132, %dma_wait3A_134, %dma_wait3A_135] : memref<2x32x128xf32, #tpu.memory_space<vmem>> -> memref<1x32x128xf32, #tpu.memory_space<vmem>>
      %dma_wait3A_137 = tpu.memref_squeeze %dma_wait3A_136 : memref<1x32x128xf32, #tpu.memory_space<vmem>> -> memref<32x128xf32, #tpu.memory_space<vmem>>
      %dma_wait3A_138 = tpu.memref_slice %arg7[%mul3A_119] : memref<10000xi32, #tpu.memory_space<vmem>> -> memref<32xi32, #tpu.memory_space<vmem>>
      %dma_wait3A_139 = arith.constant 0 : i32
      %dma_wait3A_140 = arith.constant 0 : i32
      %dma_wait3A_141 = tpu.memref_slice %arg11[%dma_wait3A_139, %dma_wait3A_140] : memref<10000x128xf32, #tpu.memory_space<vmem_shared>> -> memref<10000x128xf32, #tpu.memory_space<vmem_shared>>
      %dma_wait3A_142 = tpu.memref_slice %arg12[%dma_wait3A_133] : memref<2x!tpu.dma_semaphore, #tpu.memory_space<semaphore_mem>> -> memref<1x!tpu.dma_semaphore, #tpu.memory_space<semaphore_mem>>
      %dma_wait3A_143 = tpu.memref_squeeze %dma_wait3A_142 : memref<1x!tpu.dma_semaphore, #tpu.memory_space<semaphore_mem>> -> memref<!tpu.dma_semaphore, #tpu.memory_space<semaphore_mem>>
      tpu.wait_indirect_dma semaphore(%dma_wait3A_143 : memref<!tpu.dma_semaphore, #tpu.memory_space<semaphore_mem>>) src(%dma_wait3A_141 : memref<10000x128xf32, #tpu.memory_space<vmem_shared>>) dst(%dma_wait3A_137 : memref<32x128xf32, #tpu.memory_space<vmem>>)
      %broadcast_in_dim3A_144 = arith.constant 0.000000e+00 : f32
      %broadcast_in_dim3A_145 = vector.broadcast %broadcast_in_dim3A_144 : f32 to vector<16xf32>
      %scan3A_146 = arith.constant 0 : i32
      %scan3A_147 = arith.constant 16 : i32
      %scan3A_148 = arith.addi %scan3A_146, %scan3A_147 : i32
      %scan3A_149 = arith.constant 2 : i32
      %scan3A_150 = scf.for %scan3A_277 = %scan3A_146 to %scan3A_148 step %scan3A_149 iter_args(%scan3A_278 = %broadcast_in_dim3A_145) -> (vector<16xf32>)  : i32 {
        %add3A_279 = arith.constant 0 : i32
        %add3A_280 = arith.addi %add3A_279, %scan3A_277 : i32
        %add3A_281 = arith.constant 0 : i32
        %add3A_282 = arith.addi %add3A_281, %scan3A_277 : i32
        %get3A = arith.constant 0 : i32
        %get3A_283 = arith.constant 0 : i32
        %get3A_284 = tpu.memref_slice %arg8[%get3A, %add3A_280, %get3A_283] : memref<2x32x128xf32, #tpu.memory_space<vmem>> -> memref<1x1x128xf32, #tpu.memory_space<vmem>>
        %get3A_285 = tpu.memref_squeeze %get3A_284 : memref<1x1x128xf32, #tpu.memory_space<vmem>> -> memref<128xf32, #tpu.memory_space<vmem>>
        %get3A_286 = arith.constant 0 : index
        %get3A_287 = tpu.vector_load %get3A_285[%get3A_286] {strides = array<i32>} : memref<128xf32, #tpu.memory_space<vmem>>, vector<16xf32>,
        %get3A_288 = arith.constant 0 : i32
        %get3A_289 = arith.constant 0 : i32
        %get3A_290 = tpu.memref_slice %arg9[%get3A_288, %add3A_282, %get3A_289] : memref<2x32x128xf32, #tpu.memory_space<vmem>> -> memref<1x1x128xf32, #tpu.memory_space<vmem>>
        %get3A_291 = tpu.memref_squeeze %get3A_290 : memref<1x1x128xf32, #tpu.memory_space<vmem>> -> memref<128xf32, #tpu.memory_space<vmem>>
        %get3A_292 = arith.constant 0 : index
        %get3A_293 = tpu.vector_load %get3A_291[%get3A_292] {strides = array<i32>} : memref<128xf32, #tpu.memory_space<vmem>>, vector<16xf32>,
        %mul3A_294 = arith.mulf %get3A_287, %get3A_293 : vector<16xf32>
        %get3A_295 = arith.constant 0 : i32
        %get3A_296 = arith.constant 0 : i32
        %get3A_297 = tpu.memref_slice %arg8[%get3A_295, %add3A_280, %get3A_296] : memref<2x32x128xf32, #tpu.memory_space<vmem>> -> memref<1x1x128xf32, #tpu.memory_space<vmem>>
        %get3A_298 = tpu.memref_squeeze %get3A_297 : memref<1x1x128xf32, #tpu.memory_space<vmem>> -> memref<128xf32, #tpu.memory_space<vmem>>
        %get3A_299 = arith.constant 16 : index
        %get3A_300 = tpu.vector_load %get3A_298[%get3A_299] {strides = array<i32>} : memref<128xf32, #tpu.memory_space<vmem>>, vector<16xf32>,
        %get3A_301 = arith.constant 0 : i32
        %get3A_302 = arith.constant 0 : i32
        %get3A_303 = tpu.memref_slice %arg9[%get3A_301, %add3A_282, %get3A_302] : memref<2x32x128xf32, #tpu.memory_space<vmem>> -> memref<1x1x128xf32, #tpu.memory_space<vmem>>
        %get3A_304 = tpu.memref_squeeze %get3A_303 : memref<1x1x128xf32, #tpu.memory_space<vmem>> -> memref<128xf32, #tpu.memory_space<vmem>>
        %get3A_305 = arith.constant 16 : index
        %get3A_306 = tpu.vector_load %get3A_304[%get3A_305] {strides = array<i32>} : memref<128xf32, #tpu.memory_space<vmem>>, vector<16xf32>,
        %mul3A_307 = arith.mulf %get3A_300, %get3A_306 : vector<16xf32>
        %add3A_308 = arith.addf %mul3A_294, %mul3A_307 : vector<16xf32>
        %get3A_309 = arith.constant 0 : i32
        %get3A_310 = arith.constant 0 : i32
        %get3A_311 = tpu.memref_slice %arg8[%get3A_309, %add3A_280, %get3A_310] : memref<2x32x128xf32, #tpu.memory_space<vmem>> -> memref<1x1x128xf32, #tpu.memory_space<vmem>>
        %get3A_312 = tpu.memref_squeeze %get3A_311 : memref<1x1x128xf32, #tpu.memory_space<vmem>> -> memref<128xf32, #tpu.memory_space<vmem>>
        %get3A_313 = arith.constant 32 : index
        %get3A_314 = tpu.vector_load %get3A_312[%get3A_313] {strides = array<i32>} : memref<128xf32, #tpu.memory_space<vmem>>, vector<16xf32>,
        %get3A_315 = arith.constant 0 : i32
        %get3A_316 = arith.constant 0 : i32
        %get3A_317 = tpu.memref_slice %arg9[%get3A_315, %add3A_282, %get3A_316] : memref<2x32x128xf32, #tpu.memory_space<vmem>> -> memref<1x1x128xf32, #tpu.memory_space<vmem>>
        %get3A_318 = tpu.memref_squeeze %get3A_317 : memref<1x1x128xf32, #tpu.memory_space<vmem>> -> memref<128xf32, #tpu.memory_space<vmem>>
        %get3A_319 = arith.constant 32 : index
        %get3A_320 = tpu.vector_load %get3A_318[%get3A_319] {strides = array<i32>} : memref<128xf32, #tpu.memory_space<vmem>>, vector<16xf32>,
        %mul3A_321 = arith.mulf %get3A_314, %get3A_320 : vector<16xf32>
        %add3A_322 = arith.addf %add3A_308, %mul3A_321 : vector<16xf32>
        %get3A_323 = arith.constant 0 : i32
        %get3A_324 = arith.constant 0 : i32
        %get3A_325 = tpu.memref_slice %arg8[%get3A_323, %add3A_280, %get3A_324] : memref<2x32x128xf32, #tpu.memory_space<vmem>> -> memref<1x1x128xf32, #tpu.memory_space<vmem>>
        %get3A_326 = tpu.memref_squeeze %get3A_325 : memref<1x1x128xf32, #tpu.memory_space<vmem>> -> memref<128xf32, #tpu.memory_space<vmem>>
        %get3A_327 = arith.constant 48 : index
        %get3A_328 = tpu.vector_load %get3A_326[%get3A_327] {strides = array<i32>} : memref<128xf32, #tpu.memory_space<vmem>>, vector<16xf32>,
        %get3A_329 = arith.constant 0 : i32
        %get3A_330 = arith.constant 0 : i32
        %get3A_331 = tpu.memref_slice %arg9[%get3A_329, %add3A_282, %get3A_330] : memref<2x32x128xf32, #tpu.memory_space<vmem>> -> memref<1x1x128xf32, #tpu.memory_space<vmem>>
        %get3A_332 = tpu.memref_squeeze %get3A_331 : memref<1x1x128xf32, #tpu.memory_space<vmem>> -> memref<128xf32, #tpu.memory_space<vmem>>
        %get3A_333 = arith.constant 48 : index
        %get3A_334 = tpu.vector_load %get3A_332[%get3A_333] {strides = array<i32>} : memref<128xf32, #tpu.memory_space<vmem>>, vector<16xf32>,
        %mul3A_335 = arith.mulf %get3A_328, %get3A_334 : vector<16xf32>
        %add3A_336 = arith.addf %add3A_322, %mul3A_335 : vector<16xf32>
        %get3A_337 = arith.constant 0 : i32
        %get3A_338 = arith.constant 0 : i32
        %get3A_339 = tpu.memref_slice %arg8[%get3A_337, %add3A_280, %get3A_338] : memref<2x32x128xf32, #tpu.memory_space<vmem>> -> memref<1x1x128xf32, #tpu.memory_space<vmem>>
        %get3A_340 = tpu.memref_squeeze %get3A_339 : memref<1x1x128xf32, #tpu.memory_space<vmem>> -> memref<128xf32, #tpu.memory_space<vmem>>
        %get3A_341 = arith.constant 64 : index
        %get3A_342 = tpu.vector_load %get3A_340[%get3A_341] {strides = array<i32>} : memref<128xf32, #tpu.memory_space<vmem>>, vector<16xf32>,
        %get3A_343 = arith.constant 0 : i32
        %get3A_344 = arith.constant 0 : i32
        %get3A_345 = tpu.memref_slice %arg9[%get3A_343, %add3A_282, %get3A_344] : memref<2x32x128xf32, #tpu.memory_space<vmem>> -> memref<1x1x128xf32, #tpu.memory_space<vmem>>
        %get3A_346 = tpu.memref_squeeze %get3A_345 : memref<1x1x128xf32, #tpu.memory_space<vmem>> -> memref<128xf32, #tpu.memory_space<vmem>>
        %get3A_347 = arith.constant 64 : index
        %get3A_348 = tpu.vector_load %get3A_346[%get3A_347] {strides = array<i32>} : memref<128xf32, #tpu.memory_space<vmem>>, vector<16xf32>,
        %mul3A_349 = arith.mulf %get3A_342, %get3A_348 : vector<16xf32>
        %add3A_350 = arith.addf %add3A_336, %mul3A_349 : vector<16xf32>
        %get3A_351 = arith.constant 0 : i32
        %get3A_352 = arith.constant 0 : i32
        %get3A_353 = tpu.memref_slice %arg8[%get3A_351, %add3A_280, %get3A_352] : memref<2x32x128xf32, #tpu.memory_space<vmem>> -> memref<1x1x128xf32, #tpu.memory_space<vmem>>
        %get3A_354 = tpu.memref_squeeze %get3A_353 : memref<1x1x128xf32, #tpu.memory_space<vmem>> -> memref<128xf32, #tpu.memory_space<vmem>>
        %get3A_355 = arith.constant 80 : index
        %get3A_356 = tpu.vector_load %get3A_354[%get3A_355] {strides = array<i32>} : memref<128xf32, #tpu.memory_space<vmem>>, vector<16xf32>,
        %get3A_357 = arith.constant 0 : i32
        %get3A_358 = arith.constant 0 : i32
        %get3A_359 = tpu.memref_slice %arg9[%get3A_357, %add3A_282, %get3A_358] : memref<2x32x128xf32, #tpu.memory_space<vmem>> -> memref<1x1x128xf32, #tpu.memory_space<vmem>>
        %get3A_360 = tpu.memref_squeeze %get3A_359 : memref<1x1x128xf32, #tpu.memory_space<vmem>> -> memref<128xf32, #tpu.memory_space<vmem>>
        %get3A_361 = arith.constant 80 : index
        %get3A_362 = tpu.vector_load %get3A_360[%get3A_361] {strides = array<i32>} : memref<128xf32, #tpu.memory_space<vmem>>, vector<16xf32>,
        %mul3A_363 = arith.mulf %get3A_356, %get3A_362 : vector<16xf32>
        %add3A_364 = arith.addf %add3A_350, %mul3A_363 : vector<16xf32>
        %get3A_365 = arith.constant 0 : i32
        %get3A_366 = arith.constant 0 : i32
        %get3A_367 = tpu.memref_slice %arg8[%get3A_365, %add3A_280, %get3A_366] : memref<2x32x128xf32, #tpu.memory_space<vmem>> -> memref<1x1x128xf32, #tpu.memory_space<vmem>>
        %get3A_368 = tpu.memref_squeeze %get3A_367 : memref<1x1x128xf32, #tpu.memory_space<vmem>> -> memref<128xf32, #tpu.memory_space<vmem>>
        %get3A_369 = arith.constant 96 : index
        %get3A_370 = tpu.vector_load %get3A_368[%get3A_369] {strides = array<i32>} : memref<128xf32, #tpu.memory_space<vmem>>, vector<16xf32>,
        %get3A_371 = arith.constant 0 : i32
        %get3A_372 = arith.constant 0 : i32
        %get3A_373 = tpu.memref_slice %arg9[%get3A_371, %add3A_282, %get3A_372] : memref<2x32x128xf32, #tpu.memory_space<vmem>> -> memref<1x1x128xf32, #tpu.memory_space<vmem>>
        %get3A_374 = tpu.memref_squeeze %get3A_373 : memref<1x1x128xf32, #tpu.memory_space<vmem>> -> memref<128xf32, #tpu.memory_space<vmem>>
        %get3A_375 = arith.constant 96 : index
        %get3A_376 = tpu.vector_load %get3A_374[%get3A_375] {strides = array<i32>} : memref<128xf32, #tpu.memory_space<vmem>>, vector<16xf32>,
        %mul3A_377 = arith.mulf %get3A_370, %get3A_376 : vector<16xf32>
        %add3A_378 = arith.addf %add3A_364, %mul3A_377 : vector<16xf32>
        %get3A_379 = arith.constant 0 : i32
        %get3A_380 = arith.constant 0 : i32
        %get3A_381 = tpu.memref_slice %arg8[%get3A_379, %add3A_280, %get3A_380] : memref<2x32x128xf32, #tpu.memory_space<vmem>> -> memref<1x1x128xf32, #tpu.memory_space<vmem>>
        %get3A_382 = tpu.memref_squeeze %get3A_381 : memref<1x1x128xf32, #tpu.memory_space<vmem>> -> memref<128xf32, #tpu.memory_space<vmem>>
        %get3A_383 = arith.constant 112 : index
        %get3A_384 = tpu.vector_load %get3A_382[%get3A_383] {strides = array<i32>} : memref<128xf32, #tpu.memory_space<vmem>>, vector<16xf32>,
        %get3A_385 = arith.constant 0 : i32
        %get3A_386 = arith.constant 0 : i32
        %get3A_387 = tpu.memref_slice %arg9[%get3A_385, %add3A_282, %get3A_386] : memref<2x32x128xf32, #tpu.memory_space<vmem>> -> memref<1x1x128xf32, #tpu.memory_space<vmem>>
        %get3A_388 = tpu.memref_squeeze %get3A_387 : memref<1x1x128xf32, #tpu.memory_space<vmem>> -> memref<128xf32, #tpu.memory_space<vmem>>
        %get3A_389 = arith.constant 112 : index
        %get3A_390 = tpu.vector_load %get3A_388[%get3A_389] {strides = array<i32>} : memref<128xf32, #tpu.memory_space<vmem>>, vector<16xf32>,
        %mul3A_391 = arith.mulf %get3A_384, %get3A_390 : vector<16xf32>
        %add3A_392 = arith.addf %add3A_378, %mul3A_391 : vector<16xf32>
        %reduce_sum3A = arith.constant true
        %reduce_sum3A_393 = vector.broadcast %reduce_sum3A : i1 to vector<16xi1>
        %reduce_sum3A_394 = tpu.scan <sum>, %add3A_392 masked %reduce_sum3A_393 : vector<16xf32>, vector<16xi1> -> vector<16xf32>
        %reduce_sum3A_395 = vector.extract %reduce_sum3A_394[15] : f32 from vector<16xf32>
        %eq3A_396 = vector.broadcast %scan3A_277 : i32 to vector<16xi32>
        %eq3A_397 = arith.cmpi eq, %iota3A, %eq3A_396 : vector<16xi32>
        %broadcast_in_dim3A_398 = vector.broadcast %reduce_sum3A_395 : f32 to vector<16xf32>
        %select_n3A = arith.select %eq3A_397, %broadcast_in_dim3A_398, %scan3A_278 : vector<16xi1>, vector<16xf32>
        %scan3A_399 = arith.constant 1 : i32
        %scan3A_400 = arith.addi %scan3A_277, %scan3A_399 : i32
        %add3A_401 = arith.constant 0 : i32
        %add3A_402 = arith.addi %add3A_401, %scan3A_400 : i32
        %add3A_403 = arith.constant 0 : i32
        %add3A_404 = arith.addi %add3A_403, %scan3A_400 : i32
        %get3A_405 = arith.constant 0 : i32
        %get3A_406 = arith.constant 0 : i32
        %get3A_407 = tpu.memref_slice %arg8[%get3A_405, %add3A_402, %get3A_406] : memref<2x32x128xf32, #tpu.memory_space<vmem>> -> memref<1x1x128xf32, #tpu.memory_space<vmem>>
        %get3A_408 = tpu.memref_squeeze %get3A_407 : memref<1x1x128xf32, #tpu.memory_space<vmem>> -> memref<128xf32, #tpu.memory_space<vmem>>
        %get3A_409 = arith.constant 0 : index
        %get3A_410 = tpu.vector_load %get3A_408[%get3A_409] {strides = array<i32>} : memref<128xf32, #tpu.memory_space<vmem>>, vector<16xf32>,
        %get3A_411 = arith.constant 0 : i32
        %get3A_412 = arith.constant 0 : i32
        %get3A_413 = tpu.memref_slice %arg9[%get3A_411, %add3A_404, %get3A_412] : memref<2x32x128xf32, #tpu.memory_space<vmem>> -> memref<1x1x128xf32, #tpu.memory_space<vmem>>
        %get3A_414 = tpu.memref_squeeze %get3A_413 : memref<1x1x128xf32, #tpu.memory_space<vmem>> -> memref<128xf32, #tpu.memory_space<vmem>>
        %get3A_415 = arith.constant 0 : index
        %get3A_416 = tpu.vector_load %get3A_414[%get3A_415] {strides = array<i32>} : memref<128xf32, #tpu.memory_space<vmem>>, vector<16xf32>,
        %mul3A_417 = arith.mulf %get3A_410, %get3A_416 : vector<16xf32>
        %get3A_418 = arith.constant 0 : i32
        %get3A_419 = arith.constant 0 : i32
        %get3A_420 = tpu.memref_slice %arg8[%get3A_418, %add3A_402, %get3A_419] : memref<2x32x128xf32, #tpu.memory_space<vmem>> -> memref<1x1x128xf32, #tpu.memory_space<vmem>>
        %get3A_421 = tpu.memref_squeeze %get3A_420 : memref<1x1x128xf32, #tpu.memory_space<vmem>> -> memref<128xf32, #tpu.memory_space<vmem>>
        %get3A_422 = arith.constant 16 : index
        %get3A_423 = tpu.vector_load %get3A_421[%get3A_422] {strides = array<i32>} : memref<128xf32, #tpu.memory_space<vmem>>, vector<16xf32>,
        %get3A_424 = arith.constant 0 : i32
        %get3A_425 = arith.constant 0 : i32
        %get3A_426 = tpu.memref_slice %arg9[%get3A_424, %add3A_404, %get3A_425] : memref<2x32x128xf32, #tpu.memory_space<vmem>> -> memref<1x1x128xf32, #tpu.memory_space<vmem>>
        %get3A_427 = tpu.memref_squeeze %get3A_426 : memref<1x1x128xf32, #tpu.memory_space<vmem>> -> memref<128xf32, #tpu.memory_space<vmem>>
        %get3A_428 = arith.constant 16 : index
        %get3A_429 = tpu.vector_load %get3A_427[%get3A_428] {strides = array<i32>} : memref<128xf32, #tpu.memory_space<vmem>>, vector<16xf32>,
        %mul3A_430 = arith.mulf %get3A_423, %get3A_429 : vector<16xf32>
        %add3A_431 = arith.addf %mul3A_417, %mul3A_430 : vector<16xf32>
        %get3A_432 = arith.constant 0 : i32
        %get3A_433 = arith.constant 0 : i32
        %get3A_434 = tpu.memref_slice %arg8[%get3A_432, %add3A_402, %get3A_433] : memref<2x32x128xf32, #tpu.memory_space<vmem>> -> memref<1x1x128xf32, #tpu.memory_space<vmem>>
        %get3A_435 = tpu.memref_squeeze %get3A_434 : memref<1x1x128xf32, #tpu.memory_space<vmem>> -> memref<128xf32, #tpu.memory_space<vmem>>
        %get3A_436 = arith.constant 32 : index
        %get3A_437 = tpu.vector_load %get3A_435[%get3A_436] {strides = array<i32>} : memref<128xf32, #tpu.memory_space<vmem>>, vector<16xf32>,
        %get3A_438 = arith.constant 0 : i32
        %get3A_439 = arith.constant 0 : i32
        %get3A_440 = tpu.memref_slice %arg9[%get3A_438, %add3A_404, %get3A_439] : memref<2x32x128xf32, #tpu.memory_space<vmem>> -> memref<1x1x128xf32, #tpu.memory_space<vmem>>
        %get3A_441 = tpu.memref_squeeze %get3A_440 : memref<1x1x128xf32, #tpu.memory_space<vmem>> -> memref<128xf32, #tpu.memory_space<vmem>>
        %get3A_442 = arith.constant 32 : index
        %get3A_443 = tpu.vector_load %get3A_441[%get3A_442] {strides = array<i32>} : memref<128xf32, #tpu.memory_space<vmem>>, vector<16xf32>,
        %mul3A_444 = arith.mulf %get3A_437, %get3A_443 : vector<16xf32>
        %add3A_445 = arith.addf %add3A_431, %mul3A_444 : vector<16xf32>
        %get3A_446 = arith.constant 0 : i32
        %get3A_447 = arith.constant 0 : i32
        %get3A_448 = tpu.memref_slice %arg8[%get3A_446, %add3A_402, %get3A_447] : memref<2x32x128xf32, #tpu.memory_space<vmem>> -> memref<1x1x128xf32, #tpu.memory_space<vmem>>
        %get3A_449 = tpu.memref_squeeze %get3A_448 : memref<1x1x128xf32, #tpu.memory_space<vmem>> -> memref<128xf32, #tpu.memory_space<vmem>>
        %get3A_450 = arith.constant 48 : index
        %get3A_451 = tpu.vector_load %get3A_449[%get3A_450] {strides = array<i32>} : memref<128xf32, #tpu.memory_space<vmem>>, vector<16xf32>,
        %get3A_452 = arith.constant 0 : i32
        %get3A_453 = arith.constant 0 : i32
        %get3A_454 = tpu.memref_slice %arg9[%get3A_452, %add3A_404, %get3A_453] : memref<2x32x128xf32, #tpu.memory_space<vmem>> -> memref<1x1x128xf32, #tpu.memory_space<vmem>>
        %get3A_455 = tpu.memref_squeeze %get3A_454 : memref<1x1x128xf32, #tpu.memory_space<vmem>> -> memref<128xf32, #tpu.memory_space<vmem>>
        %get3A_456 = arith.constant 48 : index
        %get3A_457 = tpu.vector_load %get3A_455[%get3A_456] {strides = array<i32>} : memref<128xf32, #tpu.memory_space<vmem>>, vector<16xf32>,
        %mul3A_458 = arith.mulf %get3A_451, %get3A_457 : vector<16xf32>
        %add3A_459 = arith.addf %add3A_445, %mul3A_458 : vector<16xf32>
        %get3A_460 = arith.constant 0 : i32
        %get3A_461 = arith.constant 0 : i32
        %get3A_462 = tpu.memref_slice %arg8[%get3A_460, %add3A_402, %get3A_461] : memref<2x32x128xf32, #tpu.memory_space<vmem>> -> memref<1x1x128xf32, #tpu.memory_space<vmem>>
        %get3A_463 = tpu.memref_squeeze %get3A_462 : memref<1x1x128xf32, #tpu.memory_space<vmem>> -> memref<128xf32, #tpu.memory_space<vmem>>
        %get3A_464 = arith.constant 64 : index
        %get3A_465 = tpu.vector_load %get3A_463[%get3A_464] {strides = array<i32>} : memref<128xf32, #tpu.memory_space<vmem>>, vector<16xf32>,
        %get3A_466 = arith.constant 0 : i32
        %get3A_467 = arith.constant 0 : i32
        %get3A_468 = tpu.memref_slice %arg9[%get3A_466, %add3A_404, %get3A_467] : memref<2x32x128xf32, #tpu.memory_space<vmem>> -> memref<1x1x128xf32, #tpu.memory_space<vmem>>
        %get3A_469 = tpu.memref_squeeze %get3A_468 : memref<1x1x128xf32, #tpu.memory_space<vmem>> -> memref<128xf32, #tpu.memory_space<vmem>>
        %get3A_470 = arith.constant 64 : index
        %get3A_471 = tpu.vector_load %get3A_469[%get3A_470] {strides = array<i32>} : memref<128xf32, #tpu.memory_space<vmem>>, vector<16xf32>,
        %mul3A_472 = arith.mulf %get3A_465, %get3A_471 : vector<16xf32>
        %add3A_473 = arith.addf %add3A_459, %mul3A_472 : vector<16xf32>
        %get3A_474 = arith.constant 0 : i32
        %get3A_475 = arith.constant 0 : i32
        %get3A_476 = tpu.memref_slice %arg8[%get3A_474, %add3A_402, %get3A_475] : memref<2x32x128xf32, #tpu.memory_space<vmem>> -> memref<1x1x128xf32, #tpu.memory_space<vmem>>
        %get3A_477 = tpu.memref_squeeze %get3A_476 : memref<1x1x128xf32, #tpu.memory_space<vmem>> -> memref<128xf32, #tpu.memory_space<vmem>>
        %get3A_478 = arith.constant 80 : index
        %get3A_479 = tpu.vector_load %get3A_477[%get3A_478] {strides = array<i32>} : memref<128xf32, #tpu.memory_space<vmem>>, vector<16xf32>,
        %get3A_480 = arith.constant 0 : i32
        %get3A_481 = arith.constant 0 : i32
        %get3A_482 = tpu.memref_slice %arg9[%get3A_480, %add3A_404, %get3A_481] : memref<2x32x128xf32, #tpu.memory_space<vmem>> -> memref<1x1x128xf32, #tpu.memory_space<vmem>>
        %get3A_483 = tpu.memref_squeeze %get3A_482 : memref<1x1x128xf32, #tpu.memory_space<vmem>> -> memref<128xf32, #tpu.memory_space<vmem>>
        %get3A_484 = arith.constant 80 : index
        %get3A_485 = tpu.vector_load %get3A_483[%get3A_484] {strides = array<i32>} : memref<128xf32, #tpu.memory_space<vmem>>, vector<16xf32>,
        %mul3A_486 = arith.mulf %get3A_479, %get3A_485 : vector<16xf32>
        %add3A_487 = arith.addf %add3A_473, %mul3A_486 : vector<16xf32>
        %get3A_488 = arith.constant 0 : i32
        %get3A_489 = arith.constant 0 : i32
        %get3A_490 = tpu.memref_slice %arg8[%get3A_488, %add3A_402, %get3A_489] : memref<2x32x128xf32, #tpu.memory_space<vmem>> -> memref<1x1x128xf32, #tpu.memory_space<vmem>>
        %get3A_491 = tpu.memref_squeeze %get3A_490 : memref<1x1x128xf32, #tpu.memory_space<vmem>> -> memref<128xf32, #tpu.memory_space<vmem>>
        %get3A_492 = arith.constant 96 : index
        %get3A_493 = tpu.vector_load %get3A_491[%get3A_492] {strides = array<i32>} : memref<128xf32, #tpu.memory_space<vmem>>, vector<16xf32>,
        %get3A_494 = arith.constant 0 : i32
        %get3A_495 = arith.constant 0 : i32
        %get3A_496 = tpu.memref_slice %arg9[%get3A_494, %add3A_404, %get3A_495] : memref<2x32x128xf32, #tpu.memory_space<vmem>> -> memref<1x1x128xf32, #tpu.memory_space<vmem>>
        %get3A_497 = tpu.memref_squeeze %get3A_496 : memref<1x1x128xf32, #tpu.memory_space<vmem>> -> memref<128xf32, #tpu.memory_space<vmem>>
        %get3A_498 = arith.constant 96 : index
        %get3A_499 = tpu.vector_load %get3A_497[%get3A_498] {strides = array<i32>} : memref<128xf32, #tpu.memory_space<vmem>>, vector<16xf32>,
        %mul3A_500 = arith.mulf %get3A_493, %get3A_499 : vector<16xf32>
        %add3A_501 = arith.addf %add3A_487, %mul3A_500 : vector<16xf32>
        %get3A_502 = arith.constant 0 : i32
        %get3A_503 = arith.constant 0 : i32
        %get3A_504 = tpu.memref_slice %arg8[%get3A_502, %add3A_402, %get3A_503] : memref<2x32x128xf32, #tpu.memory_space<vmem>> -> memref<1x1x128xf32, #tpu.memory_space<vmem>>
        %get3A_505 = tpu.memref_squeeze %get3A_504 : memref<1x1x128xf32, #tpu.memory_space<vmem>> -> memref<128xf32, #tpu.memory_space<vmem>>
        %get3A_506 = arith.constant 112 : index
        %get3A_507 = tpu.vector_load %get3A_505[%get3A_506] {strides = array<i32>} : memref<128xf32, #tpu.memory_space<vmem>>, vector<16xf32>,
        %get3A_508 = arith.constant 0 : i32
        %get3A_509 = arith.constant 0 : i32
        %get3A_510 = tpu.memref_slice %arg9[%get3A_508, %add3A_404, %get3A_509] : memref<2x32x128xf32, #tpu.memory_space<vmem>> -> memref<1x1x128xf32, #tpu.memory_space<vmem>>
        %get3A_511 = tpu.memref_squeeze %get3A_510 : memref<1x1x128xf32, #tpu.memory_space<vmem>> -> memref<128xf32, #tpu.memory_space<vmem>>
        %get3A_512 = arith.constant 112 : index
        %get3A_513 = tpu.vector_load %get3A_511[%get3A_512] {strides = array<i32>} : memref<128xf32, #tpu.memory_space<vmem>>, vector<16xf32>,
        %mul3A_514 = arith.mulf %get3A_507, %get3A_513 : vector<16xf32>
        %add3A_515 = arith.addf %add3A_501, %mul3A_514 : vector<16xf32>
        %reduce_sum3A_516 = arith.constant true
        %reduce_sum3A_517 = vector.broadcast %reduce_sum3A_516 : i1 to vector<16xi1>
        %reduce_sum3A_518 = tpu.scan <sum>, %add3A_515 masked %reduce_sum3A_517 : vector<16xf32>, vector<16xi1> -> vector<16xf32>
        %reduce_sum3A_519 = vector.extract %reduce_sum3A_518[15] : f32 from vector<16xf32>
        %eq3A_520 = vector.broadcast %scan3A_400 : i32 to vector<16xi32>
        %eq3A_521 = arith.cmpi eq, %iota3A, %eq3A_520 : vector<16xi32>
        %broadcast_in_dim3A_522 = vector.broadcast %reduce_sum3A_519 : f32 to vector<16xf32>
        %select_n3A_523 = arith.select %eq3A_521, %broadcast_in_dim3A_522, %select_n3A : vector<16xi1>, vector<16xf32>
        scf.yield %select_n3A_523 : vector<16xf32>
      }
      %scan3A_151 = arith.constant 16 : i32
      %neg3A_152 = arith.constant 0.000000e+00 : f32
      %neg3A_153 = vector.broadcast %neg3A_152 : f32 to vector<16xf32>
      %neg3A_154 = arith.subf %neg3A_153, %scan3A_150 : vector<16xf32>
      %exp3A_155 = math.exp %neg3A_154 : vector<16xf32>
      %add3A_156 = arith.constant 1.000000e+00 : f32
      %add3A_157 = vector.broadcast %add3A_156 : f32 to vector<16xf32>
      %add3A_158 = arith.addf %add3A_157, %exp3A_155 : vector<16xf32>
      %div3A_159 = arith.constant 1.000000e+00 : f32
      %div3A_160 = vector.broadcast %div3A_159 : f32 to vector<16xf32>
      %div3A_161 = arith.divf %div3A_160, %add3A_158 : vector<16xf32>
      %mul3A_162 = arith.constant 32 : i32
      %mul3A_163 = arith.muli %add3A_109, %mul3A_162 : i32
      %add3A_164 = arith.constant 0 : i32
      %add3A_165 = arith.addi %mul3A_163, %add3A_164 : i32
      %swap3A_166 = arith.index_cast %add3A_165 : i32 to index
      %swap3A_167 = tpu.vector_load %arg10[%swap3A_166] {strides = array<i32>} : memref<10000xf32, #tpu.memory_space<vmem>>, vector<16xf32>,
      tpu.vector_store %arg10[%swap3A_166], %div3A_161 {strides = array<i32>} : memref<10000xf32, #tpu.memory_space<vmem>>, vector<16xf32>,
      %broadcast_in_dim3A_168 = arith.constant 0.000000e+00 : f32
      %broadcast_in_dim3A_169 = vector.broadcast %broadcast_in_dim3A_168 : f32 to vector<16xf32>
      %scan3A_170 = arith.constant 0 : i32
      %scan3A_171 = arith.constant 16 : i32
      %scan3A_172 = arith.addi %scan3A_170, %scan3A_171 : i32
      %scan3A_173 = arith.constant 2 : i32
      %scan3A_174 = scf.for %scan3A_277 = %scan3A_170 to %scan3A_172 step %scan3A_173 iter_args(%scan3A_278 = %broadcast_in_dim3A_169) -> (vector<16xf32>)  : i32 {
        %add3A_279 = arith.constant 16 : i32
        %add3A_280 = arith.addi %add3A_279, %scan3A_277 : i32
        %add3A_281 = arith.constant 16 : i32
        %add3A_282 = arith.addi %add3A_281, %scan3A_277 : i32
        %get3A = arith.constant 0 : i32
        %get3A_283 = arith.constant 0 : i32
        %get3A_284 = tpu.memref_slice %arg8[%get3A, %add3A_280, %get3A_283] : memref<2x32x128xf32, #tpu.memory_space<vmem>> -> memref<1x1x128xf32, #tpu.memory_space<vmem>>
        %get3A_285 = tpu.memref_squeeze %get3A_284 : memref<1x1x128xf32, #tpu.memory_space<vmem>> -> memref<128xf32, #tpu.memory_space<vmem>>
        %get3A_286 = arith.constant 0 : index
        %get3A_287 = tpu.vector_load %get3A_285[%get3A_286] {strides = array<i32>} : memref<128xf32, #tpu.memory_space<vmem>>, vector<16xf32>,
        %get3A_288 = arith.constant 0 : i32
        %get3A_289 = arith.constant 0 : i32
        %get3A_290 = tpu.memref_slice %arg9[%get3A_288, %add3A_282, %get3A_289] : memref<2x32x128xf32, #tpu.memory_space<vmem>> -> memref<1x1x128xf32, #tpu.memory_space<vmem>>
        %get3A_291 = tpu.memref_squeeze %get3A_290 : memref<1x1x128xf32, #tpu.memory_space<vmem>> -> memref<128xf32, #tpu.memory_space<vmem>>
        %get3A_292 = arith.constant 0 : index
        %get3A_293 = tpu.vector_load %get3A_291[%get3A_292] {strides = array<i32>} : memref<128xf32, #tpu.memory_space<vmem>>, vector<16xf32>,
        %mul3A_294 = arith.mulf %get3A_287, %get3A_293 : vector<16xf32>
        %get3A_295 = arith.constant 0 : i32
        %get3A_296 = arith.constant 0 : i32
        %get3A_297 = tpu.memref_slice %arg8[%get3A_295, %add3A_280, %get3A_296] : memref<2x32x128xf32, #tpu.memory_space<vmem>> -> memref<1x1x128xf32, #tpu.memory_space<vmem>>
        %get3A_298 = tpu.memref_squeeze %get3A_297 : memref<1x1x128xf32, #tpu.memory_space<vmem>> -> memref<128xf32, #tpu.memory_space<vmem>>
        %get3A_299 = arith.constant 16 : index
        %get3A_300 = tpu.vector_load %get3A_298[%get3A_299] {strides = array<i32>} : memref<128xf32, #tpu.memory_space<vmem>>, vector<16xf32>,
        %get3A_301 = arith.constant 0 : i32
        %get3A_302 = arith.constant 0 : i32
        %get3A_303 = tpu.memref_slice %arg9[%get3A_301, %add3A_282, %get3A_302] : memref<2x32x128xf32, #tpu.memory_space<vmem>> -> memref<1x1x128xf32, #tpu.memory_space<vmem>>
        %get3A_304 = tpu.memref_squeeze %get3A_303 : memref<1x1x128xf32, #tpu.memory_space<vmem>> -> memref<128xf32, #tpu.memory_space<vmem>>
        %get3A_305 = arith.constant 16 : index
        %get3A_306 = tpu.vector_load %get3A_304[%get3A_305] {strides = array<i32>} : memref<128xf32, #tpu.memory_space<vmem>>, vector<16xf32>,
        %mul3A_307 = arith.mulf %get3A_300, %get3A_306 : vector<16xf32>
        %add3A_308 = arith.addf %mul3A_294, %mul3A_307 : vector<16xf32>
        %get3A_309 = arith.constant 0 : i32
        %get3A_310 = arith.constant 0 : i32
        %get3A_311 = tpu.memref_slice %arg8[%get3A_309, %add3A_280, %get3A_310] : memref<2x32x128xf32, #tpu.memory_space<vmem>> -> memref<1x1x128xf32, #tpu.memory_space<vmem>>
        %get3A_312 = tpu.memref_squeeze %get3A_311 : memref<1x1x128xf32, #tpu.memory_space<vmem>> -> memref<128xf32, #tpu.memory_space<vmem>>
        %get3A_313 = arith.constant 32 : index
        %get3A_314 = tpu.vector_load %get3A_312[%get3A_313] {strides = array<i32>} : memref<128xf32, #tpu.memory_space<vmem>>, vector<16xf32>,
        %get3A_315 = arith.constant 0 : i32
        %get3A_316 = arith.constant 0 : i32
        %get3A_317 = tpu.memref_slice %arg9[%get3A_315, %add3A_282, %get3A_316] : memref<2x32x128xf32, #tpu.memory_space<vmem>> -> memref<1x1x128xf32, #tpu.memory_space<vmem>>
        %get3A_318 = tpu.memref_squeeze %get3A_317 : memref<1x1x128xf32, #tpu.memory_space<vmem>> -> memref<128xf32, #tpu.memory_space<vmem>>
        %get3A_319 = arith.constant 32 : index
        %get3A_320 = tpu.vector_load %get3A_318[%get3A_319] {strides = array<i32>} : memref<128xf32, #tpu.memory_space<vmem>>, vector<16xf32>,
        %mul3A_321 = arith.mulf %get3A_314, %get3A_320 : vector<16xf32>
        %add3A_322 = arith.addf %add3A_308, %mul3A_321 : vector<16xf32>
        %get3A_323 = arith.constant 0 : i32
        %get3A_324 = arith.constant 0 : i32
        %get3A_325 = tpu.memref_slice %arg8[%get3A_323, %add3A_280, %get3A_324] : memref<2x32x128xf32, #tpu.memory_space<vmem>> -> memref<1x1x128xf32, #tpu.memory_space<vmem>>
        %get3A_326 = tpu.memref_squeeze %get3A_325 : memref<1x1x128xf32, #tpu.memory_space<vmem>> -> memref<128xf32, #tpu.memory_space<vmem>>
        %get3A_327 = arith.constant 48 : index
        %get3A_328 = tpu.vector_load %get3A_326[%get3A_327] {strides = array<i32>} : memref<128xf32, #tpu.memory_space<vmem>>, vector<16xf32>,
        %get3A_329 = arith.constant 0 : i32
        %get3A_330 = arith.constant 0 : i32
        %get3A_331 = tpu.memref_slice %arg9[%get3A_329, %add3A_282, %get3A_330] : memref<2x32x128xf32, #tpu.memory_space<vmem>> -> memref<1x1x128xf32, #tpu.memory_space<vmem>>
        %get3A_332 = tpu.memref_squeeze %get3A_331 : memref<1x1x128xf32, #tpu.memory_space<vmem>> -> memref<128xf32, #tpu.memory_space<vmem>>
        %get3A_333 = arith.constant 48 : index
        %get3A_334 = tpu.vector_load %get3A_332[%get3A_333] {strides = array<i32>} : memref<128xf32, #tpu.memory_space<vmem>>, vector<16xf32>,
        %mul3A_335 = arith.mulf %get3A_328, %get3A_334 : vector<16xf32>
        %add3A_336 = arith.addf %add3A_322, %mul3A_335 : vector<16xf32>
        %get3A_337 = arith.constant 0 : i32
        %get3A_338 = arith.constant 0 : i32
        %get3A_339 = tpu.memref_slice %arg8[%get3A_337, %add3A_280, %get3A_338] : memref<2x32x128xf32, #tpu.memory_space<vmem>> -> memref<1x1x128xf32, #tpu.memory_space<vmem>>
        %get3A_340 = tpu.memref_squeeze %get3A_339 : memref<1x1x128xf32, #tpu.memory_space<vmem>> -> memref<128xf32, #tpu.memory_space<vmem>>
        %get3A_341 = arith.constant 64 : index
        %get3A_342 = tpu.vector_load %get3A_340[%get3A_341] {strides = array<i32>} : memref<128xf32, #tpu.memory_space<vmem>>, vector<16xf32>,
        %get3A_343 = arith.constant 0 : i32
        %get3A_344 = arith.constant 0 : i32
        %get3A_345 = tpu.memref_slice %arg9[%get3A_343, %add3A_282, %get3A_344] : memref<2x32x128xf32, #tpu.memory_space<vmem>> -> memref<1x1x128xf32, #tpu.memory_space<vmem>>
        %get3A_346 = tpu.memref_squeeze %get3A_345 : memref<1x1x128xf32, #tpu.memory_space<vmem>> -> memref<128xf32, #tpu.memory_space<vmem>>
        %get3A_347 = arith.constant 64 : index
        %get3A_348 = tpu.vector_load %get3A_346[%get3A_347] {strides = array<i32>} : memref<128xf32, #tpu.memory_space<vmem>>, vector<16xf32>,
        %mul3A_349 = arith.mulf %get3A_342, %get3A_348 : vector<16xf32>
        %add3A_350 = arith.addf %add3A_336, %mul3A_349 : vector<16xf32>
        %get3A_351 = arith.constant 0 : i32
        %get3A_352 = arith.constant 0 : i32
        %get3A_353 = tpu.memref_slice %arg8[%get3A_351, %add3A_280, %get3A_352] : memref<2x32x128xf32, #tpu.memory_space<vmem>> -> memref<1x1x128xf32, #tpu.memory_space<vmem>>
        %get3A_354 = tpu.memref_squeeze %get3A_353 : memref<1x1x128xf32, #tpu.memory_space<vmem>> -> memref<128xf32, #tpu.memory_space<vmem>>
        %get3A_355 = arith.constant 80 : index
        %get3A_356 = tpu.vector_load %get3A_354[%get3A_355] {strides = array<i32>} : memref<128xf32, #tpu.memory_space<vmem>>, vector<16xf32>,
        %get3A_357 = arith.constant 0 : i32
        %get3A_358 = arith.constant 0 : i32
        %get3A_359 = tpu.memref_slice %arg9[%get3A_357, %add3A_282, %get3A_358] : memref<2x32x128xf32, #tpu.memory_space<vmem>> -> memref<1x1x128xf32, #tpu.memory_space<vmem>>
        %get3A_360 = tpu.memref_squeeze %get3A_359 : memref<1x1x128xf32, #tpu.memory_space<vmem>> -> memref<128xf32, #tpu.memory_space<vmem>>
        %get3A_361 = arith.constant 80 : index
        %get3A_362 = tpu.vector_load %get3A_360[%get3A_361] {strides = array<i32>} : memref<128xf32, #tpu.memory_space<vmem>>, vector<16xf32>,
        %mul3A_363 = arith.mulf %get3A_356, %get3A_362 : vector<16xf32>
        %add3A_364 = arith.addf %add3A_350, %mul3A_363 : vector<16xf32>
        %get3A_365 = arith.constant 0 : i32
        %get3A_366 = arith.constant 0 : i32
        %get3A_367 = tpu.memref_slice %arg8[%get3A_365, %add3A_280, %get3A_366] : memref<2x32x128xf32, #tpu.memory_space<vmem>> -> memref<1x1x128xf32, #tpu.memory_space<vmem>>
        %get3A_368 = tpu.memref_squeeze %get3A_367 : memref<1x1x128xf32, #tpu.memory_space<vmem>> -> memref<128xf32, #tpu.memory_space<vmem>>
        %get3A_369 = arith.constant 96 : index
        %get3A_370 = tpu.vector_load %get3A_368[%get3A_369] {strides = array<i32>} : memref<128xf32, #tpu.memory_space<vmem>>, vector<16xf32>,
        %get3A_371 = arith.constant 0 : i32
        %get3A_372 = arith.constant 0 : i32
        %get3A_373 = tpu.memref_slice %arg9[%get3A_371, %add3A_282, %get3A_372] : memref<2x32x128xf32, #tpu.memory_space<vmem>> -> memref<1x1x128xf32, #tpu.memory_space<vmem>>
        %get3A_374 = tpu.memref_squeeze %get3A_373 : memref<1x1x128xf32, #tpu.memory_space<vmem>> -> memref<128xf32, #tpu.memory_space<vmem>>
        %get3A_375 = arith.constant 96 : index
        %get3A_376 = tpu.vector_load %get3A_374[%get3A_375] {strides = array<i32>} : memref<128xf32, #tpu.memory_space<vmem>>, vector<16xf32>,
        %mul3A_377 = arith.mulf %get3A_370, %get3A_376 : vector<16xf32>
        %add3A_378 = arith.addf %add3A_364, %mul3A_377 : vector<16xf32>
        %get3A_379 = arith.constant 0 : i32
        %get3A_380 = arith.constant 0 : i32
        %get3A_381 = tpu.memref_slice %arg8[%get3A_379, %add3A_280, %get3A_380] : memref<2x32x128xf32, #tpu.memory_space<vmem>> -> memref<1x1x128xf32, #tpu.memory_space<vmem>>
        %get3A_382 = tpu.memref_squeeze %get3A_381 : memref<1x1x128xf32, #tpu.memory_space<vmem>> -> memref<128xf32, #tpu.memory_space<vmem>>
        %get3A_383 = arith.constant 112 : index
        %get3A_384 = tpu.vector_load %get3A_382[%get3A_383] {strides = array<i32>} : memref<128xf32, #tpu.memory_space<vmem>>, vector<16xf32>,
        %get3A_385 = arith.constant 0 : i32
        %get3A_386 = arith.constant 0 : i32
        %get3A_387 = tpu.memref_slice %arg9[%get3A_385, %add3A_282, %get3A_386] : memref<2x32x128xf32, #tpu.memory_space<vmem>> -> memref<1x1x128xf32, #tpu.memory_space<vmem>>
        %get3A_388 = tpu.memref_squeeze %get3A_387 : memref<1x1x128xf32, #tpu.memory_space<vmem>> -> memref<128xf32, #tpu.memory_space<vmem>>
        %get3A_389 = arith.constant 112 : index
        %get3A_390 = tpu.vector_load %get3A_388[%get3A_389] {strides = array<i32>} : memref<128xf32, #tpu.memory_space<vmem>>, vector<16xf32>,
        %mul3A_391 = arith.mulf %get3A_384, %get3A_390 : vector<16xf32>
        %add3A_392 = arith.addf %add3A_378, %mul3A_391 : vector<16xf32>
        %reduce_sum3A = arith.constant true
        %reduce_sum3A_393 = vector.broadcast %reduce_sum3A : i1 to vector<16xi1>
        %reduce_sum3A_394 = tpu.scan <sum>, %add3A_392 masked %reduce_sum3A_393 : vector<16xf32>, vector<16xi1> -> vector<16xf32>
        %reduce_sum3A_395 = vector.extract %reduce_sum3A_394[15] : f32 from vector<16xf32>
        %eq3A_396 = vector.broadcast %scan3A_277 : i32 to vector<16xi32>
        %eq3A_397 = arith.cmpi eq, %iota3A, %eq3A_396 : vector<16xi32>
        %broadcast_in_dim3A_398 = vector.broadcast %reduce_sum3A_395 : f32 to vector<16xf32>
        %select_n3A = arith.select %eq3A_397, %broadcast_in_dim3A_398, %scan3A_278 : vector<16xi1>, vector<16xf32>
        %scan3A_399 = arith.constant 1 : i32
        %scan3A_400 = arith.addi %scan3A_277, %scan3A_399 : i32
        %add3A_401 = arith.constant 16 : i32
        %add3A_402 = arith.addi %add3A_401, %scan3A_400 : i32
        %add3A_403 = arith.constant 16 : i32
        %add3A_404 = arith.addi %add3A_403, %scan3A_400 : i32
        %get3A_405 = arith.constant 0 : i32
        %get3A_406 = arith.constant 0 : i32
        %get3A_407 = tpu.memref_slice %arg8[%get3A_405, %add3A_402, %get3A_406] : memref<2x32x128xf32, #tpu.memory_space<vmem>> -> memref<1x1x128xf32, #tpu.memory_space<vmem>>
        %get3A_408 = tpu.memref_squeeze %get3A_407 : memref<1x1x128xf32, #tpu.memory_space<vmem>> -> memref<128xf32, #tpu.memory_space<vmem>>
        %get3A_409 = arith.constant 0 : index
        %get3A_410 = tpu.vector_load %get3A_408[%get3A_409] {strides = array<i32>} : memref<128xf32, #tpu.memory_space<vmem>>, vector<16xf32>,
        %get3A_411 = arith.constant 0 : i32
        %get3A_412 = arith.constant 0 : i32
        %get3A_413 = tpu.memref_slice %arg9[%get3A_411, %add3A_404, %get3A_412] : memref<2x32x128xf32, #tpu.memory_space<vmem>> -> memref<1x1x128xf32, #tpu.memory_space<vmem>>
        %get3A_414 = tpu.memref_squeeze %get3A_413 : memref<1x1x128xf32, #tpu.memory_space<vmem>> -> memref<128xf32, #tpu.memory_space<vmem>>
        %get3A_415 = arith.constant 0 : index
        %get3A_416 = tpu.vector_load %get3A_414[%get3A_415] {strides = array<i32>} : memref<128xf32, #tpu.memory_space<vmem>>, vector<16xf32>,
        %mul3A_417 = arith.mulf %get3A_410, %get3A_416 : vector<16xf32>
        %get3A_418 = arith.constant 0 : i32
        %get3A_419 = arith.constant 0 : i32
        %get3A_420 = tpu.memref_slice %arg8[%get3A_418, %add3A_402, %get3A_419] : memref<2x32x128xf32, #tpu.memory_space<vmem>> -> memref<1x1x128xf32, #tpu.memory_space<vmem>>
        %get3A_421 = tpu.memref_squeeze %get3A_420 : memref<1x1x128xf32, #tpu.memory_space<vmem>> -> memref<128xf32, #tpu.memory_space<vmem>>
        %get3A_422 = arith.constant 16 : index
        %get3A_423 = tpu.vector_load %get3A_421[%get3A_422] {strides = array<i32>} : memref<128xf32, #tpu.memory_space<vmem>>, vector<16xf32>,
        %get3A_424 = arith.constant 0 : i32
        %get3A_425 = arith.constant 0 : i32
        %get3A_426 = tpu.memref_slice %arg9[%get3A_424, %add3A_404, %get3A_425] : memref<2x32x128xf32, #tpu.memory_space<vmem>> -> memref<1x1x128xf32, #tpu.memory_space<vmem>>
        %get3A_427 = tpu.memref_squeeze %get3A_426 : memref<1x1x128xf32, #tpu.memory_space<vmem>> -> memref<128xf32, #tpu.memory_space<vmem>>
        %get3A_428 = arith.constant 16 : index
        %get3A_429 = tpu.vector_load %get3A_427[%get3A_428] {strides = array<i32>} : memref<128xf32, #tpu.memory_space<vmem>>, vector<16xf32>,
        %mul3A_430 = arith.mulf %get3A_423, %get3A_429 : vector<16xf32>
        %add3A_431 = arith.addf %mul3A_417, %mul3A_430 : vector<16xf32>
        %get3A_432 = arith.constant 0 : i32
        %get3A_433 = arith.constant 0 : i32
        %get3A_434 = tpu.memref_slice %arg8[%get3A_432, %add3A_402, %get3A_433] : memref<2x32x128xf32, #tpu.memory_space<vmem>> -> memref<1x1x128xf32, #tpu.memory_space<vmem>>
        %get3A_435 = tpu.memref_squeeze %get3A_434 : memref<1x1x128xf32, #tpu.memory_space<vmem>> -> memref<128xf32, #tpu.memory_space<vmem>>
        %get3A_436 = arith.constant 32 : index
        %get3A_437 = tpu.vector_load %get3A_435[%get3A_436] {strides = array<i32>} : memref<128xf32, #tpu.memory_space<vmem>>, vector<16xf32>,
        %get3A_438 = arith.constant 0 : i32
        %get3A_439 = arith.constant 0 : i32
        %get3A_440 = tpu.memref_slice %arg9[%get3A_438, %add3A_404, %get3A_439] : memref<2x32x128xf32, #tpu.memory_space<vmem>> -> memref<1x1x128xf32, #tpu.memory_space<vmem>>
        %get3A_441 = tpu.memref_squeeze %get3A_440 : memref<1x1x128xf32, #tpu.memory_space<vmem>> -> memref<128xf32, #tpu.memory_space<vmem>>
        %get3A_442 = arith.constant 32 : index
        %get3A_443 = tpu.vector_load %get3A_441[%get3A_442] {strides = array<i32>} : memref<128xf32, #tpu.memory_space<vmem>>, vector<16xf32>,
        %mul3A_444 = arith.mulf %get3A_437, %get3A_443 : vector<16xf32>
        %add3A_445 = arith.addf %add3A_431, %mul3A_444 : vector<16xf32>
        %get3A_446 = arith.constant 0 : i32
        %get3A_447 = arith.constant 0 : i32
        %get3A_448 = tpu.memref_slice %arg8[%get3A_446, %add3A_402, %get3A_447] : memref<2x32x128xf32, #tpu.memory_space<vmem>> -> memref<1x1x128xf32, #tpu.memory_space<vmem>>
        %get3A_449 = tpu.memref_squeeze %get3A_448 : memref<1x1x128xf32, #tpu.memory_space<vmem>> -> memref<128xf32, #tpu.memory_space<vmem>>
        %get3A_450 = arith.constant 48 : index
        %get3A_451 = tpu.vector_load %get3A_449[%get3A_450] {strides = array<i32>} : memref<128xf32, #tpu.memory_space<vmem>>, vector<16xf32>,
        %get3A_452 = arith.constant 0 : i32
        %get3A_453 = arith.constant 0 : i32
        %get3A_454 = tpu.memref_slice %arg9[%get3A_452, %add3A_404, %get3A_453] : memref<2x32x128xf32, #tpu.memory_space<vmem>> -> memref<1x1x128xf32, #tpu.memory_space<vmem>>
        %get3A_455 = tpu.memref_squeeze %get3A_454 : memref<1x1x128xf32, #tpu.memory_space<vmem>> -> memref<128xf32, #tpu.memory_space<vmem>>
        %get3A_456 = arith.constant 48 : index
        %get3A_457 = tpu.vector_load %get3A_455[%get3A_456] {strides = array<i32>} : memref<128xf32, #tpu.memory_space<vmem>>, vector<16xf32>,
        %mul3A_458 = arith.mulf %get3A_451, %get3A_457 : vector<16xf32>
        %add3A_459 = arith.addf %add3A_445, %mul3A_458 : vector<16xf32>
        %get3A_460 = arith.constant 0 : i32
        %get3A_461 = arith.constant 0 : i32
        %get3A_462 = tpu.memref_slice %arg8[%get3A_460, %add3A_402, %get3A_461] : memref<2x32x128xf32, #tpu.memory_space<vmem>> -> memref<1x1x128xf32, #tpu.memory_space<vmem>>
        %get3A_463 = tpu.memref_squeeze %get3A_462 : memref<1x1x128xf32, #tpu.memory_space<vmem>> -> memref<128xf32, #tpu.memory_space<vmem>>
        %get3A_464 = arith.constant 64 : index
        %get3A_465 = tpu.vector_load %get3A_463[%get3A_464] {strides = array<i32>} : memref<128xf32, #tpu.memory_space<vmem>>, vector<16xf32>,
        %get3A_466 = arith.constant 0 : i32
        %get3A_467 = arith.constant 0 : i32
        %get3A_468 = tpu.memref_slice %arg9[%get3A_466, %add3A_404, %get3A_467] : memref<2x32x128xf32, #tpu.memory_space<vmem>> -> memref<1x1x128xf32, #tpu.memory_space<vmem>>
        %get3A_469 = tpu.memref_squeeze %get3A_468 : memref<1x1x128xf32, #tpu.memory_space<vmem>> -> memref<128xf32, #tpu.memory_space<vmem>>
        %get3A_470 = arith.constant 64 : index
        %get3A_471 = tpu.vector_load %get3A_469[%get3A_470] {strides = array<i32>} : memref<128xf32, #tpu.memory_space<vmem>>, vector<16xf32>,
        %mul3A_472 = arith.mulf %get3A_465, %get3A_471 : vector<16xf32>
        %add3A_473 = arith.addf %add3A_459, %mul3A_472 : vector<16xf32>
        %get3A_474 = arith.constant 0 : i32
        %get3A_475 = arith.constant 0 : i32
        %get3A_476 = tpu.memref_slice %arg8[%get3A_474, %add3A_402, %get3A_475] : memref<2x32x128xf32, #tpu.memory_space<vmem>> -> memref<1x1x128xf32, #tpu.memory_space<vmem>>
        %get3A_477 = tpu.memref_squeeze %get3A_476 : memref<1x1x128xf32, #tpu.memory_space<vmem>> -> memref<128xf32, #tpu.memory_space<vmem>>
        %get3A_478 = arith.constant 80 : index
        %get3A_479 = tpu.vector_load %get3A_477[%get3A_478] {strides = array<i32>} : memref<128xf32, #tpu.memory_space<vmem>>, vector<16xf32>,
        %get3A_480 = arith.constant 0 : i32
        %get3A_481 = arith.constant 0 : i32
        %get3A_482 = tpu.memref_slice %arg9[%get3A_480, %add3A_404, %get3A_481] : memref<2x32x128xf32, #tpu.memory_space<vmem>> -> memref<1x1x128xf32, #tpu.memory_space<vmem>>
        %get3A_483 = tpu.memref_squeeze %get3A_482 : memref<1x1x128xf32, #tpu.memory_space<vmem>> -> memref<128xf32, #tpu.memory_space<vmem>>
        %get3A_484 = arith.constant 80 : index
        %get3A_485 = tpu.vector_load %get3A_483[%get3A_484] {strides = array<i32>} : memref<128xf32, #tpu.memory_space<vmem>>, vector<16xf32>,
        %mul3A_486 = arith.mulf %get3A_479, %get3A_485 : vector<16xf32>
        %add3A_487 = arith.addf %add3A_473, %mul3A_486 : vector<16xf32>
        %get3A_488 = arith.constant 0 : i32
        %get3A_489 = arith.constant 0 : i32
        %get3A_490 = tpu.memref_slice %arg8[%get3A_488, %add3A_402, %get3A_489] : memref<2x32x128xf32, #tpu.memory_space<vmem>> -> memref<1x1x128xf32, #tpu.memory_space<vmem>>
        %get3A_491 = tpu.memref_squeeze %get3A_490 : memref<1x1x128xf32, #tpu.memory_space<vmem>> -> memref<128xf32, #tpu.memory_space<vmem>>
        %get3A_492 = arith.constant 96 : index
        %get3A_493 = tpu.vector_load %get3A_491[%get3A_492] {strides = array<i32>} : memref<128xf32, #tpu.memory_space<vmem>>, vector<16xf32>,
        %get3A_494 = arith.constant 0 : i32
        %get3A_495 = arith.constant 0 : i32
        %get3A_496 = tpu.memref_slice %arg9[%get3A_494, %add3A_404, %get3A_495] : memref<2x32x128xf32, #tpu.memory_space<vmem>> -> memref<1x1x128xf32, #tpu.memory_space<vmem>>
        %get3A_497 = tpu.memref_squeeze %get3A_496 : memref<1x1x128xf32, #tpu.memory_space<vmem>> -> memref<128xf32, #tpu.memory_space<vmem>>
        %get3A_498 = arith.constant 96 : index
        %get3A_499 = tpu.vector_load %get3A_497[%get3A_498] {strides = array<i32>} : memref<128xf32, #tpu.memory_space<vmem>>, vector<16xf32>,
        %mul3A_500 = arith.mulf %get3A_493, %get3A_499 : vector<16xf32>
        %add3A_501 = arith.addf %add3A_487, %mul3A_500 : vector<16xf32>
        %get3A_502 = arith.constant 0 : i32
        %get3A_503 = arith.constant 0 : i32
        %get3A_504 = tpu.memref_slice %arg8[%get3A_502, %add3A_402, %get3A_503] : memref<2x32x128xf32, #tpu.memory_space<vmem>> -> memref<1x1x128xf32, #tpu.memory_space<vmem>>
        %get3A_505 = tpu.memref_squeeze %get3A_504 : memref<1x1x128xf32, #tpu.memory_space<vmem>> -> memref<128xf32, #tpu.memory_space<vmem>>
        %get3A_506 = arith.constant 112 : index
        %get3A_507 = tpu.vector_load %get3A_505[%get3A_506] {strides = array<i32>} : memref<128xf32, #tpu.memory_space<vmem>>, vector<16xf32>,
        %get3A_508 = arith.constant 0 : i32
        %get3A_509 = arith.constant 0 : i32
        %get3A_510 = tpu.memref_slice %arg9[%get3A_508, %add3A_404, %get3A_509] : memref<2x32x128xf32, #tpu.memory_space<vmem>> -> memref<1x1x128xf32, #tpu.memory_space<vmem>>
        %get3A_511 = tpu.memref_squeeze %get3A_510 : memref<1x1x128xf32, #tpu.memory_space<vmem>> -> memref<128xf32, #tpu.memory_space<vmem>>
        %get3A_512 = arith.constant 112 : index
        %get3A_513 = tpu.vector_load %get3A_511[%get3A_512] {strides = array<i32>} : memref<128xf32, #tpu.memory_space<vmem>>, vector<16xf32>,
        %mul3A_514 = arith.mulf %get3A_507, %get3A_513 : vector<16xf32>
        %add3A_515 = arith.addf %add3A_501, %mul3A_514 : vector<16xf32>
        %reduce_sum3A_516 = arith.constant true
        %reduce_sum3A_517 = vector.broadcast %reduce_sum3A_516 : i1 to vector<16xi1>
        %reduce_sum3A_518 = tpu.scan <sum>, %add3A_515 masked %reduce_sum3A_517 : vector<16xf32>, vector<16xi1> -> vector<16xf32>
        %reduce_sum3A_519 = vector.extract %reduce_sum3A_518[15] : f32 from vector<16xf32>
        %eq3A_520 = vector.broadcast %scan3A_400 : i32 to vector<16xi32>
        %eq3A_521 = arith.cmpi eq, %iota3A, %eq3A_520 : vector<16xi32>
        %broadcast_in_dim3A_522 = vector.broadcast %reduce_sum3A_519 : f32 to vector<16xf32>
        %select_n3A_523 = arith.select %eq3A_521, %broadcast_in_dim3A_522, %select_n3A : vector<16xi1>, vector<16xf32>
        scf.yield %select_n3A_523 : vector<16xf32>
      }
      %scan3A_175 = arith.constant 16 : i32
      %neg3A_176 = arith.constant 0.000000e+00 : f32
      %neg3A_177 = vector.broadcast %neg3A_176 : f32 to vector<16xf32>
      %neg3A_178 = arith.subf %neg3A_177, %scan3A_174 : vector<16xf32>
      %exp3A_179 = math.exp %neg3A_178 : vector<16xf32>
      %add3A_180 = arith.constant 1.000000e+00 : f32
      %add3A_181 = vector.broadcast %add3A_180 : f32 to vector<16xf32>
      %add3A_182 = arith.addf %add3A_181, %exp3A_179 : vector<16xf32>
      %div3A_183 = arith.constant 1.000000e+00 : f32
      %div3A_184 = vector.broadcast %div3A_183 : f32 to vector<16xf32>
      %div3A_185 = arith.divf %div3A_184, %add3A_182 : vector<16xf32>
      %mul3A_186 = arith.constant 32 : i32
      %mul3A_187 = arith.muli %add3A_109, %mul3A_186 : i32
      %add3A_188 = arith.constant 16 : i32
      %add3A_189 = arith.addi %mul3A_187, %add3A_188 : i32
      %swap3A_190 = arith.index_cast %add3A_189 : i32 to index
      %swap3A_191 = tpu.vector_load %arg10[%swap3A_190] {strides = array<i32>} : memref<10000xf32, #tpu.memory_space<vmem>>, vector<16xf32>,
      tpu.vector_store %arg10[%swap3A_190], %div3A_185 {strides = array<i32>} : memref<10000xf32, #tpu.memory_space<vmem>>, vector<16xf32>,
      %add3A_192 = arith.constant 1 : i32
      %add3A_193 = arith.addi %mul3A_107, %add3A_192 : i32
      %add3A_194 = arith.constant 1 : i32
      %add3A_195 = arith.addi %add3A_193, %add3A_194 : i32
      %lt3A_196 = arith.constant 312 : i32
      %lt3A_197 = arith.cmpi slt, %add3A_195, %lt3A_196 : i32
      %convert_element_type3A_198 = arith.extui %lt3A_197 : i1 to i32
      %cond3A_199 = arith.constant 0 : i32
      %cond3A_200 = arith.cmpi ne, %convert_element_type3A_198, %cond3A_199 : i32
      scf.if %cond3A_200 {
        %add3A_277 = arith.constant 1 : i32
        %add3A_278 = arith.addi %add3A_193, %add3A_277 : i32
        %mul3A_279 = arith.constant 32 : i32
        %mul3A_280 = arith.muli %add3A_278, %mul3A_279 : i32
        %mul3A_281 = arith.constant 32 : i32
        %mul3A_282 = arith.muli %add3A_278, %mul3A_281 : i32
        %dma_start3A_283 = arith.constant 0 : i32
        %dma_start3A_284 = arith.constant 0 : i32
        %dma_start3A_285 = arith.constant 0 : i32
        %dma_start3A_286 = arith.constant 0 : i32
        %dma_start3A_287 = tpu.memref_slice %arg8[%dma_start3A_283, %dma_start3A_285, %dma_start3A_286] : memref<2x32x128xf32, #tpu.memory_space<vmem>> -> memref<1x32x128xf32, #tpu.memory_space<vmem>>
        %dma_start3A_288 = tpu.memref_squeeze %dma_start3A_287 : memref<1x32x128xf32, #tpu.memory_space<vmem>> -> memref<32x128xf32, #tpu.memory_space<vmem>>
        %dma_start3A_289 = tpu.memref_slice %arg6[%mul3A_280] : memref<10000xi32, #tpu.memory_space<vmem>> -> memref<32xi32, #tpu.memory_space<vmem>>
        %dma_start3A_290 = arith.constant 0 : i32
        %dma_start3A_291 = arith.constant 0 : i32
        %dma_start3A_292 = tpu.memref_slice %arg11[%dma_start3A_290, %dma_start3A_291] : memref<10000x128xf32, #tpu.memory_space<vmem_shared>> -> memref<10000x128xf32, #tpu.memory_space<vmem_shared>>
        %dma_start3A_293 = tpu.memref_slice %arg12[%dma_start3A_284] : memref<2x!tpu.dma_semaphore, #tpu.memory_space<semaphore_mem>> -> memref<1x!tpu.dma_semaphore, #tpu.memory_space<semaphore_mem>>
        %dma_start3A_294 = tpu.memref_squeeze %dma_start3A_293 : memref<1x!tpu.dma_semaphore, #tpu.memory_space<semaphore_mem>> -> memref<!tpu.dma_semaphore, #tpu.memory_space<semaphore_mem>>
        tpu.enqueue_indirect_dma source(%dma_start3A_292 : memref<10000x128xf32, #tpu.memory_space<vmem_shared>>) target(%dma_start3A_288 : memref<32x128xf32, #tpu.memory_space<vmem>>) offsets(%dma_start3A_289 : memref<32xi32, #tpu.memory_space<vmem>>) semaphore(%dma_start3A_294 : memref<!tpu.dma_semaphore, #tpu.memory_space<semaphore_mem>>)
        %dma_start3A_295 = arith.constant 0 : i32
        %dma_start3A_296 = arith.constant 0 : i32
        %dma_start3A_297 = arith.constant 0 : i32
        %dma_start3A_298 = arith.constant 0 : i32
        %dma_start3A_299 = tpu.memref_slice %arg9[%dma_start3A_295, %dma_start3A_297, %dma_start3A_298] : memref<2x32x128xf32, #tpu.memory_space<vmem>> -> memref<1x32x128xf32, #tpu.memory_space<vmem>>
        %dma_start3A_300 = tpu.memref_squeeze %dma_start3A_299 : memref<1x32x128xf32, #tpu.memory_space<vmem>> -> memref<32x128xf32, #tpu.memory_space<vmem>>
        %dma_start3A_301 = tpu.memref_slice %arg7[%mul3A_282] : memref<10000xi32, #tpu.memory_space<vmem>> -> memref<32xi32, #tpu.memory_space<vmem>>
        %dma_start3A_302 = arith.constant 0 : i32
        %dma_start3A_303 = arith.constant 0 : i32
        %dma_start3A_304 = tpu.memref_slice %arg11[%dma_start3A_302, %dma_start3A_303] : memref<10000x128xf32, #tpu.memory_space<vmem_shared>> -> memref<10000x128xf32, #tpu.memory_space<vmem_shared>>
        %dma_start3A_305 = tpu.memref_slice %arg12[%dma_start3A_296] : memref<2x!tpu.dma_semaphore, #tpu.memory_space<semaphore_mem>> -> memref<1x!tpu.dma_semaphore, #tpu.memory_space<semaphore_mem>>
        %dma_start3A_306 = tpu.memref_squeeze %dma_start3A_305 : memref<1x!tpu.dma_semaphore, #tpu.memory_space<semaphore_mem>> -> memref<!tpu.dma_semaphore, #tpu.memory_space<semaphore_mem>>
        tpu.enqueue_indirect_dma source(%dma_start3A_304 : memref<10000x128xf32, #tpu.memory_space<vmem_shared>>) target(%dma_start3A_300 : memref<32x128xf32, #tpu.memory_space<vmem>>) offsets(%dma_start3A_301 : memref<32xi32, #tpu.memory_space<vmem>>) semaphore(%dma_start3A_306 : memref<!tpu.dma_semaphore, #tpu.memory_space<semaphore_mem>>)
      } else {
      }
      %mul3A_201 = arith.constant 32 : i32
      %mul3A_202 = arith.muli %add3A_193, %mul3A_201 : i32
      %mul3A_203 = arith.constant 32 : i32
      %mul3A_204 = arith.muli %add3A_193, %mul3A_203 : i32
      %dma_wait3A_205 = arith.constant 1 : i32
      %dma_wait3A_206 = arith.constant 1 : i32
      %dma_wait3A_207 = arith.constant 0 : i32
      %dma_wait3A_208 = arith.constant 0 : i32
      %dma_wait3A_209 = tpu.memref_slice %arg8[%dma_wait3A_205, %dma_wait3A_207, %dma_wait3A_208] : memref<2x32x128xf32, #tpu.memory_space<vmem>> -> memref<1x32x128xf32, #tpu.memory_space<vmem>>
      %dma_wait3A_210 = tpu.memref_squeeze %dma_wait3A_209 : memref<1x32x128xf32, #tpu.memory_space<vmem>> -> memref<32x128xf32, #tpu.memory_space<vmem>>
      %dma_wait3A_211 = tpu.memref_slice %arg6[%mul3A_202] : memref<10000xi32, #tpu.memory_space<vmem>> -> memref<32xi32, #tpu.memory_space<vmem>>
      %dma_wait3A_212 = arith.constant 0 : i32
      %dma_wait3A_213 = arith.constant 0 : i32
      %dma_wait3A_214 = tpu.memref_slice %arg11[%dma_wait3A_212, %dma_wait3A_213] : memref<10000x128xf32, #tpu.memory_space<vmem_shared>> -> memref<10000x128xf32, #tpu.memory_space<vmem_shared>>
      %dma_wait3A_215 = tpu.memref_slice %arg12[%dma_wait3A_206] : memref<2x!tpu.dma_semaphore, #tpu.memory_space<semaphore_mem>> -> memref<1x!tpu.dma_semaphore, #tpu.memory_space<semaphore_mem>>
      %dma_wait3A_216 = tpu.memref_squeeze %dma_wait3A_215 : memref<1x!tpu.dma_semaphore, #tpu.memory_space<semaphore_mem>> -> memref<!tpu.dma_semaphore, #tpu.memory_space<semaphore_mem>>
      tpu.wait_indirect_dma semaphore(%dma_wait3A_216 : memref<!tpu.dma_semaphore, #tpu.memory_space<semaphore_mem>>) src(%dma_wait3A_214 : memref<10000x128xf32, #tpu.memory_space<vmem_shared>>) dst(%dma_wait3A_210 : memref<32x128xf32, #tpu.memory_space<vmem>>)
      %dma_wait3A_217 = arith.constant 1 : i32
      %dma_wait3A_218 = arith.constant 1 : i32
      %dma_wait3A_219 = arith.constant 0 : i32
      %dma_wait3A_220 = arith.constant 0 : i32
      %dma_wait3A_221 = tpu.memref_slice %arg9[%dma_wait3A_217, %dma_wait3A_219, %dma_wait3A_220] : memref<2x32x128xf32, #tpu.memory_space<vmem>> -> memref<1x32x128xf32, #tpu.memory_space<vmem>>
      %dma_wait3A_222 = tpu.memref_squeeze %dma_wait3A_221 : memref<1x32x128xf32, #tpu.memory_space<vmem>> -> memref<32x128xf32, #tpu.memory_space<vmem>>
      %dma_wait3A_223 = tpu.memref_slice %arg7[%mul3A_204] : memref<10000xi32, #tpu.memory_space<vmem>> -> memref<32xi32, #tpu.memory_space<vmem>>
      %dma_wait3A_224 = arith.constant 0 : i32
      %dma_wait3A_225 = arith.constant 0 : i32
      %dma_wait3A_226 = tpu.memref_slice %arg11[%dma_wait3A_224, %dma_wait3A_225] : memref<10000x128xf32, #tpu.memory_space<vmem_shared>> -> memref<10000x128xf32, #tpu.memory_space<vmem_shared>>
      %dma_wait3A_227 = tpu.memref_slice %arg12[%dma_wait3A_218] : memref<2x!tpu.dma_semaphore, #tpu.memory_space<semaphore_mem>> -> memref<1x!tpu.dma_semaphore, #tpu.memory_space<semaphore_mem>>
      %dma_wait3A_228 = tpu.memref_squeeze %dma_wait3A_227 : memref<1x!tpu.dma_semaphore, #tpu.memory_space<semaphore_mem>> -> memref<!tpu.dma_semaphore, #tpu.memory_space<semaphore_mem>>
      tpu.wait_indirect_dma semaphore(%dma_wait3A_228 : memref<!tpu.dma_semaphore, #tpu.memory_space<semaphore_mem>>) src(%dma_wait3A_226 : memref<10000x128xf32, #tpu.memory_space<vmem_shared>>) dst(%dma_wait3A_222 : memref<32x128xf32, #tpu.memory_space<vmem>>)
      %broadcast_in_dim3A_229 = arith.constant 0.000000e+00 : f32
      %broadcast_in_dim3A_230 = vector.broadcast %broadcast_in_dim3A_229 : f32 to vector<16xf32>
      %scan3A_231 = arith.constant 0 : i32
      %scan3A_232 = arith.constant 16 : i32
      %scan3A_233 = arith.addi %scan3A_231, %scan3A_232 : i32
      %scan3A_234 = arith.constant 2 : i32
      %scan3A_235 = scf.for %scan3A_277 = %scan3A_231 to %scan3A_233 step %scan3A_234 iter_args(%scan3A_278 = %broadcast_in_dim3A_230) -> (vector<16xf32>)  : i32 {
        %add3A_279 = arith.constant 0 : i32
        %add3A_280 = arith.addi %add3A_279, %scan3A_277 : i32
        %add3A_281 = arith.constant 0 : i32
        %add3A_282 = arith.addi %add3A_281, %scan3A_277 : i32
        %get3A = arith.constant 1 : i32
        %get3A_283 = arith.constant 0 : i32
        %get3A_284 = tpu.memref_slice %arg8[%get3A, %add3A_280, %get3A_283] : memref<2x32x128xf32, #tpu.memory_space<vmem>> -> memref<1x1x128xf32, #tpu.memory_space<vmem>>
        %get3A_285 = tpu.memref_squeeze %get3A_284 : memref<1x1x128xf32, #tpu.memory_space<vmem>> -> memref<128xf32, #tpu.memory_space<vmem>>
        %get3A_286 = arith.constant 0 : index
        %get3A_287 = tpu.vector_load %get3A_285[%get3A_286] {strides = array<i32>} : memref<128xf32, #tpu.memory_space<vmem>>, vector<16xf32>,
        %get3A_288 = arith.constant 1 : i32
        %get3A_289 = arith.constant 0 : i32
        %get3A_290 = tpu.memref_slice %arg9[%get3A_288, %add3A_282, %get3A_289] : memref<2x32x128xf32, #tpu.memory_space<vmem>> -> memref<1x1x128xf32, #tpu.memory_space<vmem>>
        %get3A_291 = tpu.memref_squeeze %get3A_290 : memref<1x1x128xf32, #tpu.memory_space<vmem>> -> memref<128xf32, #tpu.memory_space<vmem>>
        %get3A_292 = arith.constant 0 : index
        %get3A_293 = tpu.vector_load %get3A_291[%get3A_292] {strides = array<i32>} : memref<128xf32, #tpu.memory_space<vmem>>, vector<16xf32>,
        %mul3A_294 = arith.mulf %get3A_287, %get3A_293 : vector<16xf32>
        %get3A_295 = arith.constant 1 : i32
        %get3A_296 = arith.constant 0 : i32
        %get3A_297 = tpu.memref_slice %arg8[%get3A_295, %add3A_280, %get3A_296] : memref<2x32x128xf32, #tpu.memory_space<vmem>> -> memref<1x1x128xf32, #tpu.memory_space<vmem>>
        %get3A_298 = tpu.memref_squeeze %get3A_297 : memref<1x1x128xf32, #tpu.memory_space<vmem>> -> memref<128xf32, #tpu.memory_space<vmem>>
        %get3A_299 = arith.constant 16 : index
        %get3A_300 = tpu.vector_load %get3A_298[%get3A_299] {strides = array<i32>} : memref<128xf32, #tpu.memory_space<vmem>>, vector<16xf32>,
        %get3A_301 = arith.constant 1 : i32
        %get3A_302 = arith.constant 0 : i32
        %get3A_303 = tpu.memref_slice %arg9[%get3A_301, %add3A_282, %get3A_302] : memref<2x32x128xf32, #tpu.memory_space<vmem>> -> memref<1x1x128xf32, #tpu.memory_space<vmem>>
        %get3A_304 = tpu.memref_squeeze %get3A_303 : memref<1x1x128xf32, #tpu.memory_space<vmem>> -> memref<128xf32, #tpu.memory_space<vmem>>
        %get3A_305 = arith.constant 16 : index
        %get3A_306 = tpu.vector_load %get3A_304[%get3A_305] {strides = array<i32>} : memref<128xf32, #tpu.memory_space<vmem>>, vector<16xf32>,
        %mul3A_307 = arith.mulf %get3A_300, %get3A_306 : vector<16xf32>
        %add3A_308 = arith.addf %mul3A_294, %mul3A_307 : vector<16xf32>
        %get3A_309 = arith.constant 1 : i32
        %get3A_310 = arith.constant 0 : i32
        %get3A_311 = tpu.memref_slice %arg8[%get3A_309, %add3A_280, %get3A_310] : memref<2x32x128xf32, #tpu.memory_space<vmem>> -> memref<1x1x128xf32, #tpu.memory_space<vmem>>
        %get3A_312 = tpu.memref_squeeze %get3A_311 : memref<1x1x128xf32, #tpu.memory_space<vmem>> -> memref<128xf32, #tpu.memory_space<vmem>>
        %get3A_313 = arith.constant 32 : index
        %get3A_314 = tpu.vector_load %get3A_312[%get3A_313] {strides = array<i32>} : memref<128xf32, #tpu.memory_space<vmem>>, vector<16xf32>,
        %get3A_315 = arith.constant 1 : i32
        %get3A_316 = arith.constant 0 : i32
        %get3A_317 = tpu.memref_slice %arg9[%get3A_315, %add3A_282, %get3A_316] : memref<2x32x128xf32, #tpu.memory_space<vmem>> -> memref<1x1x128xf32, #tpu.memory_space<vmem>>
        %get3A_318 = tpu.memref_squeeze %get3A_317 : memref<1x1x128xf32, #tpu.memory_space<vmem>> -> memref<128xf32, #tpu.memory_space<vmem>>
        %get3A_319 = arith.constant 32 : index
        %get3A_320 = tpu.vector_load %get3A_318[%get3A_319] {strides = array<i32>} : memref<128xf32, #tpu.memory_space<vmem>>, vector<16xf32>,
        %mul3A_321 = arith.mulf %get3A_314, %get3A_320 : vector<16xf32>
        %add3A_322 = arith.addf %add3A_308, %mul3A_321 : vector<16xf32>
        %get3A_323 = arith.constant 1 : i32
        %get3A_324 = arith.constant 0 : i32
        %get3A_325 = tpu.memref_slice %arg8[%get3A_323, %add3A_280, %get3A_324] : memref<2x32x128xf32, #tpu.memory_space<vmem>> -> memref<1x1x128xf32, #tpu.memory_space<vmem>>
        %get3A_326 = tpu.memref_squeeze %get3A_325 : memref<1x1x128xf32, #tpu.memory_space<vmem>> -> memref<128xf32, #tpu.memory_space<vmem>>
        %get3A_327 = arith.constant 48 : index
        %get3A_328 = tpu.vector_load %get3A_326[%get3A_327] {strides = array<i32>} : memref<128xf32, #tpu.memory_space<vmem>>, vector<16xf32>,
        %get3A_329 = arith.constant 1 : i32
        %get3A_330 = arith.constant 0 : i32
        %get3A_331 = tpu.memref_slice %arg9[%get3A_329, %add3A_282, %get3A_330] : memref<2x32x128xf32, #tpu.memory_space<vmem>> -> memref<1x1x128xf32, #tpu.memory_space<vmem>>
        %get3A_332 = tpu.memref_squeeze %get3A_331 : memref<1x1x128xf32, #tpu.memory_space<vmem>> -> memref<128xf32, #tpu.memory_space<vmem>>
        %get3A_333 = arith.constant 48 : index
        %get3A_334 = tpu.vector_load %get3A_332[%get3A_333] {strides = array<i32>} : memref<128xf32, #tpu.memory_space<vmem>>, vector<16xf32>,
        %mul3A_335 = arith.mulf %get3A_328, %get3A_334 : vector<16xf32>
        %add3A_336 = arith.addf %add3A_322, %mul3A_335 : vector<16xf32>
        %get3A_337 = arith.constant 1 : i32
        %get3A_338 = arith.constant 0 : i32
        %get3A_339 = tpu.memref_slice %arg8[%get3A_337, %add3A_280, %get3A_338] : memref<2x32x128xf32, #tpu.memory_space<vmem>> -> memref<1x1x128xf32, #tpu.memory_space<vmem>>
        %get3A_340 = tpu.memref_squeeze %get3A_339 : memref<1x1x128xf32, #tpu.memory_space<vmem>> -> memref<128xf32, #tpu.memory_space<vmem>>
        %get3A_341 = arith.constant 64 : index
        %get3A_342 = tpu.vector_load %get3A_340[%get3A_341] {strides = array<i32>} : memref<128xf32, #tpu.memory_space<vmem>>, vector<16xf32>,
        %get3A_343 = arith.constant 1 : i32
        %get3A_344 = arith.constant 0 : i32
        %get3A_345 = tpu.memref_slice %arg9[%get3A_343, %add3A_282, %get3A_344] : memref<2x32x128xf32, #tpu.memory_space<vmem>> -> memref<1x1x128xf32, #tpu.memory_space<vmem>>
        %get3A_346 = tpu.memref_squeeze %get3A_345 : memref<1x1x128xf32, #tpu.memory_space<vmem>> -> memref<128xf32, #tpu.memory_space<vmem>>
        %get3A_347 = arith.constant 64 : index
        %get3A_348 = tpu.vector_load %get3A_346[%get3A_347] {strides = array<i32>} : memref<128xf32, #tpu.memory_space<vmem>>, vector<16xf32>,
        %mul3A_349 = arith.mulf %get3A_342, %get3A_348 : vector<16xf32>
        %add3A_350 = arith.addf %add3A_336, %mul3A_349 : vector<16xf32>
        %get3A_351 = arith.constant 1 : i32
        %get3A_352 = arith.constant 0 : i32
        %get3A_353 = tpu.memref_slice %arg8[%get3A_351, %add3A_280, %get3A_352] : memref<2x32x128xf32, #tpu.memory_space<vmem>> -> memref<1x1x128xf32, #tpu.memory_space<vmem>>
        %get3A_354 = tpu.memref_squeeze %get3A_353 : memref<1x1x128xf32, #tpu.memory_space<vmem>> -> memref<128xf32, #tpu.memory_space<vmem>>
        %get3A_355 = arith.constant 80 : index
        %get3A_356 = tpu.vector_load %get3A_354[%get3A_355] {strides = array<i32>} : memref<128xf32, #tpu.memory_space<vmem>>, vector<16xf32>,
        %get3A_357 = arith.constant 1 : i32
        %get3A_358 = arith.constant 0 : i32
        %get3A_359 = tpu.memref_slice %arg9[%get3A_357, %add3A_282, %get3A_358] : memref<2x32x128xf32, #tpu.memory_space<vmem>> -> memref<1x1x128xf32, #tpu.memory_space<vmem>>
        %get3A_360 = tpu.memref_squeeze %get3A_359 : memref<1x1x128xf32, #tpu.memory_space<vmem>> -> memref<128xf32, #tpu.memory_space<vmem>>
        %get3A_361 = arith.constant 80 : index
        %get3A_362 = tpu.vector_load %get3A_360[%get3A_361] {strides = array<i32>} : memref<128xf32, #tpu.memory_space<vmem>>, vector<16xf32>,
        %mul3A_363 = arith.mulf %get3A_356, %get3A_362 : vector<16xf32>
        %add3A_364 = arith.addf %add3A_350, %mul3A_363 : vector<16xf32>
        %get3A_365 = arith.constant 1 : i32
        %get3A_366 = arith.constant 0 : i32
        %get3A_367 = tpu.memref_slice %arg8[%get3A_365, %add3A_280, %get3A_366] : memref<2x32x128xf32, #tpu.memory_space<vmem>> -> memref<1x1x128xf32, #tpu.memory_space<vmem>>
        %get3A_368 = tpu.memref_squeeze %get3A_367 : memref<1x1x128xf32, #tpu.memory_space<vmem>> -> memref<128xf32, #tpu.memory_space<vmem>>
        %get3A_369 = arith.constant 96 : index
        %get3A_370 = tpu.vector_load %get3A_368[%get3A_369] {strides = array<i32>} : memref<128xf32, #tpu.memory_space<vmem>>, vector<16xf32>,
        %get3A_371 = arith.constant 1 : i32
        %get3A_372 = arith.constant 0 : i32
        %get3A_373 = tpu.memref_slice %arg9[%get3A_371, %add3A_282, %get3A_372] : memref<2x32x128xf32, #tpu.memory_space<vmem>> -> memref<1x1x128xf32, #tpu.memory_space<vmem>>
        %get3A_374 = tpu.memref_squeeze %get3A_373 : memref<1x1x128xf32, #tpu.memory_space<vmem>> -> memref<128xf32, #tpu.memory_space<vmem>>
        %get3A_375 = arith.constant 96 : index
        %get3A_376 = tpu.vector_load %get3A_374[%get3A_375] {strides = array<i32>} : memref<128xf32, #tpu.memory_space<vmem>>, vector<16xf32>,
        %mul3A_377 = arith.mulf %get3A_370, %get3A_376 : vector<16xf32>
        %add3A_378 = arith.addf %add3A_364, %mul3A_377 : vector<16xf32>
        %get3A_379 = arith.constant 1 : i32
        %get3A_380 = arith.constant 0 : i32
        %get3A_381 = tpu.memref_slice %arg8[%get3A_379, %add3A_280, %get3A_380] : memref<2x32x128xf32, #tpu.memory_space<vmem>> -> memref<1x1x128xf32, #tpu.memory_space<vmem>>
        %get3A_382 = tpu.memref_squeeze %get3A_381 : memref<1x1x128xf32, #tpu.memory_space<vmem>> -> memref<128xf32, #tpu.memory_space<vmem>>
        %get3A_383 = arith.constant 112 : index
        %get3A_384 = tpu.vector_load %get3A_382[%get3A_383] {strides = array<i32>} : memref<128xf32, #tpu.memory_space<vmem>>, vector<16xf32>,
        %get3A_385 = arith.constant 1 : i32
        %get3A_386 = arith.constant 0 : i32
        %get3A_387 = tpu.memref_slice %arg9[%get3A_385, %add3A_282, %get3A_386] : memref<2x32x128xf32, #tpu.memory_space<vmem>> -> memref<1x1x128xf32, #tpu.memory_space<vmem>>
        %get3A_388 = tpu.memref_squeeze %get3A_387 : memref<1x1x128xf32, #tpu.memory_space<vmem>> -> memref<128xf32, #tpu.memory_space<vmem>>
        %get3A_389 = arith.constant 112 : index
        %get3A_390 = tpu.vector_load %get3A_388[%get3A_389] {strides = array<i32>} : memref<128xf32, #tpu.memory_space<vmem>>, vector<16xf32>,
        %mul3A_391 = arith.mulf %get3A_384, %get3A_390 : vector<16xf32>
        %add3A_392 = arith.addf %add3A_378, %mul3A_391 : vector<16xf32>
        %reduce_sum3A = arith.constant true
        %reduce_sum3A_393 = vector.broadcast %reduce_sum3A : i1 to vector<16xi1>
        %reduce_sum3A_394 = tpu.scan <sum>, %add3A_392 masked %reduce_sum3A_393 : vector<16xf32>, vector<16xi1> -> vector<16xf32>
        %reduce_sum3A_395 = vector.extract %reduce_sum3A_394[15] : f32 from vector<16xf32>
        %eq3A_396 = vector.broadcast %scan3A_277 : i32 to vector<16xi32>
        %eq3A_397 = arith.cmpi eq, %iota3A, %eq3A_396 : vector<16xi32>
        %broadcast_in_dim3A_398 = vector.broadcast %reduce_sum3A_395 : f32 to vector<16xf32>
        %select_n3A = arith.select %eq3A_397, %broadcast_in_dim3A_398, %scan3A_278 : vector<16xi1>, vector<16xf32>
        %scan3A_399 = arith.constant 1 : i32
        %scan3A_400 = arith.addi %scan3A_277, %scan3A_399 : i32
        %add3A_401 = arith.constant 0 : i32
        %add3A_402 = arith.addi %add3A_401, %scan3A_400 : i32
        %add3A_403 = arith.constant 0 : i32
        %add3A_404 = arith.addi %add3A_403, %scan3A_400 : i32
        %get3A_405 = arith.constant 1 : i32
        %get3A_406 = arith.constant 0 : i32
        %get3A_407 = tpu.memref_slice %arg8[%get3A_405, %add3A_402, %get3A_406] : memref<2x32x128xf32, #tpu.memory_space<vmem>> -> memref<1x1x128xf32, #tpu.memory_space<vmem>>
        %get3A_408 = tpu.memref_squeeze %get3A_407 : memref<1x1x128xf32, #tpu.memory_space<vmem>> -> memref<128xf32, #tpu.memory_space<vmem>>
        %get3A_409 = arith.constant 0 : index
        %get3A_410 = tpu.vector_load %get3A_408[%get3A_409] {strides = array<i32>} : memref<128xf32, #tpu.memory_space<vmem>>, vector<16xf32>,
        %get3A_411 = arith.constant 1 : i32
        %get3A_412 = arith.constant 0 : i32
        %get3A_413 = tpu.memref_slice %arg9[%get3A_411, %add3A_404, %get3A_412] : memref<2x32x128xf32, #tpu.memory_space<vmem>> -> memref<1x1x128xf32, #tpu.memory_space<vmem>>
        %get3A_414 = tpu.memref_squeeze %get3A_413 : memref<1x1x128xf32, #tpu.memory_space<vmem>> -> memref<128xf32, #tpu.memory_space<vmem>>
        %get3A_415 = arith.constant 0 : index
        %get3A_416 = tpu.vector_load %get3A_414[%get3A_415] {strides = array<i32>} : memref<128xf32, #tpu.memory_space<vmem>>, vector<16xf32>,
        %mul3A_417 = arith.mulf %get3A_410, %get3A_416 : vector<16xf32>
        %get3A_418 = arith.constant 1 : i32
        %get3A_419 = arith.constant 0 : i32
        %get3A_420 = tpu.memref_slice %arg8[%get3A_418, %add3A_402, %get3A_419] : memref<2x32x128xf32, #tpu.memory_space<vmem>> -> memref<1x1x128xf32, #tpu.memory_space<vmem>>
        %get3A_421 = tpu.memref_squeeze %get3A_420 : memref<1x1x128xf32, #tpu.memory_space<vmem>> -> memref<128xf32, #tpu.memory_space<vmem>>
        %get3A_422 = arith.constant 16 : index
        %get3A_423 = tpu.vector_load %get3A_421[%get3A_422] {strides = array<i32>} : memref<128xf32, #tpu.memory_space<vmem>>, vector<16xf32>,
        %get3A_424 = arith.constant 1 : i32
        %get3A_425 = arith.constant 0 : i32
        %get3A_426 = tpu.memref_slice %arg9[%get3A_424, %add3A_404, %get3A_425] : memref<2x32x128xf32, #tpu.memory_space<vmem>> -> memref<1x1x128xf32, #tpu.memory_space<vmem>>
        %get3A_427 = tpu.memref_squeeze %get3A_426 : memref<1x1x128xf32, #tpu.memory_space<vmem>> -> memref<128xf32, #tpu.memory_space<vmem>>
        %get3A_428 = arith.constant 16 : index
        %get3A_429 = tpu.vector_load %get3A_427[%get3A_428] {strides = array<i32>} : memref<128xf32, #tpu.memory_space<vmem>>, vector<16xf32>,
        %mul3A_430 = arith.mulf %get3A_423, %get3A_429 : vector<16xf32>
        %add3A_431 = arith.addf %mul3A_417, %mul3A_430 : vector<16xf32>
        %get3A_432 = arith.constant 1 : i32
        %get3A_433 = arith.constant 0 : i32
        %get3A_434 = tpu.memref_slice %arg8[%get3A_432, %add3A_402, %get3A_433] : memref<2x32x128xf32, #tpu.memory_space<vmem>> -> memref<1x1x128xf32, #tpu.memory_space<vmem>>
        %get3A_435 = tpu.memref_squeeze %get3A_434 : memref<1x1x128xf32, #tpu.memory_space<vmem>> -> memref<128xf32, #tpu.memory_space<vmem>>
        %get3A_436 = arith.constant 32 : index
        %get3A_437 = tpu.vector_load %get3A_435[%get3A_436] {strides = array<i32>} : memref<128xf32, #tpu.memory_space<vmem>>, vector<16xf32>,
        %get3A_438 = arith.constant 1 : i32
        %get3A_439 = arith.constant 0 : i32
        %get3A_440 = tpu.memref_slice %arg9[%get3A_438, %add3A_404, %get3A_439] : memref<2x32x128xf32, #tpu.memory_space<vmem>> -> memref<1x1x128xf32, #tpu.memory_space<vmem>>
        %get3A_441 = tpu.memref_squeeze %get3A_440 : memref<1x1x128xf32, #tpu.memory_space<vmem>> -> memref<128xf32, #tpu.memory_space<vmem>>
        %get3A_442 = arith.constant 32 : index
        %get3A_443 = tpu.vector_load %get3A_441[%get3A_442] {strides = array<i32>} : memref<128xf32, #tpu.memory_space<vmem>>, vector<16xf32>,
        %mul3A_444 = arith.mulf %get3A_437, %get3A_443 : vector<16xf32>
        %add3A_445 = arith.addf %add3A_431, %mul3A_444 : vector<16xf32>
        %get3A_446 = arith.constant 1 : i32
        %get3A_447 = arith.constant 0 : i32
        %get3A_448 = tpu.memref_slice %arg8[%get3A_446, %add3A_402, %get3A_447] : memref<2x32x128xf32, #tpu.memory_space<vmem>> -> memref<1x1x128xf32, #tpu.memory_space<vmem>>
        %get3A_449 = tpu.memref_squeeze %get3A_448 : memref<1x1x128xf32, #tpu.memory_space<vmem>> -> memref<128xf32, #tpu.memory_space<vmem>>
        %get3A_450 = arith.constant 48 : index
        %get3A_451 = tpu.vector_load %get3A_449[%get3A_450] {strides = array<i32>} : memref<128xf32, #tpu.memory_space<vmem>>, vector<16xf32>,
        %get3A_452 = arith.constant 1 : i32
        %get3A_453 = arith.constant 0 : i32
        %get3A_454 = tpu.memref_slice %arg9[%get3A_452, %add3A_404, %get3A_453] : memref<2x32x128xf32, #tpu.memory_space<vmem>> -> memref<1x1x128xf32, #tpu.memory_space<vmem>>
        %get3A_455 = tpu.memref_squeeze %get3A_454 : memref<1x1x128xf32, #tpu.memory_space<vmem>> -> memref<128xf32, #tpu.memory_space<vmem>>
        %get3A_456 = arith.constant 48 : index
        %get3A_457 = tpu.vector_load %get3A_455[%get3A_456] {strides = array<i32>} : memref<128xf32, #tpu.memory_space<vmem>>, vector<16xf32>,
        %mul3A_458 = arith.mulf %get3A_451, %get3A_457 : vector<16xf32>
        %add3A_459 = arith.addf %add3A_445, %mul3A_458 : vector<16xf32>
        %get3A_460 = arith.constant 1 : i32
        %get3A_461 = arith.constant 0 : i32
        %get3A_462 = tpu.memref_slice %arg8[%get3A_460, %add3A_402, %get3A_461] : memref<2x32x128xf32, #tpu.memory_space<vmem>> -> memref<1x1x128xf32, #tpu.memory_space<vmem>>
        %get3A_463 = tpu.memref_squeeze %get3A_462 : memref<1x1x128xf32, #tpu.memory_space<vmem>> -> memref<128xf32, #tpu.memory_space<vmem>>
        %get3A_464 = arith.constant 64 : index
        %get3A_465 = tpu.vector_load %get3A_463[%get3A_464] {strides = array<i32>} : memref<128xf32, #tpu.memory_space<vmem>>, vector<16xf32>,
        %get3A_466 = arith.constant 1 : i32
        %get3A_467 = arith.constant 0 : i32
        %get3A_468 = tpu.memref_slice %arg9[%get3A_466, %add3A_404, %get3A_467] : memref<2x32x128xf32, #tpu.memory_space<vmem>> -> memref<1x1x128xf32, #tpu.memory_space<vmem>>
        %get3A_469 = tpu.memref_squeeze %get3A_468 : memref<1x1x128xf32, #tpu.memory_space<vmem>> -> memref<128xf32, #tpu.memory_space<vmem>>
        %get3A_470 = arith.constant 64 : index
        %get3A_471 = tpu.vector_load %get3A_469[%get3A_470] {strides = array<i32>} : memref<128xf32, #tpu.memory_space<vmem>>, vector<16xf32>,
        %mul3A_472 = arith.mulf %get3A_465, %get3A_471 : vector<16xf32>
        %add3A_473 = arith.addf %add3A_459, %mul3A_472 : vector<16xf32>
        %get3A_474 = arith.constant 1 : i32
        %get3A_475 = arith.constant 0 : i32
        %get3A_476 = tpu.memref_slice %arg8[%get3A_474, %add3A_402, %get3A_475] : memref<2x32x128xf32, #tpu.memory_space<vmem>> -> memref<1x1x128xf32, #tpu.memory_space<vmem>>
        %get3A_477 = tpu.memref_squeeze %get3A_476 : memref<1x1x128xf32, #tpu.memory_space<vmem>> -> memref<128xf32, #tpu.memory_space<vmem>>
        %get3A_478 = arith.constant 80 : index
        %get3A_479 = tpu.vector_load %get3A_477[%get3A_478] {strides = array<i32>} : memref<128xf32, #tpu.memory_space<vmem>>, vector<16xf32>,
        %get3A_480 = arith.constant 1 : i32
        %get3A_481 = arith.constant 0 : i32
        %get3A_482 = tpu.memref_slice %arg9[%get3A_480, %add3A_404, %get3A_481] : memref<2x32x128xf32, #tpu.memory_space<vmem>> -> memref<1x1x128xf32, #tpu.memory_space<vmem>>
        %get3A_483 = tpu.memref_squeeze %get3A_482 : memref<1x1x128xf32, #tpu.memory_space<vmem>> -> memref<128xf32, #tpu.memory_space<vmem>>
        %get3A_484 = arith.constant 80 : index
        %get3A_485 = tpu.vector_load %get3A_483[%get3A_484] {strides = array<i32>} : memref<128xf32, #tpu.memory_space<vmem>>, vector<16xf32>,
        %mul3A_486 = arith.mulf %get3A_479, %get3A_485 : vector<16xf32>
        %add3A_487 = arith.addf %add3A_473, %mul3A_486 : vector<16xf32>
        %get3A_488 = arith.constant 1 : i32
        %get3A_489 = arith.constant 0 : i32
        %get3A_490 = tpu.memref_slice %arg8[%get3A_488, %add3A_402, %get3A_489] : memref<2x32x128xf32, #tpu.memory_space<vmem>> -> memref<1x1x128xf32, #tpu.memory_space<vmem>>
        %get3A_491 = tpu.memref_squeeze %get3A_490 : memref<1x1x128xf32, #tpu.memory_space<vmem>> -> memref<128xf32, #tpu.memory_space<vmem>>
        %get3A_492 = arith.constant 96 : index
        %get3A_493 = tpu.vector_load %get3A_491[%get3A_492] {strides = array<i32>} : memref<128xf32, #tpu.memory_space<vmem>>, vector<16xf32>,
        %get3A_494 = arith.constant 1 : i32
        %get3A_495 = arith.constant 0 : i32
        %get3A_496 = tpu.memref_slice %arg9[%get3A_494, %add3A_404, %get3A_495] : memref<2x32x128xf32, #tpu.memory_space<vmem>> -> memref<1x1x128xf32, #tpu.memory_space<vmem>>
        %get3A_497 = tpu.memref_squeeze %get3A_496 : memref<1x1x128xf32, #tpu.memory_space<vmem>> -> memref<128xf32, #tpu.memory_space<vmem>>
        %get3A_498 = arith.constant 96 : index
        %get3A_499 = tpu.vector_load %get3A_497[%get3A_498] {strides = array<i32>} : memref<128xf32, #tpu.memory_space<vmem>>, vector<16xf32>,
        %mul3A_500 = arith.mulf %get3A_493, %get3A_499 : vector<16xf32>
        %add3A_501 = arith.addf %add3A_487, %mul3A_500 : vector<16xf32>
        %get3A_502 = arith.constant 1 : i32
        %get3A_503 = arith.constant 0 : i32
        %get3A_504 = tpu.memref_slice %arg8[%get3A_502, %add3A_402, %get3A_503] : memref<2x32x128xf32, #tpu.memory_space<vmem>> -> memref<1x1x128xf32, #tpu.memory_space<vmem>>
        %get3A_505 = tpu.memref_squeeze %get3A_504 : memref<1x1x128xf32, #tpu.memory_space<vmem>> -> memref<128xf32, #tpu.memory_space<vmem>>
        %get3A_506 = arith.constant 112 : index
        %get3A_507 = tpu.vector_load %get3A_505[%get3A_506] {strides = array<i32>} : memref<128xf32, #tpu.memory_space<vmem>>, vector<16xf32>,
        %get3A_508 = arith.constant 1 : i32
        %get3A_509 = arith.constant 0 : i32
        %get3A_510 = tpu.memref_slice %arg9[%get3A_508, %add3A_404, %get3A_509] : memref<2x32x128xf32, #tpu.memory_space<vmem>> -> memref<1x1x128xf32, #tpu.memory_space<vmem>>
        %get3A_511 = tpu.memref_squeeze %get3A_510 : memref<1x1x128xf32, #tpu.memory_space<vmem>> -> memref<128xf32, #tpu.memory_space<vmem>>
        %get3A_512 = arith.constant 112 : index
        %get3A_513 = tpu.vector_load %get3A_511[%get3A_512] {strides = array<i32>} : memref<128xf32, #tpu.memory_space<vmem>>, vector<16xf32>,
        %mul3A_514 = arith.mulf %get3A_507, %get3A_513 : vector<16xf32>
        %add3A_515 = arith.addf %add3A_501, %mul3A_514 : vector<16xf32>
        %reduce_sum3A_516 = arith.constant true
        %reduce_sum3A_517 = vector.broadcast %reduce_sum3A_516 : i1 to vector<16xi1>
        %reduce_sum3A_518 = tpu.scan <sum>, %add3A_515 masked %reduce_sum3A_517 : vector<16xf32>, vector<16xi1> -> vector<16xf32>
        %reduce_sum3A_519 = vector.extract %reduce_sum3A_518[15] : f32 from vector<16xf32>
        %eq3A_520 = vector.broadcast %scan3A_400 : i32 to vector<16xi32>
        %eq3A_521 = arith.cmpi eq, %iota3A, %eq3A_520 : vector<16xi32>
        %broadcast_in_dim3A_522 = vector.broadcast %reduce_sum3A_519 : f32 to vector<16xf32>
        %select_n3A_523 = arith.select %eq3A_521, %broadcast_in_dim3A_522, %select_n3A : vector<16xi1>, vector<16xf32>
        scf.yield %select_n3A_523 : vector<16xf32>
      }
      %scan3A_236 = arith.constant 16 : i32
      %neg3A_237 = arith.constant 0.000000e+00 : f32
      %neg3A_238 = vector.broadcast %neg3A_237 : f32 to vector<16xf32>
      %neg3A_239 = arith.subf %neg3A_238, %scan3A_235 : vector<16xf32>
      %exp3A_240 = math.exp %neg3A_239 : vector<16xf32>
      %add3A_241 = arith.constant 1.000000e+00 : f32
      %add3A_242 = vector.broadcast %add3A_241 : f32 to vector<16xf32>
      %add3A_243 = arith.addf %add3A_242, %exp3A_240 : vector<16xf32>
      %div3A_244 = arith.constant 1.000000e+00 : f32
      %div3A_245 = vector.broadcast %div3A_244 : f32 to vector<16xf32>
      %div3A_246 = arith.divf %div3A_245, %add3A_243 : vector<16xf32>
      %mul3A_247 = arith.constant 32 : i32
      %mul3A_248 = arith.muli %add3A_193, %mul3A_247 : i32
      %add3A_249 = arith.constant 0 : i32
      %add3A_250 = arith.addi %mul3A_248, %add3A_249 : i32
      %swap3A_251 = arith.index_cast %add3A_250 : i32 to index
      %swap3A_252 = tpu.vector_load %arg10[%swap3A_251] {strides = array<i32>} : memref<10000xf32, #tpu.memory_space<vmem>>, vector<16xf32>,
      tpu.vector_store %arg10[%swap3A_251], %div3A_246 {strides = array<i32>} : memref<10000xf32, #tpu.memory_space<vmem>>, vector<16xf32>,
      %broadcast_in_dim3A_253 = arith.constant 0.000000e+00 : f32
      %broadcast_in_dim3A_254 = vector.broadcast %broadcast_in_dim3A_253 : f32 to vector<16xf32>
      %scan3A_255 = arith.constant 0 : i32
      %scan3A_256 = arith.constant 16 : i32
      %scan3A_257 = arith.addi %scan3A_255, %scan3A_256 : i32
      %scan3A_258 = arith.constant 2 : i32
      %scan3A_259 = scf.for %scan3A_277 = %scan3A_255 to %scan3A_257 step %scan3A_258 iter_args(%scan3A_278 = %broadcast_in_dim3A_254) -> (vector<16xf32>)  : i32 {
        %add3A_279 = arith.constant 16 : i32
        %add3A_280 = arith.addi %add3A_279, %scan3A_277 : i32
        %add3A_281 = arith.constant 16 : i32
        %add3A_282 = arith.addi %add3A_281, %scan3A_277 : i32
        %get3A = arith.constant 1 : i32
        %get3A_283 = arith.constant 0 : i32
        %get3A_284 = tpu.memref_slice %arg8[%get3A, %add3A_280, %get3A_283] : memref<2x32x128xf32, #tpu.memory_space<vmem>> -> memref<1x1x128xf32, #tpu.memory_space<vmem>>
        %get3A_285 = tpu.memref_squeeze %get3A_284 : memref<1x1x128xf32, #tpu.memory_space<vmem>> -> memref<128xf32, #tpu.memory_space<vmem>>
        %get3A_286 = arith.constant 0 : index
        %get3A_287 = tpu.vector_load %get3A_285[%get3A_286] {strides = array<i32>} : memref<128xf32, #tpu.memory_space<vmem>>, vector<16xf32>,
        %get3A_288 = arith.constant 1 : i32
        %get3A_289 = arith.constant 0 : i32
        %get3A_290 = tpu.memref_slice %arg9[%get3A_288, %add3A_282, %get3A_289] : memref<2x32x128xf32, #tpu.memory_space<vmem>> -> memref<1x1x128xf32, #tpu.memory_space<vmem>>
        %get3A_291 = tpu.memref_squeeze %get3A_290 : memref<1x1x128xf32, #tpu.memory_space<vmem>> -> memref<128xf32, #tpu.memory_space<vmem>>
        %get3A_292 = arith.constant 0 : index
        %get3A_293 = tpu.vector_load %get3A_291[%get3A_292] {strides = array<i32>} : memref<128xf32, #tpu.memory_space<vmem>>, vector<16xf32>,
        %mul3A_294 = arith.mulf %get3A_287, %get3A_293 : vector<16xf32>
        %get3A_295 = arith.constant 1 : i32
        %get3A_296 = arith.constant 0 : i32
        %get3A_297 = tpu.memref_slice %arg8[%get3A_295, %add3A_280, %get3A_296] : memref<2x32x128xf32, #tpu.memory_space<vmem>> -> memref<1x1x128xf32, #tpu.memory_space<vmem>>
        %get3A_298 = tpu.memref_squeeze %get3A_297 : memref<1x1x128xf32, #tpu.memory_space<vmem>> -> memref<128xf32, #tpu.memory_space<vmem>>
        %get3A_299 = arith.constant 16 : index
        %get3A_300 = tpu.vector_load %get3A_298[%get3A_299] {strides = array<i32>} : memref<128xf32, #tpu.memory_space<vmem>>, vector<16xf32>,
        %get3A_301 = arith.constant 1 : i32
        %get3A_302 = arith.constant 0 : i32
        %get3A_303 = tpu.memref_slice %arg9[%get3A_301, %add3A_282, %get3A_302] : memref<2x32x128xf32, #tpu.memory_space<vmem>> -> memref<1x1x128xf32, #tpu.memory_space<vmem>>
        %get3A_304 = tpu.memref_squeeze %get3A_303 : memref<1x1x128xf32, #tpu.memory_space<vmem>> -> memref<128xf32, #tpu.memory_space<vmem>>
        %get3A_305 = arith.constant 16 : index
        %get3A_306 = tpu.vector_load %get3A_304[%get3A_305] {strides = array<i32>} : memref<128xf32, #tpu.memory_space<vmem>>, vector<16xf32>,
        %mul3A_307 = arith.mulf %get3A_300, %get3A_306 : vector<16xf32>
        %add3A_308 = arith.addf %mul3A_294, %mul3A_307 : vector<16xf32>
        %get3A_309 = arith.constant 1 : i32
        %get3A_310 = arith.constant 0 : i32
        %get3A_311 = tpu.memref_slice %arg8[%get3A_309, %add3A_280, %get3A_310] : memref<2x32x128xf32, #tpu.memory_space<vmem>> -> memref<1x1x128xf32, #tpu.memory_space<vmem>>
        %get3A_312 = tpu.memref_squeeze %get3A_311 : memref<1x1x128xf32, #tpu.memory_space<vmem>> -> memref<128xf32, #tpu.memory_space<vmem>>
        %get3A_313 = arith.constant 32 : index
        %get3A_314 = tpu.vector_load %get3A_312[%get3A_313] {strides = array<i32>} : memref<128xf32, #tpu.memory_space<vmem>>, vector<16xf32>,
        %get3A_315 = arith.constant 1 : i32
        %get3A_316 = arith.constant 0 : i32
        %get3A_317 = tpu.memref_slice %arg9[%get3A_315, %add3A_282, %get3A_316] : memref<2x32x128xf32, #tpu.memory_space<vmem>> -> memref<1x1x128xf32, #tpu.memory_space<vmem>>
        %get3A_318 = tpu.memref_squeeze %get3A_317 : memref<1x1x128xf32, #tpu.memory_space<vmem>> -> memref<128xf32, #tpu.memory_space<vmem>>
        %get3A_319 = arith.constant 32 : index
        %get3A_320 = tpu.vector_load %get3A_318[%get3A_319] {strides = array<i32>} : memref<128xf32, #tpu.memory_space<vmem>>, vector<16xf32>,
        %mul3A_321 = arith.mulf %get3A_314, %get3A_320 : vector<16xf32>
        %add3A_322 = arith.addf %add3A_308, %mul3A_321 : vector<16xf32>
        %get3A_323 = arith.constant 1 : i32
        %get3A_324 = arith.constant 0 : i32
        %get3A_325 = tpu.memref_slice %arg8[%get3A_323, %add3A_280, %get3A_324] : memref<2x32x128xf32, #tpu.memory_space<vmem>> -> memref<1x1x128xf32, #tpu.memory_space<vmem>>
        %get3A_326 = tpu.memref_squeeze %get3A_325 : memref<1x1x128xf32, #tpu.memory_space<vmem>> -> memref<128xf32, #tpu.memory_space<vmem>>
        %get3A_327 = arith.constant 48 : index
        %get3A_328 = tpu.vector_load %get3A_326[%get3A_327] {strides = array<i32>} : memref<128xf32, #tpu.memory_space<vmem>>, vector<16xf32>,
        %get3A_329 = arith.constant 1 : i32
        %get3A_330 = arith.constant 0 : i32
        %get3A_331 = tpu.memref_slice %arg9[%get3A_329, %add3A_282, %get3A_330] : memref<2x32x128xf32, #tpu.memory_space<vmem>> -> memref<1x1x128xf32, #tpu.memory_space<vmem>>
        %get3A_332 = tpu.memref_squeeze %get3A_331 : memref<1x1x128xf32, #tpu.memory_space<vmem>> -> memref<128xf32, #tpu.memory_space<vmem>>
        %get3A_333 = arith.constant 48 : index
        %get3A_334 = tpu.vector_load %get3A_332[%get3A_333] {strides = array<i32>} : memref<128xf32, #tpu.memory_space<vmem>>, vector<16xf32>,
        %mul3A_335 = arith.mulf %get3A_328, %get3A_334 : vector<16xf32>
        %add3A_336 = arith.addf %add3A_322, %mul3A_335 : vector<16xf32>
        %get3A_337 = arith.constant 1 : i32
        %get3A_338 = arith.constant 0 : i32
        %get3A_339 = tpu.memref_slice %arg8[%get3A_337, %add3A_280, %get3A_338] : memref<2x32x128xf32, #tpu.memory_space<vmem>> -> memref<1x1x128xf32, #tpu.memory_space<vmem>>
        %get3A_340 = tpu.memref_squeeze %get3A_339 : memref<1x1x128xf32, #tpu.memory_space<vmem>> -> memref<128xf32, #tpu.memory_space<vmem>>
        %get3A_341 = arith.constant 64 : index
        %get3A_342 = tpu.vector_load %get3A_340[%get3A_341] {strides = array<i32>} : memref<128xf32, #tpu.memory_space<vmem>>, vector<16xf32>,
        %get3A_343 = arith.constant 1 : i32
        %get3A_344 = arith.constant 0 : i32
        %get3A_345 = tpu.memref_slice %arg9[%get3A_343, %add3A_282, %get3A_344] : memref<2x32x128xf32, #tpu.memory_space<vmem>> -> memref<1x1x128xf32, #tpu.memory_space<vmem>>
        %get3A_346 = tpu.memref_squeeze %get3A_345 : memref<1x1x128xf32, #tpu.memory_space<vmem>> -> memref<128xf32, #tpu.memory_space<vmem>>
        %get3A_347 = arith.constant 64 : index
        %get3A_348 = tpu.vector_load %get3A_346[%get3A_347] {strides = array<i32>} : memref<128xf32, #tpu.memory_space<vmem>>, vector<16xf32>,
        %mul3A_349 = arith.mulf %get3A_342, %get3A_348 : vector<16xf32>
        %add3A_350 = arith.addf %add3A_336, %mul3A_349 : vector<16xf32>
        %get3A_351 = arith.constant 1 : i32
        %get3A_352 = arith.constant 0 : i32
        %get3A_353 = tpu.memref_slice %arg8[%get3A_351, %add3A_280, %get3A_352] : memref<2x32x128xf32, #tpu.memory_space<vmem>> -> memref<1x1x128xf32, #tpu.memory_space<vmem>>
        %get3A_354 = tpu.memref_squeeze %get3A_353 : memref<1x1x128xf32, #tpu.memory_space<vmem>> -> memref<128xf32, #tpu.memory_space<vmem>>
        %get3A_355 = arith.constant 80 : index
        %get3A_356 = tpu.vector_load %get3A_354[%get3A_355] {strides = array<i32>} : memref<128xf32, #tpu.memory_space<vmem>>, vector<16xf32>,
        %get3A_357 = arith.constant 1 : i32
        %get3A_358 = arith.constant 0 : i32
        %get3A_359 = tpu.memref_slice %arg9[%get3A_357, %add3A_282, %get3A_358] : memref<2x32x128xf32, #tpu.memory_space<vmem>> -> memref<1x1x128xf32, #tpu.memory_space<vmem>>
        %get3A_360 = tpu.memref_squeeze %get3A_359 : memref<1x1x128xf32, #tpu.memory_space<vmem>> -> memref<128xf32, #tpu.memory_space<vmem>>
        %get3A_361 = arith.constant 80 : index
        %get3A_362 = tpu.vector_load %get3A_360[%get3A_361] {strides = array<i32>} : memref<128xf32, #tpu.memory_space<vmem>>, vector<16xf32>,
        %mul3A_363 = arith.mulf %get3A_356, %get3A_362 : vector<16xf32>
        %add3A_364 = arith.addf %add3A_350, %mul3A_363 : vector<16xf32>
        %get3A_365 = arith.constant 1 : i32
        %get3A_366 = arith.constant 0 : i32
        %get3A_367 = tpu.memref_slice %arg8[%get3A_365, %add3A_280, %get3A_366] : memref<2x32x128xf32, #tpu.memory_space<vmem>> -> memref<1x1x128xf32, #tpu.memory_space<vmem>>
        %get3A_368 = tpu.memref_squeeze %get3A_367 : memref<1x1x128xf32, #tpu.memory_space<vmem>> -> memref<128xf32, #tpu.memory_space<vmem>>
        %get3A_369 = arith.constant 96 : index
        %get3A_370 = tpu.vector_load %get3A_368[%get3A_369] {strides = array<i32>} : memref<128xf32, #tpu.memory_space<vmem>>, vector<16xf32>,
        %get3A_371 = arith.constant 1 : i32
        %get3A_372 = arith.constant 0 : i32
        %get3A_373 = tpu.memref_slice %arg9[%get3A_371, %add3A_282, %get3A_372] : memref<2x32x128xf32, #tpu.memory_space<vmem>> -> memref<1x1x128xf32, #tpu.memory_space<vmem>>
        %get3A_374 = tpu.memref_squeeze %get3A_373 : memref<1x1x128xf32, #tpu.memory_space<vmem>> -> memref<128xf32, #tpu.memory_space<vmem>>
        %get3A_375 = arith.constant 96 : index
        %get3A_376 = tpu.vector_load %get3A_374[%get3A_375] {strides = array<i32>} : memref<128xf32, #tpu.memory_space<vmem>>, vector<16xf32>,
        %mul3A_377 = arith.mulf %get3A_370, %get3A_376 : vector<16xf32>
        %add3A_378 = arith.addf %add3A_364, %mul3A_377 : vector<16xf32>
        %get3A_379 = arith.constant 1 : i32
        %get3A_380 = arith.constant 0 : i32
        %get3A_381 = tpu.memref_slice %arg8[%get3A_379, %add3A_280, %get3A_380] : memref<2x32x128xf32, #tpu.memory_space<vmem>> -> memref<1x1x128xf32, #tpu.memory_space<vmem>>
        %get3A_382 = tpu.memref_squeeze %get3A_381 : memref<1x1x128xf32, #tpu.memory_space<vmem>> -> memref<128xf32, #tpu.memory_space<vmem>>
        %get3A_383 = arith.constant 112 : index
        %get3A_384 = tpu.vector_load %get3A_382[%get3A_383] {strides = array<i32>} : memref<128xf32, #tpu.memory_space<vmem>>, vector<16xf32>,
        %get3A_385 = arith.constant 1 : i32
        %get3A_386 = arith.constant 0 : i32
        %get3A_387 = tpu.memref_slice %arg9[%get3A_385, %add3A_282, %get3A_386] : memref<2x32x128xf32, #tpu.memory_space<vmem>> -> memref<1x1x128xf32, #tpu.memory_space<vmem>>
        %get3A_388 = tpu.memref_squeeze %get3A_387 : memref<1x1x128xf32, #tpu.memory_space<vmem>> -> memref<128xf32, #tpu.memory_space<vmem>>
        %get3A_389 = arith.constant 112 : index
        %get3A_390 = tpu.vector_load %get3A_388[%get3A_389] {strides = array<i32>} : memref<128xf32, #tpu.memory_space<vmem>>, vector<16xf32>,
        %mul3A_391 = arith.mulf %get3A_384, %get3A_390 : vector<16xf32>
        %add3A_392 = arith.addf %add3A_378, %mul3A_391 : vector<16xf32>
        %reduce_sum3A = arith.constant true
        %reduce_sum3A_393 = vector.broadcast %reduce_sum3A : i1 to vector<16xi1>
        %reduce_sum3A_394 = tpu.scan <sum>, %add3A_392 masked %reduce_sum3A_393 : vector<16xf32>, vector<16xi1> -> vector<16xf32>
        %reduce_sum3A_395 = vector.extract %reduce_sum3A_394[15] : f32 from vector<16xf32>
        %eq3A_396 = vector.broadcast %scan3A_277 : i32 to vector<16xi32>
        %eq3A_397 = arith.cmpi eq, %iota3A, %eq3A_396 : vector<16xi32>
        %broadcast_in_dim3A_398 = vector.broadcast %reduce_sum3A_395 : f32 to vector<16xf32>
        %select_n3A = arith.select %eq3A_397, %broadcast_in_dim3A_398, %scan3A_278 : vector<16xi1>, vector<16xf32>
        %scan3A_399 = arith.constant 1 : i32
        %scan3A_400 = arith.addi %scan3A_277, %scan3A_399 : i32
        %add3A_401 = arith.constant 16 : i32
        %add3A_402 = arith.addi %add3A_401, %scan3A_400 : i32
        %add3A_403 = arith.constant 16 : i32
        %add3A_404 = arith.addi %add3A_403, %scan3A_400 : i32
        %get3A_405 = arith.constant 1 : i32
        %get3A_406 = arith.constant 0 : i32
        %get3A_407 = tpu.memref_slice %arg8[%get3A_405, %add3A_402, %get3A_406] : memref<2x32x128xf32, #tpu.memory_space<vmem>> -> memref<1x1x128xf32, #tpu.memory_space<vmem>>
        %get3A_408 = tpu.memref_squeeze %get3A_407 : memref<1x1x128xf32, #tpu.memory_space<vmem>> -> memref<128xf32, #tpu.memory_space<vmem>>
        %get3A_409 = arith.constant 0 : index
        %get3A_410 = tpu.vector_load %get3A_408[%get3A_409] {strides = array<i32>} : memref<128xf32, #tpu.memory_space<vmem>>, vector<16xf32>,
        %get3A_411 = arith.constant 1 : i32
        %get3A_412 = arith.constant 0 : i32
        %get3A_413 = tpu.memref_slice %arg9[%get3A_411, %add3A_404, %get3A_412] : memref<2x32x128xf32, #tpu.memory_space<vmem>> -> memref<1x1x128xf32, #tpu.memory_space<vmem>>
        %get3A_414 = tpu.memref_squeeze %get3A_413 : memref<1x1x128xf32, #tpu.memory_space<vmem>> -> memref<128xf32, #tpu.memory_space<vmem>>
        %get3A_415 = arith.constant 0 : index
        %get3A_416 = tpu.vector_load %get3A_414[%get3A_415] {strides = array<i32>} : memref<128xf32, #tpu.memory_space<vmem>>, vector<16xf32>,
        %mul3A_417 = arith.mulf %get3A_410, %get3A_416 : vector<16xf32>
        %get3A_418 = arith.constant 1 : i32
        %get3A_419 = arith.constant 0 : i32
        %get3A_420 = tpu.memref_slice %arg8[%get3A_418, %add3A_402, %get3A_419] : memref<2x32x128xf32, #tpu.memory_space<vmem>> -> memref<1x1x128xf32, #tpu.memory_space<vmem>>
        %get3A_421 = tpu.memref_squeeze %get3A_420 : memref<1x1x128xf32, #tpu.memory_space<vmem>> -> memref<128xf32, #tpu.memory_space<vmem>>
        %get3A_422 = arith.constant 16 : index
        %get3A_423 = tpu.vector_load %get3A_421[%get3A_422] {strides = array<i32>} : memref<128xf32, #tpu.memory_space<vmem>>, vector<16xf32>,
        %get3A_424 = arith.constant 1 : i32
        %get3A_425 = arith.constant 0 : i32
        %get3A_426 = tpu.memref_slice %arg9[%get3A_424, %add3A_404, %get3A_425] : memref<2x32x128xf32, #tpu.memory_space<vmem>> -> memref<1x1x128xf32, #tpu.memory_space<vmem>>
        %get3A_427 = tpu.memref_squeeze %get3A_426 : memref<1x1x128xf32, #tpu.memory_space<vmem>> -> memref<128xf32, #tpu.memory_space<vmem>>
        %get3A_428 = arith.constant 16 : index
        %get3A_429 = tpu.vector_load %get3A_427[%get3A_428] {strides = array<i32>} : memref<128xf32, #tpu.memory_space<vmem>>, vector<16xf32>,
        %mul3A_430 = arith.mulf %get3A_423, %get3A_429 : vector<16xf32>
        %add3A_431 = arith.addf %mul3A_417, %mul3A_430 : vector<16xf32>
        %get3A_432 = arith.constant 1 : i32
        %get3A_433 = arith.constant 0 : i32
        %get3A_434 = tpu.memref_slice %arg8[%get3A_432, %add3A_402, %get3A_433] : memref<2x32x128xf32, #tpu.memory_space<vmem>> -> memref<1x1x128xf32, #tpu.memory_space<vmem>>
        %get3A_435 = tpu.memref_squeeze %get3A_434 : memref<1x1x128xf32, #tpu.memory_space<vmem>> -> memref<128xf32, #tpu.memory_space<vmem>>
        %get3A_436 = arith.constant 32 : index
        %get3A_437 = tpu.vector_load %get3A_435[%get3A_436] {strides = array<i32>} : memref<128xf32, #tpu.memory_space<vmem>>, vector<16xf32>,
        %get3A_438 = arith.constant 1 : i32
        %get3A_439 = arith.constant 0 : i32
        %get3A_440 = tpu.memref_slice %arg9[%get3A_438, %add3A_404, %get3A_439] : memref<2x32x128xf32, #tpu.memory_space<vmem>> -> memref<1x1x128xf32, #tpu.memory_space<vmem>>
        %get3A_441 = tpu.memref_squeeze %get3A_440 : memref<1x1x128xf32, #tpu.memory_space<vmem>> -> memref<128xf32, #tpu.memory_space<vmem>>
        %get3A_442 = arith.constant 32 : index
        %get3A_443 = tpu.vector_load %get3A_441[%get3A_442] {strides = array<i32>} : memref<128xf32, #tpu.memory_space<vmem>>, vector<16xf32>,
        %mul3A_444 = arith.mulf %get3A_437, %get3A_443 : vector<16xf32>
        %add3A_445 = arith.addf %add3A_431, %mul3A_444 : vector<16xf32>
        %get3A_446 = arith.constant 1 : i32
        %get3A_447 = arith.constant 0 : i32
        %get3A_448 = tpu.memref_slice %arg8[%get3A_446, %add3A_402, %get3A_447] : memref<2x32x128xf32, #tpu.memory_space<vmem>> -> memref<1x1x128xf32, #tpu.memory_space<vmem>>
        %get3A_449 = tpu.memref_squeeze %get3A_448 : memref<1x1x128xf32, #tpu.memory_space<vmem>> -> memref<128xf32, #tpu.memory_space<vmem>>
        %get3A_450 = arith.constant 48 : index
        %get3A_451 = tpu.vector_load %get3A_449[%get3A_450] {strides = array<i32>} : memref<128xf32, #tpu.memory_space<vmem>>, vector<16xf32>,
        %get3A_452 = arith.constant 1 : i32
        %get3A_453 = arith.constant 0 : i32
        %get3A_454 = tpu.memref_slice %arg9[%get3A_452, %add3A_404, %get3A_453] : memref<2x32x128xf32, #tpu.memory_space<vmem>> -> memref<1x1x128xf32, #tpu.memory_space<vmem>>
        %get3A_455 = tpu.memref_squeeze %get3A_454 : memref<1x1x128xf32, #tpu.memory_space<vmem>> -> memref<128xf32, #tpu.memory_space<vmem>>
        %get3A_456 = arith.constant 48 : index
        %get3A_457 = tpu.vector_load %get3A_455[%get3A_456] {strides = array<i32>} : memref<128xf32, #tpu.memory_space<vmem>>, vector<16xf32>,
        %mul3A_458 = arith.mulf %get3A_451, %get3A_457 : vector<16xf32>
        %add3A_459 = arith.addf %add3A_445, %mul3A_458 : vector<16xf32>
        %get3A_460 = arith.constant 1 : i32
        %get3A_461 = arith.constant 0 : i32
        %get3A_462 = tpu.memref_slice %arg8[%get3A_460, %add3A_402, %get3A_461] : memref<2x32x128xf32, #tpu.memory_space<vmem>> -> memref<1x1x128xf32, #tpu.memory_space<vmem>>
        %get3A_463 = tpu.memref_squeeze %get3A_462 : memref<1x1x128xf32, #tpu.memory_space<vmem>> -> memref<128xf32, #tpu.memory_space<vmem>>
        %get3A_464 = arith.constant 64 : index
        %get3A_465 = tpu.vector_load %get3A_463[%get3A_464] {strides = array<i32>} : memref<128xf32, #tpu.memory_space<vmem>>, vector<16xf32>,
        %get3A_466 = arith.constant 1 : i32
        %get3A_467 = arith.constant 0 : i32
        %get3A_468 = tpu.memref_slice %arg9[%get3A_466, %add3A_404, %get3A_467] : memref<2x32x128xf32, #tpu.memory_space<vmem>> -> memref<1x1x128xf32, #tpu.memory_space<vmem>>
        %get3A_469 = tpu.memref_squeeze %get3A_468 : memref<1x1x128xf32, #tpu.memory_space<vmem>> -> memref<128xf32, #tpu.memory_space<vmem>>
        %get3A_470 = arith.constant 64 : index
        %get3A_471 = tpu.vector_load %get3A_469[%get3A_470] {strides = array<i32>} : memref<128xf32, #tpu.memory_space<vmem>>, vector<16xf32>,
        %mul3A_472 = arith.mulf %get3A_465, %get3A_471 : vector<16xf32>
        %add3A_473 = arith.addf %add3A_459, %mul3A_472 : vector<16xf32>
        %get3A_474 = arith.constant 1 : i32
        %get3A_475 = arith.constant 0 : i32
        %get3A_476 = tpu.memref_slice %arg8[%get3A_474, %add3A_402, %get3A_475] : memref<2x32x128xf32, #tpu.memory_space<vmem>> -> memref<1x1x128xf32, #tpu.memory_space<vmem>>
        %get3A_477 = tpu.memref_squeeze %get3A_476 : memref<1x1x128xf32, #tpu.memory_space<vmem>> -> memref<128xf32, #tpu.memory_space<vmem>>
        %get3A_478 = arith.constant 80 : index
        %get3A_479 = tpu.vector_load %get3A_477[%get3A_478] {strides = array<i32>} : memref<128xf32, #tpu.memory_space<vmem>>, vector<16xf32>,
        %get3A_480 = arith.constant 1 : i32
        %get3A_481 = arith.constant 0 : i32
        %get3A_482 = tpu.memref_slice %arg9[%get3A_480, %add3A_404, %get3A_481] : memref<2x32x128xf32, #tpu.memory_space<vmem>> -> memref<1x1x128xf32, #tpu.memory_space<vmem>>
        %get3A_483 = tpu.memref_squeeze %get3A_482 : memref<1x1x128xf32, #tpu.memory_space<vmem>> -> memref<128xf32, #tpu.memory_space<vmem>>
        %get3A_484 = arith.constant 80 : index
        %get3A_485 = tpu.vector_load %get3A_483[%get3A_484] {strides = array<i32>} : memref<128xf32, #tpu.memory_space<vmem>>, vector<16xf32>,
        %mul3A_486 = arith.mulf %get3A_479, %get3A_485 : vector<16xf32>
        %add3A_487 = arith.addf %add3A_473, %mul3A_486 : vector<16xf32>
        %get3A_488 = arith.constant 1 : i32
        %get3A_489 = arith.constant 0 : i32
        %get3A_490 = tpu.memref_slice %arg8[%get3A_488, %add3A_402, %get3A_489] : memref<2x32x128xf32, #tpu.memory_space<vmem>> -> memref<1x1x128xf32, #tpu.memory_space<vmem>>
        %get3A_491 = tpu.memref_squeeze %get3A_490 : memref<1x1x128xf32, #tpu.memory_space<vmem>> -> memref<128xf32, #tpu.memory_space<vmem>>
        %get3A_492 = arith.constant 96 : index
        %get3A_493 = tpu.vector_load %get3A_491[%get3A_492] {strides = array<i32>} : memref<128xf32, #tpu.memory_space<vmem>>, vector<16xf32>,
        %get3A_494 = arith.constant 1 : i32
        %get3A_495 = arith.constant 0 : i32
        %get3A_496 = tpu.memref_slice %arg9[%get3A_494, %add3A_404, %get3A_495] : memref<2x32x128xf32, #tpu.memory_space<vmem>> -> memref<1x1x128xf32, #tpu.memory_space<vmem>>
        %get3A_497 = tpu.memref_squeeze %get3A_496 : memref<1x1x128xf32, #tpu.memory_space<vmem>> -> memref<128xf32, #tpu.memory_space<vmem>>
        %get3A_498 = arith.constant 96 : index
        %get3A_499 = tpu.vector_load %get3A_497[%get3A_498] {strides = array<i32>} : memref<128xf32, #tpu.memory_space<vmem>>, vector<16xf32>,
        %mul3A_500 = arith.mulf %get3A_493, %get3A_499 : vector<16xf32>
        %add3A_501 = arith.addf %add3A_487, %mul3A_500 : vector<16xf32>
        %get3A_502 = arith.constant 1 : i32
        %get3A_503 = arith.constant 0 : i32
        %get3A_504 = tpu.memref_slice %arg8[%get3A_502, %add3A_402, %get3A_503] : memref<2x32x128xf32, #tpu.memory_space<vmem>> -> memref<1x1x128xf32, #tpu.memory_space<vmem>>
        %get3A_505 = tpu.memref_squeeze %get3A_504 : memref<1x1x128xf32, #tpu.memory_space<vmem>> -> memref<128xf32, #tpu.memory_space<vmem>>
        %get3A_506 = arith.constant 112 : index
        %get3A_507 = tpu.vector_load %get3A_505[%get3A_506] {strides = array<i32>} : memref<128xf32, #tpu.memory_space<vmem>>, vector<16xf32>,
        %get3A_508 = arith.constant 1 : i32
        %get3A_509 = arith.constant 0 : i32
        %get3A_510 = tpu.memref_slice %arg9[%get3A_508, %add3A_404, %get3A_509] : memref<2x32x128xf32, #tpu.memory_space<vmem>> -> memref<1x1x128xf32, #tpu.memory_space<vmem>>
        %get3A_511 = tpu.memref_squeeze %get3A_510 : memref<1x1x128xf32, #tpu.memory_space<vmem>> -> memref<128xf32, #tpu.memory_space<vmem>>
        %get3A_512 = arith.constant 112 : index
        %get3A_513 = tpu.vector_load %get3A_511[%get3A_512] {strides = array<i32>} : memref<128xf32, #tpu.memory_space<vmem>>, vector<16xf32>,
        %mul3A_514 = arith.mulf %get3A_507, %get3A_513 : vector<16xf32>
        %add3A_515 = arith.addf %add3A_501, %mul3A_514 : vector<16xf32>
        %reduce_sum3A_516 = arith.constant true
        %reduce_sum3A_517 = vector.broadcast %reduce_sum3A_516 : i1 to vector<16xi1>
        %reduce_sum3A_518 = tpu.scan <sum>, %add3A_515 masked %reduce_sum3A_517 : vector<16xf32>, vector<16xi1> -> vector<16xf32>
        %reduce_sum3A_519 = vector.extract %reduce_sum3A_518[15] : f32 from vector<16xf32>
        %eq3A_520 = vector.broadcast %scan3A_400 : i32 to vector<16xi32>
        %eq3A_521 = arith.cmpi eq, %iota3A, %eq3A_520 : vector<16xi32>
        %broadcast_in_dim3A_522 = vector.broadcast %reduce_sum3A_519 : f32 to vector<16xf32>
        %select_n3A_523 = arith.select %eq3A_521, %broadcast_in_dim3A_522, %select_n3A : vector<16xi1>, vector<16xf32>
        scf.yield %select_n3A_523 : vector<16xf32>
      }
      %scan3A_260 = arith.constant 16 : i32
      %neg3A_261 = arith.constant 0.000000e+00 : f32
      %neg3A_262 = vector.broadcast %neg3A_261 : f32 to vector<16xf32>
      %neg3A_263 = arith.subf %neg3A_262, %scan3A_259 : vector<16xf32>
      %exp3A_264 = math.exp %neg3A_263 : vector<16xf32>
      %add3A_265 = arith.constant 1.000000e+00 : f32
      %add3A_266 = vector.broadcast %add3A_265 : f32 to vector<16xf32>
      %add3A_267 = arith.addf %add3A_266, %exp3A_264 : vector<16xf32>
      %div3A_268 = arith.constant 1.000000e+00 : f32
      %div3A_269 = vector.broadcast %div3A_268 : f32 to vector<16xf32>
      %div3A_270 = arith.divf %div3A_269, %add3A_267 : vector<16xf32>
      %mul3A_271 = arith.constant 32 : i32
      %mul3A_272 = arith.muli %add3A_193, %mul3A_271 : i32
      %add3A_273 = arith.constant 16 : i32
      %add3A_274 = arith.addi %mul3A_272, %add3A_273 : i32
      %swap3A_275 = arith.index_cast %add3A_274 : i32 to index
      %swap3A_276 = tpu.vector_load %arg10[%swap3A_275] {strides = array<i32>} : memref<10000xf32, #tpu.memory_space<vmem>>, vector<16xf32>,
      tpu.vector_store %arg10[%swap3A_275], %div3A_270 {strides = array<i32>} : memref<10000xf32, #tpu.memory_space<vmem>>, vector<16xf32>,
    }
    %scan3A_38 = arith.constant 156 : i32
    %dma_start3A_39 = arith.constant 0 : i32
    %dma_start3A_40 = arith.constant 0 : i32
    %dma_start3A_41 = arith.constant 0 : i32
    %dma_start3A_42 = arith.constant 0 : i32
    %dma_start3A_43 = tpu.memref_slice %arg8[%dma_start3A_39, %dma_start3A_41, %dma_start3A_42] : memref<2x32x128xf32, #tpu.memory_space<vmem>> -> memref<1x16x128xf32, #tpu.memory_space<vmem>>
    %dma_start3A_44 = tpu.memref_squeeze %dma_start3A_43 : memref<1x16x128xf32, #tpu.memory_space<vmem>> -> memref<16x128xf32, #tpu.memory_space<vmem>>
    %dma_start3A_45 = arith.constant 9984 : i32
    %dma_start3A_46 = tpu.memref_slice %arg6[%dma_start3A_45] : memref<10000xi32, #tpu.memory_space<vmem>> -> memref<16xi32, #tpu.memory_space<vmem>>
    %dma_start3A_47 = arith.constant 0 : i32
    %dma_start3A_48 = arith.constant 0 : i32
    %dma_start3A_49 = tpu.memref_slice %arg11[%dma_start3A_47, %dma_start3A_48] : memref<10000x128xf32, #tpu.memory_space<vmem_shared>> -> memref<10000x128xf32, #tpu.memory_space<vmem_shared>>
    %dma_start3A_50 = tpu.memref_slice %arg12[%dma_start3A_40] : memref<2x!tpu.dma_semaphore, #tpu.memory_space<semaphore_mem>> -> memref<1x!tpu.dma_semaphore, #tpu.memory_space<semaphore_mem>>
    %dma_start3A_51 = tpu.memref_squeeze %dma_start3A_50 : memref<1x!tpu.dma_semaphore, #tpu.memory_space<semaphore_mem>> -> memref<!tpu.dma_semaphore, #tpu.memory_space<semaphore_mem>>
    tpu.enqueue_indirect_dma source(%dma_start3A_49 : memref<10000x128xf32, #tpu.memory_space<vmem_shared>>) target(%dma_start3A_44 : memref<16x128xf32, #tpu.memory_space<vmem>>) offsets(%dma_start3A_46 : memref<16xi32, #tpu.memory_space<vmem>>) semaphore(%dma_start3A_51 : memref<!tpu.dma_semaphore, #tpu.memory_space<semaphore_mem>>)
    %dma_start3A_52 = arith.constant 0 : i32
    %dma_start3A_53 = arith.constant 0 : i32
    %dma_start3A_54 = arith.constant 0 : i32
    %dma_start3A_55 = arith.constant 0 : i32
    %dma_start3A_56 = tpu.memref_slice %arg9[%dma_start3A_52, %dma_start3A_54, %dma_start3A_55] : memref<2x32x128xf32, #tpu.memory_space<vmem>> -> memref<1x16x128xf32, #tpu.memory_space<vmem>>
    %dma_start3A_57 = tpu.memref_squeeze %dma_start3A_56 : memref<1x16x128xf32, #tpu.memory_space<vmem>> -> memref<16x128xf32, #tpu.memory_space<vmem>>
    %dma_start3A_58 = arith.constant 9984 : i32
    %dma_start3A_59 = tpu.memref_slice %arg7[%dma_start3A_58] : memref<10000xi32, #tpu.memory_space<vmem>> -> memref<16xi32, #tpu.memory_space<vmem>>
    %dma_start3A_60 = arith.constant 0 : i32
    %dma_start3A_61 = arith.constant 0 : i32
    %dma_start3A_62 = tpu.memref_slice %arg11[%dma_start3A_60, %dma_start3A_61] : memref<10000x128xf32, #tpu.memory_space<vmem_shared>> -> memref<10000x128xf32, #tpu.memory_space<vmem_shared>>
    %dma_start3A_63 = tpu.memref_slice %arg12[%dma_start3A_53] : memref<2x!tpu.dma_semaphore, #tpu.memory_space<semaphore_mem>> -> memref<1x!tpu.dma_semaphore, #tpu.memory_space<semaphore_mem>>
    %dma_start3A_64 = tpu.memref_squeeze %dma_start3A_63 : memref<1x!tpu.dma_semaphore, #tpu.memory_space<semaphore_mem>> -> memref<!tpu.dma_semaphore, #tpu.memory_space<semaphore_mem>>
    tpu.enqueue_indirect_dma source(%dma_start3A_62 : memref<10000x128xf32, #tpu.memory_space<vmem_shared>>) target(%dma_start3A_57 : memref<16x128xf32, #tpu.memory_space<vmem>>) offsets(%dma_start3A_59 : memref<16xi32, #tpu.memory_space<vmem>>) semaphore(%dma_start3A_64 : memref<!tpu.dma_semaphore, #tpu.memory_space<semaphore_mem>>)
    %dma_wait3A = arith.constant 0 : i32
    %dma_wait3A_65 = arith.constant 0 : i32
    %dma_wait3A_66 = arith.constant 0 : i32
    %dma_wait3A_67 = arith.constant 0 : i32
    %dma_wait3A_68 = tpu.memref_slice %arg8[%dma_wait3A, %dma_wait3A_66, %dma_wait3A_67] : memref<2x32x128xf32, #tpu.memory_space<vmem>> -> memref<1x16x128xf32, #tpu.memory_space<vmem>>
    %dma_wait3A_69 = tpu.memref_squeeze %dma_wait3A_68 : memref<1x16x128xf32, #tpu.memory_space<vmem>> -> memref<16x128xf32, #tpu.memory_space<vmem>>
    %dma_wait3A_70 = arith.constant 9984 : i32
    %dma_wait3A_71 = tpu.memref_slice %arg6[%dma_wait3A_70] : memref<10000xi32, #tpu.memory_space<vmem>> -> memref<16xi32, #tpu.memory_space<vmem>>
    %dma_wait3A_72 = arith.constant 0 : i32
    %dma_wait3A_73 = arith.constant 0 : i32
    %dma_wait3A_74 = tpu.memref_slice %arg11[%dma_wait3A_72, %dma_wait3A_73] : memref<10000x128xf32, #tpu.memory_space<vmem_shared>> -> memref<10000x128xf32, #tpu.memory_space<vmem_shared>>
    %dma_wait3A_75 = tpu.memref_slice %arg12[%dma_wait3A_65] : memref<2x!tpu.dma_semaphore, #tpu.memory_space<semaphore_mem>> -> memref<1x!tpu.dma_semaphore, #tpu.memory_space<semaphore_mem>>
    %dma_wait3A_76 = tpu.memref_squeeze %dma_wait3A_75 : memref<1x!tpu.dma_semaphore, #tpu.memory_space<semaphore_mem>> -> memref<!tpu.dma_semaphore, #tpu.memory_space<semaphore_mem>>
    tpu.wait_indirect_dma semaphore(%dma_wait3A_76 : memref<!tpu.dma_semaphore, #tpu.memory_space<semaphore_mem>>) src(%dma_wait3A_74 : memref<10000x128xf32, #tpu.memory_space<vmem_shared>>) dst(%dma_wait3A_69 : memref<16x128xf32, #tpu.memory_space<vmem>>)
    %dma_wait3A_77 = arith.constant 0 : i32
    %dma_wait3A_78 = arith.constant 0 : i32
    %dma_wait3A_79 = arith.constant 0 : i32
    %dma_wait3A_80 = arith.constant 0 : i32
    %dma_wait3A_81 = tpu.memref_slice %arg9[%dma_wait3A_77, %dma_wait3A_79, %dma_wait3A_80] : memref<2x32x128xf32, #tpu.memory_space<vmem>> -> memref<1x16x128xf32, #tpu.memory_space<vmem>>
    %dma_wait3A_82 = tpu.memref_squeeze %dma_wait3A_81 : memref<1x16x128xf32, #tpu.memory_space<vmem>> -> memref<16x128xf32, #tpu.memory_space<vmem>>
    %dma_wait3A_83 = arith.constant 9984 : i32
    %dma_wait3A_84 = tpu.memref_slice %arg7[%dma_wait3A_83] : memref<10000xi32, #tpu.memory_space<vmem>> -> memref<16xi32, #tpu.memory_space<vmem>>
    %dma_wait3A_85 = arith.constant 0 : i32
    %dma_wait3A_86 = arith.constant 0 : i32
    %dma_wait3A_87 = tpu.memref_slice %arg11[%dma_wait3A_85, %dma_wait3A_86] : memref<10000x128xf32, #tpu.memory_space<vmem_shared>> -> memref<10000x128xf32, #tpu.memory_space<vmem_shared>>
    %dma_wait3A_88 = tpu.memref_slice %arg12[%dma_wait3A_78] : memref<2x!tpu.dma_semaphore, #tpu.memory_space<semaphore_mem>> -> memref<1x!tpu.dma_semaphore, #tpu.memory_space<semaphore_mem>>
    %dma_wait3A_89 = tpu.memref_squeeze %dma_wait3A_88 : memref<1x!tpu.dma_semaphore, #tpu.memory_space<semaphore_mem>> -> memref<!tpu.dma_semaphore, #tpu.memory_space<semaphore_mem>>
    tpu.wait_indirect_dma semaphore(%dma_wait3A_89 : memref<!tpu.dma_semaphore, #tpu.memory_space<semaphore_mem>>) src(%dma_wait3A_87 : memref<10000x128xf32, #tpu.memory_space<vmem_shared>>) dst(%dma_wait3A_82 : memref<16x128xf32, #tpu.memory_space<vmem>>)
    %broadcast_in_dim3A = arith.constant 0.000000e+00 : f32
    %broadcast_in_dim3A_90 = vector.broadcast %broadcast_in_dim3A : f32 to vector<16xf32>
    %scan3A_91 = arith.constant 0 : i32
    %scan3A_92 = arith.constant 16 : i32
    %scan3A_93 = arith.addi %scan3A_91, %scan3A_92 : i32
    %scan3A_94 = arith.constant 2 : i32
    %scan3A_95 = scf.for %scan3A_105 = %scan3A_91 to %scan3A_93 step %scan3A_94 iter_args(%scan3A_106 = %broadcast_in_dim3A_90) -> (vector<16xf32>)  : i32 {
      %add3A_107 = arith.constant 0 : i32
      %add3A_108 = arith.addi %add3A_107, %scan3A_105 : i32
      %add3A_109 = arith.constant 0 : i32
      %add3A_110 = arith.addi %add3A_109, %scan3A_105 : i32
      %get3A = arith.constant 0 : i32
      %get3A_111 = arith.constant 0 : i32
      %get3A_112 = tpu.memref_slice %arg8[%get3A, %add3A_108, %get3A_111] : memref<2x32x128xf32, #tpu.memory_space<vmem>> -> memref<1x1x128xf32, #tpu.memory_space<vmem>>
      %get3A_113 = tpu.memref_squeeze %get3A_112 : memref<1x1x128xf32, #tpu.memory_space<vmem>> -> memref<128xf32, #tpu.memory_space<vmem>>
      %get3A_114 = arith.constant 0 : index
      %get3A_115 = tpu.vector_load %get3A_113[%get3A_114] {strides = array<i32>} : memref<128xf32, #tpu.memory_space<vmem>>, vector<16xf32>,
      %get3A_116 = arith.constant 0 : i32
      %get3A_117 = arith.constant 0 : i32
      %get3A_118 = tpu.memref_slice %arg9[%get3A_116, %add3A_110, %get3A_117] : memref<2x32x128xf32, #tpu.memory_space<vmem>> -> memref<1x1x128xf32, #tpu.memory_space<vmem>>
      %get3A_119 = tpu.memref_squeeze %get3A_118 : memref<1x1x128xf32, #tpu.memory_space<vmem>> -> memref<128xf32, #tpu.memory_space<vmem>>
      %get3A_120 = arith.constant 0 : index
      %get3A_121 = tpu.vector_load %get3A_119[%get3A_120] {strides = array<i32>} : memref<128xf32, #tpu.memory_space<vmem>>, vector<16xf32>,
      %mul3A_122 = arith.mulf %get3A_115, %get3A_121 : vector<16xf32>
      %get3A_123 = arith.constant 0 : i32
      %get3A_124 = arith.constant 0 : i32
      %get3A_125 = tpu.memref_slice %arg8[%get3A_123, %add3A_108, %get3A_124] : memref<2x32x128xf32, #tpu.memory_space<vmem>> -> memref<1x1x128xf32, #tpu.memory_space<vmem>>
      %get3A_126 = tpu.memref_squeeze %get3A_125 : memref<1x1x128xf32, #tpu.memory_space<vmem>> -> memref<128xf32, #tpu.memory_space<vmem>>
      %get3A_127 = arith.constant 16 : index
      %get3A_128 = tpu.vector_load %get3A_126[%get3A_127] {strides = array<i32>} : memref<128xf32, #tpu.memory_space<vmem>>, vector<16xf32>,
      %get3A_129 = arith.constant 0 : i32
      %get3A_130 = arith.constant 0 : i32
      %get3A_131 = tpu.memref_slice %arg9[%get3A_129, %add3A_110, %get3A_130] : memref<2x32x128xf32, #tpu.memory_space<vmem>> -> memref<1x1x128xf32, #tpu.memory_space<vmem>>
      %get3A_132 = tpu.memref_squeeze %get3A_131 : memref<1x1x128xf32, #tpu.memory_space<vmem>> -> memref<128xf32, #tpu.memory_space<vmem>>
      %get3A_133 = arith.constant 16 : index
      %get3A_134 = tpu.vector_load %get3A_132[%get3A_133] {strides = array<i32>} : memref<128xf32, #tpu.memory_space<vmem>>, vector<16xf32>,
      %mul3A_135 = arith.mulf %get3A_128, %get3A_134 : vector<16xf32>
      %add3A_136 = arith.addf %mul3A_122, %mul3A_135 : vector<16xf32>
      %get3A_137 = arith.constant 0 : i32
      %get3A_138 = arith.constant 0 : i32
      %get3A_139 = tpu.memref_slice %arg8[%get3A_137, %add3A_108, %get3A_138] : memref<2x32x128xf32, #tpu.memory_space<vmem>> -> memref<1x1x128xf32, #tpu.memory_space<vmem>>
      %get3A_140 = tpu.memref_squeeze %get3A_139 : memref<1x1x128xf32, #tpu.memory_space<vmem>> -> memref<128xf32, #tpu.memory_space<vmem>>
      %get3A_141 = arith.constant 32 : index
      %get3A_142 = tpu.vector_load %get3A_140[%get3A_141] {strides = array<i32>} : memref<128xf32, #tpu.memory_space<vmem>>, vector<16xf32>,
      %get3A_143 = arith.constant 0 : i32
      %get3A_144 = arith.constant 0 : i32
      %get3A_145 = tpu.memref_slice %arg9[%get3A_143, %add3A_110, %get3A_144] : memref<2x32x128xf32, #tpu.memory_space<vmem>> -> memref<1x1x128xf32, #tpu.memory_space<vmem>>
      %get3A_146 = tpu.memref_squeeze %get3A_145 : memref<1x1x128xf32, #tpu.memory_space<vmem>> -> memref<128xf32, #tpu.memory_space<vmem>>
      %get3A_147 = arith.constant 32 : index
      %get3A_148 = tpu.vector_load %get3A_146[%get3A_147] {strides = array<i32>} : memref<128xf32, #tpu.memory_space<vmem>>, vector<16xf32>,
      %mul3A_149 = arith.mulf %get3A_142, %get3A_148 : vector<16xf32>
      %add3A_150 = arith.addf %add3A_136, %mul3A_149 : vector<16xf32>
      %get3A_151 = arith.constant 0 : i32
      %get3A_152 = arith.constant 0 : i32
      %get3A_153 = tpu.memref_slice %arg8[%get3A_151, %add3A_108, %get3A_152] : memref<2x32x128xf32, #tpu.memory_space<vmem>> -> memref<1x1x128xf32, #tpu.memory_space<vmem>>
      %get3A_154 = tpu.memref_squeeze %get3A_153 : memref<1x1x128xf32, #tpu.memory_space<vmem>> -> memref<128xf32, #tpu.memory_space<vmem>>
      %get3A_155 = arith.constant 48 : index
      %get3A_156 = tpu.vector_load %get3A_154[%get3A_155] {strides = array<i32>} : memref<128xf32, #tpu.memory_space<vmem>>, vector<16xf32>,
      %get3A_157 = arith.constant 0 : i32
      %get3A_158 = arith.constant 0 : i32
      %get3A_159 = tpu.memref_slice %arg9[%get3A_157, %add3A_110, %get3A_158] : memref<2x32x128xf32, #tpu.memory_space<vmem>> -> memref<1x1x128xf32, #tpu.memory_space<vmem>>
      %get3A_160 = tpu.memref_squeeze %get3A_159 : memref<1x1x128xf32, #tpu.memory_space<vmem>> -> memref<128xf32, #tpu.memory_space<vmem>>
      %get3A_161 = arith.constant 48 : index
      %get3A_162 = tpu.vector_load %get3A_160[%get3A_161] {strides = array<i32>} : memref<128xf32, #tpu.memory_space<vmem>>, vector<16xf32>,
      %mul3A_163 = arith.mulf %get3A_156, %get3A_162 : vector<16xf32>
      %add3A_164 = arith.addf %add3A_150, %mul3A_163 : vector<16xf32>
      %get3A_165 = arith.constant 0 : i32
      %get3A_166 = arith.constant 0 : i32
      %get3A_167 = tpu.memref_slice %arg8[%get3A_165, %add3A_108, %get3A_166] : memref<2x32x128xf32, #tpu.memory_space<vmem>> -> memref<1x1x128xf32, #tpu.memory_space<vmem>>
      %get3A_168 = tpu.memref_squeeze %get3A_167 : memref<1x1x128xf32, #tpu.memory_space<vmem>> -> memref<128xf32, #tpu.memory_space<vmem>>
      %get3A_169 = arith.constant 64 : index
      %get3A_170 = tpu.vector_load %get3A_168[%get3A_169] {strides = array<i32>} : memref<128xf32, #tpu.memory_space<vmem>>, vector<16xf32>,
      %get3A_171 = arith.constant 0 : i32
      %get3A_172 = arith.constant 0 : i32
      %get3A_173 = tpu.memref_slice %arg9[%get3A_171, %add3A_110, %get3A_172] : memref<2x32x128xf32, #tpu.memory_space<vmem>> -> memref<1x1x128xf32, #tpu.memory_space<vmem>>
      %get3A_174 = tpu.memref_squeeze %get3A_173 : memref<1x1x128xf32, #tpu.memory_space<vmem>> -> memref<128xf32, #tpu.memory_space<vmem>>
      %get3A_175 = arith.constant 64 : index
      %get3A_176 = tpu.vector_load %get3A_174[%get3A_175] {strides = array<i32>} : memref<128xf32, #tpu.memory_space<vmem>>, vector<16xf32>,
      %mul3A_177 = arith.mulf %get3A_170, %get3A_176 : vector<16xf32>
      %add3A_178 = arith.addf %add3A_164, %mul3A_177 : vector<16xf32>
      %get3A_179 = arith.constant 0 : i32
      %get3A_180 = arith.constant 0 : i32
      %get3A_181 = tpu.memref_slice %arg8[%get3A_179, %add3A_108, %get3A_180] : memref<2x32x128xf32, #tpu.memory_space<vmem>> -> memref<1x1x128xf32, #tpu.memory_space<vmem>>
      %get3A_182 = tpu.memref_squeeze %get3A_181 : memref<1x1x128xf32, #tpu.memory_space<vmem>> -> memref<128xf32, #tpu.memory_space<vmem>>
      %get3A_183 = arith.constant 80 : index
      %get3A_184 = tpu.vector_load %get3A_182[%get3A_183] {strides = array<i32>} : memref<128xf32, #tpu.memory_space<vmem>>, vector<16xf32>,
      %get3A_185 = arith.constant 0 : i32
      %get3A_186 = arith.constant 0 : i32
      %get3A_187 = tpu.memref_slice %arg9[%get3A_185, %add3A_110, %get3A_186] : memref<2x32x128xf32, #tpu.memory_space<vmem>> -> memref<1x1x128xf32, #tpu.memory_space<vmem>>
      %get3A_188 = tpu.memref_squeeze %get3A_187 : memref<1x1x128xf32, #tpu.memory_space<vmem>> -> memref<128xf32, #tpu.memory_space<vmem>>
      %get3A_189 = arith.constant 80 : index
      %get3A_190 = tpu.vector_load %get3A_188[%get3A_189] {strides = array<i32>} : memref<128xf32, #tpu.memory_space<vmem>>, vector<16xf32>,
      %mul3A_191 = arith.mulf %get3A_184, %get3A_190 : vector<16xf32>
      %add3A_192 = arith.addf %add3A_178, %mul3A_191 : vector<16xf32>
      %get3A_193 = arith.constant 0 : i32
      %get3A_194 = arith.constant 0 : i32
      %get3A_195 = tpu.memref_slice %arg8[%get3A_193, %add3A_108, %get3A_194] : memref<2x32x128xf32, #tpu.memory_space<vmem>> -> memref<1x1x128xf32, #tpu.memory_space<vmem>>
      %get3A_196 = tpu.memref_squeeze %get3A_195 : memref<1x1x128xf32, #tpu.memory_space<vmem>> -> memref<128xf32, #tpu.memory_space<vmem>>
      %get3A_197 = arith.constant 96 : index
      %get3A_198 = tpu.vector_load %get3A_196[%get3A_197] {strides = array<i32>} : memref<128xf32, #tpu.memory_space<vmem>>, vector<16xf32>,
      %get3A_199 = arith.constant 0 : i32
      %get3A_200 = arith.constant 0 : i32
      %get3A_201 = tpu.memref_slice %arg9[%get3A_199, %add3A_110, %get3A_200] : memref<2x32x128xf32, #tpu.memory_space<vmem>> -> memref<1x1x128xf32, #tpu.memory_space<vmem>>
      %get3A_202 = tpu.memref_squeeze %get3A_201 : memref<1x1x128xf32, #tpu.memory_space<vmem>> -> memref<128xf32, #tpu.memory_space<vmem>>
      %get3A_203 = arith.constant 96 : index
      %get3A_204 = tpu.vector_load %get3A_202[%get3A_203] {strides = array<i32>} : memref<128xf32, #tpu.memory_space<vmem>>, vector<16xf32>,
      %mul3A_205 = arith.mulf %get3A_198, %get3A_204 : vector<16xf32>
      %add3A_206 = arith.addf %add3A_192, %mul3A_205 : vector<16xf32>
      %get3A_207 = arith.constant 0 : i32
      %get3A_208 = arith.constant 0 : i32
      %get3A_209 = tpu.memref_slice %arg8[%get3A_207, %add3A_108, %get3A_208] : memref<2x32x128xf32, #tpu.memory_space<vmem>> -> memref<1x1x128xf32, #tpu.memory_space<vmem>>
      %get3A_210 = tpu.memref_squeeze %get3A_209 : memref<1x1x128xf32, #tpu.memory_space<vmem>> -> memref<128xf32, #tpu.memory_space<vmem>>
      %get3A_211 = arith.constant 112 : index
      %get3A_212 = tpu.vector_load %get3A_210[%get3A_211] {strides = array<i32>} : memref<128xf32, #tpu.memory_space<vmem>>, vector<16xf32>,
      %get3A_213 = arith.constant 0 : i32
      %get3A_214 = arith.constant 0 : i32
      %get3A_215 = tpu.memref_slice %arg9[%get3A_213, %add3A_110, %get3A_214] : memref<2x32x128xf32, #tpu.memory_space<vmem>> -> memref<1x1x128xf32, #tpu.memory_space<vmem>>
      %get3A_216 = tpu.memref_squeeze %get3A_215 : memref<1x1x128xf32, #tpu.memory_space<vmem>> -> memref<128xf32, #tpu.memory_space<vmem>>
      %get3A_217 = arith.constant 112 : index
      %get3A_218 = tpu.vector_load %get3A_216[%get3A_217] {strides = array<i32>} : memref<128xf32, #tpu.memory_space<vmem>>, vector<16xf32>,
      %mul3A_219 = arith.mulf %get3A_212, %get3A_218 : vector<16xf32>
      %add3A_220 = arith.addf %add3A_206, %mul3A_219 : vector<16xf32>
      %reduce_sum3A = arith.constant true
      %reduce_sum3A_221 = vector.broadcast %reduce_sum3A : i1 to vector<16xi1>
      %reduce_sum3A_222 = tpu.scan <sum>, %add3A_220 masked %reduce_sum3A_221 : vector<16xf32>, vector<16xi1> -> vector<16xf32>
      %reduce_sum3A_223 = vector.extract %reduce_sum3A_222[15] : f32 from vector<16xf32>
      %eq3A_224 = vector.broadcast %scan3A_105 : i32 to vector<16xi32>
      %eq3A_225 = arith.cmpi eq, %iota3A, %eq3A_224 : vector<16xi32>
      %broadcast_in_dim3A_226 = vector.broadcast %reduce_sum3A_223 : f32 to vector<16xf32>
      %select_n3A = arith.select %eq3A_225, %broadcast_in_dim3A_226, %scan3A_106 : vector<16xi1>, vector<16xf32>
      %scan3A_227 = arith.constant 1 : i32
      %scan3A_228 = arith.addi %scan3A_105, %scan3A_227 : i32
      %add3A_229 = arith.constant 0 : i32
      %add3A_230 = arith.addi %add3A_229, %scan3A_228 : i32
      %add3A_231 = arith.constant 0 : i32
      %add3A_232 = arith.addi %add3A_231, %scan3A_228 : i32
      %get3A_233 = arith.constant 0 : i32
      %get3A_234 = arith.constant 0 : i32
      %get3A_235 = tpu.memref_slice %arg8[%get3A_233, %add3A_230, %get3A_234] : memref<2x32x128xf32, #tpu.memory_space<vmem>> -> memref<1x1x128xf32, #tpu.memory_space<vmem>>
      %get3A_236 = tpu.memref_squeeze %get3A_235 : memref<1x1x128xf32, #tpu.memory_space<vmem>> -> memref<128xf32, #tpu.memory_space<vmem>>
      %get3A_237 = arith.constant 0 : index
      %get3A_238 = tpu.vector_load %get3A_236[%get3A_237] {strides = array<i32>} : memref<128xf32, #tpu.memory_space<vmem>>, vector<16xf32>,
      %get3A_239 = arith.constant 0 : i32
      %get3A_240 = arith.constant 0 : i32
      %get3A_241 = tpu.memref_slice %arg9[%get3A_239, %add3A_232, %get3A_240] : memref<2x32x128xf32, #tpu.memory_space<vmem>> -> memref<1x1x128xf32, #tpu.memory_space<vmem>>
      %get3A_242 = tpu.memref_squeeze %get3A_241 : memref<1x1x128xf32, #tpu.memory_space<vmem>> -> memref<128xf32, #tpu.memory_space<vmem>>
      %get3A_243 = arith.constant 0 : index
      %get3A_244 = tpu.vector_load %get3A_242[%get3A_243] {strides = array<i32>} : memref<128xf32, #tpu.memory_space<vmem>>, vector<16xf32>,
      %mul3A_245 = arith.mulf %get3A_238, %get3A_244 : vector<16xf32>
      %get3A_246 = arith.constant 0 : i32
      %get3A_247 = arith.constant 0 : i32
      %get3A_248 = tpu.memref_slice %arg8[%get3A_246, %add3A_230, %get3A_247] : memref<2x32x128xf32, #tpu.memory_space<vmem>> -> memref<1x1x128xf32, #tpu.memory_space<vmem>>
      %get3A_249 = tpu.memref_squeeze %get3A_248 : memref<1x1x128xf32, #tpu.memory_space<vmem>> -> memref<128xf32, #tpu.memory_space<vmem>>
      %get3A_250 = arith.constant 16 : index
      %get3A_251 = tpu.vector_load %get3A_249[%get3A_250] {strides = array<i32>} : memref<128xf32, #tpu.memory_space<vmem>>, vector<16xf32>,
      %get3A_252 = arith.constant 0 : i32
      %get3A_253 = arith.constant 0 : i32
      %get3A_254 = tpu.memref_slice %arg9[%get3A_252, %add3A_232, %get3A_253] : memref<2x32x128xf32, #tpu.memory_space<vmem>> -> memref<1x1x128xf32, #tpu.memory_space<vmem>>
      %get3A_255 = tpu.memref_squeeze %get3A_254 : memref<1x1x128xf32, #tpu.memory_space<vmem>> -> memref<128xf32, #tpu.memory_space<vmem>>
      %get3A_256 = arith.constant 16 : index
      %get3A_257 = tpu.vector_load %get3A_255[%get3A_256] {strides = array<i32>} : memref<128xf32, #tpu.memory_space<vmem>>, vector<16xf32>,
      %mul3A_258 = arith.mulf %get3A_251, %get3A_257 : vector<16xf32>
      %add3A_259 = arith.addf %mul3A_245, %mul3A_258 : vector<16xf32>
      %get3A_260 = arith.constant 0 : i32
      %get3A_261 = arith.constant 0 : i32
      %get3A_262 = tpu.memref_slice %arg8[%get3A_260, %add3A_230, %get3A_261] : memref<2x32x128xf32, #tpu.memory_space<vmem>> -> memref<1x1x128xf32, #tpu.memory_space<vmem>>
      %get3A_263 = tpu.memref_squeeze %get3A_262 : memref<1x1x128xf32, #tpu.memory_space<vmem>> -> memref<128xf32, #tpu.memory_space<vmem>>
      %get3A_264 = arith.constant 32 : index
      %get3A_265 = tpu.vector_load %get3A_263[%get3A_264] {strides = array<i32>} : memref<128xf32, #tpu.memory_space<vmem>>, vector<16xf32>,
      %get3A_266 = arith.constant 0 : i32
      %get3A_267 = arith.constant 0 : i32
      %get3A_268 = tpu.memref_slice %arg9[%get3A_266, %add3A_232, %get3A_267] : memref<2x32x128xf32, #tpu.memory_space<vmem>> -> memref<1x1x128xf32, #tpu.memory_space<vmem>>
      %get3A_269 = tpu.memref_squeeze %get3A_268 : memref<1x1x128xf32, #tpu.memory_space<vmem>> -> memref<128xf32, #tpu.memory_space<vmem>>
      %get3A_270 = arith.constant 32 : index
      %get3A_271 = tpu.vector_load %get3A_269[%get3A_270] {strides = array<i32>} : memref<128xf32, #tpu.memory_space<vmem>>, vector<16xf32>,
      %mul3A_272 = arith.mulf %get3A_265, %get3A_271 : vector<16xf32>
      %add3A_273 = arith.addf %add3A_259, %mul3A_272 : vector<16xf32>
      %get3A_274 = arith.constant 0 : i32
      %get3A_275 = arith.constant 0 : i32
      %get3A_276 = tpu.memref_slice %arg8[%get3A_274, %add3A_230, %get3A_275] : memref<2x32x128xf32, #tpu.memory_space<vmem>> -> memref<1x1x128xf32, #tpu.memory_space<vmem>>
      %get3A_277 = tpu.memref_squeeze %get3A_276 : memref<1x1x128xf32, #tpu.memory_space<vmem>> -> memref<128xf32, #tpu.memory_space<vmem>>
      %get3A_278 = arith.constant 48 : index
      %get3A_279 = tpu.vector_load %get3A_277[%get3A_278] {strides = array<i32>} : memref<128xf32, #tpu.memory_space<vmem>>, vector<16xf32>,
      %get3A_280 = arith.constant 0 : i32
      %get3A_281 = arith.constant 0 : i32
      %get3A_282 = tpu.memref_slice %arg9[%get3A_280, %add3A_232, %get3A_281] : memref<2x32x128xf32, #tpu.memory_space<vmem>> -> memref<1x1x128xf32, #tpu.memory_space<vmem>>
      %get3A_283 = tpu.memref_squeeze %get3A_282 : memref<1x1x128xf32, #tpu.memory_space<vmem>> -> memref<128xf32, #tpu.memory_space<vmem>>
      %get3A_284 = arith.constant 48 : index
      %get3A_285 = tpu.vector_load %get3A_283[%get3A_284] {strides = array<i32>} : memref<128xf32, #tpu.memory_space<vmem>>, vector<16xf32>,
      %mul3A_286 = arith.mulf %get3A_279, %get3A_285 : vector<16xf32>
      %add3A_287 = arith.addf %add3A_273, %mul3A_286 : vector<16xf32>
      %get3A_288 = arith.constant 0 : i32
      %get3A_289 = arith.constant 0 : i32
      %get3A_290 = tpu.memref_slice %arg8[%get3A_288, %add3A_230, %get3A_289] : memref<2x32x128xf32, #tpu.memory_space<vmem>> -> memref<1x1x128xf32, #tpu.memory_space<vmem>>
      %get3A_291 = tpu.memref_squeeze %get3A_290 : memref<1x1x128xf32, #tpu.memory_space<vmem>> -> memref<128xf32, #tpu.memory_space<vmem>>
      %get3A_292 = arith.constant 64 : index
      %get3A_293 = tpu.vector_load %get3A_291[%get3A_292] {strides = array<i32>} : memref<128xf32, #tpu.memory_space<vmem>>, vector<16xf32>,
      %get3A_294 = arith.constant 0 : i32
      %get3A_295 = arith.constant 0 : i32
      %get3A_296 = tpu.memref_slice %arg9[%get3A_294, %add3A_232, %get3A_295] : memref<2x32x128xf32, #tpu.memory_space<vmem>> -> memref<1x1x128xf32, #tpu.memory_space<vmem>>
      %get3A_297 = tpu.memref_squeeze %get3A_296 : memref<1x1x128xf32, #tpu.memory_space<vmem>> -> memref<128xf32, #tpu.memory_space<vmem>>
      %get3A_298 = arith.constant 64 : index
      %get3A_299 = tpu.vector_load %get3A_297[%get3A_298] {strides = array<i32>} : memref<128xf32, #tpu.memory_space<vmem>>, vector<16xf32>,
      %mul3A_300 = arith.mulf %get3A_293, %get3A_299 : vector<16xf32>
      %add3A_301 = arith.addf %add3A_287, %mul3A_300 : vector<16xf32>
      %get3A_302 = arith.constant 0 : i32
      %get3A_303 = arith.constant 0 : i32
      %get3A_304 = tpu.memref_slice %arg8[%get3A_302, %add3A_230, %get3A_303] : memref<2x32x128xf32, #tpu.memory_space<vmem>> -> memref<1x1x128xf32, #tpu.memory_space<vmem>>
      %get3A_305 = tpu.memref_squeeze %get3A_304 : memref<1x1x128xf32, #tpu.memory_space<vmem>> -> memref<128xf32, #tpu.memory_space<vmem>>
      %get3A_306 = arith.constant 80 : index
      %get3A_307 = tpu.vector_load %get3A_305[%get3A_306] {strides = array<i32>} : memref<128xf32, #tpu.memory_space<vmem>>, vector<16xf32>,
      %get3A_308 = arith.constant 0 : i32
      %get3A_309 = arith.constant 0 : i32
      %get3A_310 = tpu.memref_slice %arg9[%get3A_308, %add3A_232, %get3A_309] : memref<2x32x128xf32, #tpu.memory_space<vmem>> -> memref<1x1x128xf32, #tpu.memory_space<vmem>>
      %get3A_311 = tpu.memref_squeeze %get3A_310 : memref<1x1x128xf32, #tpu.memory_space<vmem>> -> memref<128xf32, #tpu.memory_space<vmem>>
      %get3A_312 = arith.constant 80 : index
      %get3A_313 = tpu.vector_load %get3A_311[%get3A_312] {strides = array<i32>} : memref<128xf32, #tpu.memory_space<vmem>>, vector<16xf32>,
      %mul3A_314 = arith.mulf %get3A_307, %get3A_313 : vector<16xf32>
      %add3A_315 = arith.addf %add3A_301, %mul3A_314 : vector<16xf32>
      %get3A_316 = arith.constant 0 : i32
      %get3A_317 = arith.constant 0 : i32
      %get3A_318 = tpu.memref_slice %arg8[%get3A_316, %add3A_230, %get3A_317] : memref<2x32x128xf32, #tpu.memory_space<vmem>> -> memref<1x1x128xf32, #tpu.memory_space<vmem>>
      %get3A_319 = tpu.memref_squeeze %get3A_318 : memref<1x1x128xf32, #tpu.memory_space<vmem>> -> memref<128xf32, #tpu.memory_space<vmem>>
      %get3A_320 = arith.constant 96 : index
      %get3A_321 = tpu.vector_load %get3A_319[%get3A_320] {strides = array<i32>} : memref<128xf32, #tpu.memory_space<vmem>>, vector<16xf32>,
      %get3A_322 = arith.constant 0 : i32
      %get3A_323 = arith.constant 0 : i32
      %get3A_324 = tpu.memref_slice %arg9[%get3A_322, %add3A_232, %get3A_323] : memref<2x32x128xf32, #tpu.memory_space<vmem>> -> memref<1x1x128xf32, #tpu.memory_space<vmem>>
      %get3A_325 = tpu.memref_squeeze %get3A_324 : memref<1x1x128xf32, #tpu.memory_space<vmem>> -> memref<128xf32, #tpu.memory_space<vmem>>
      %get3A_326 = arith.constant 96 : index
      %get3A_327 = tpu.vector_load %get3A_325[%get3A_326] {strides = array<i32>} : memref<128xf32, #tpu.memory_space<vmem>>, vector<16xf32>,
      %mul3A_328 = arith.mulf %get3A_321, %get3A_327 : vector<16xf32>
      %add3A_329 = arith.addf %add3A_315, %mul3A_328 : vector<16xf32>
      %get3A_330 = arith.constant 0 : i32
      %get3A_331 = arith.constant 0 : i32
      %get3A_332 = tpu.memref_slice %arg8[%get3A_330, %add3A_230, %get3A_331] : memref<2x32x128xf32, #tpu.memory_space<vmem>> -> memref<1x1x128xf32, #tpu.memory_space<vmem>>
      %get3A_333 = tpu.memref_squeeze %get3A_332 : memref<1x1x128xf32, #tpu.memory_space<vmem>> -> memref<128xf32, #tpu.memory_space<vmem>>
      %get3A_334 = arith.constant 112 : index
      %get3A_335 = tpu.vector_load %get3A_333[%get3A_334] {strides = array<i32>} : memref<128xf32, #tpu.memory_space<vmem>>, vector<16xf32>,
      %get3A_336 = arith.constant 0 : i32
      %get3A_337 = arith.constant 0 : i32
      %get3A_338 = tpu.memref_slice %arg9[%get3A_336, %add3A_232, %get3A_337] : memref<2x32x128xf32, #tpu.memory_space<vmem>> -> memref<1x1x128xf32, #tpu.memory_space<vmem>>
      %get3A_339 = tpu.memref_squeeze %get3A_338 : memref<1x1x128xf32, #tpu.memory_space<vmem>> -> memref<128xf32, #tpu.memory_space<vmem>>
      %get3A_340 = arith.constant 112 : index
      %get3A_341 = tpu.vector_load %get3A_339[%get3A_340] {strides = array<i32>} : memref<128xf32, #tpu.memory_space<vmem>>, vector<16xf32>,
      %mul3A_342 = arith.mulf %get3A_335, %get3A_341 : vector<16xf32>
      %add3A_343 = arith.addf %add3A_329, %mul3A_342 : vector<16xf32>
      %reduce_sum3A_344 = arith.constant true
      %reduce_sum3A_345 = vector.broadcast %reduce_sum3A_344 : i1 to vector<16xi1>
      %reduce_sum3A_346 = tpu.scan <sum>, %add3A_343 masked %reduce_sum3A_345 : vector<16xf32>, vector<16xi1> -> vector<16xf32>
      %reduce_sum3A_347 = vector.extract %reduce_sum3A_346[15] : f32 from vector<16xf32>
      %eq3A_348 = vector.broadcast %scan3A_228 : i32 to vector<16xi32>
      %eq3A_349 = arith.cmpi eq, %iota3A, %eq3A_348 : vector<16xi32>
      %broadcast_in_dim3A_350 = vector.broadcast %reduce_sum3A_347 : f32 to vector<16xf32>
      %select_n3A_351 = arith.select %eq3A_349, %broadcast_in_dim3A_350, %select_n3A : vector<16xi1>, vector<16xf32>
      scf.yield %select_n3A_351 : vector<16xf32>
    }
    %scan3A_96 = arith.constant 16 : i32
    %neg3A = arith.constant 0.000000e+00 : f32
    %neg3A_97 = vector.broadcast %neg3A : f32 to vector<16xf32>
    %neg3A_98 = arith.subf %neg3A_97, %scan3A_95 : vector<16xf32>
    %exp3A = math.exp %neg3A_98 : vector<16xf32>
    %add3A_99 = arith.constant 1.000000e+00 : f32
    %add3A_100 = vector.broadcast %add3A_99 : f32 to vector<16xf32>
    %add3A_101 = arith.addf %add3A_100, %exp3A : vector<16xf32>
    %div3A = arith.constant 1.000000e+00 : f32
    %div3A_102 = vector.broadcast %div3A : f32 to vector<16xf32>
    %div3A_103 = arith.divf %div3A_102, %add3A_101 : vector<16xf32>
    %swap3A = arith.constant 9984 : index
    %swap3A_104 = tpu.vector_load %arg10[%swap3A] {strides = array<i32>} : memref<10000xf32, #tpu.memory_space<vmem>>, vector<16xf32>,
    tpu.vector_store %arg10[%swap3A], %div3A_103 {strides = array<i32>} : memref<10000xf32, #tpu.memory_space<vmem>>, vector<16xf32>,
    "tpu.region"() ({
      %run_scoped3A = tpu.sem_alloc : memref<!tpu.dma_semaphore, #tpu.memory_space<semaphore_mem>>
      %dma_start3A_105 = tpu.memref_slice %arg5[%mul3A_2] : memref<320000xf32, #tpu.memory_space<hbm>> -> memref<10000xf32, #tpu.memory_space<hbm>>
      %dma_start3A_106 = tpu.memref_slice %arg5[%mul3A_2] : memref<320000xf32, #tpu.memory_space<hbm>> -> memref<10000xf32, #tpu.memory_space<hbm>>
      tpu.enqueue_dma source(%arg10 : memref<10000xf32, #tpu.memory_space<vmem>>) target(%dma_start3A_106 : memref<10000xf32, #tpu.memory_space<hbm>>) target_semaphore(%run_scoped3A : memref<!tpu.dma_semaphore, #tpu.memory_space<semaphore_mem>>)
      %dma_wait3A_107 = tpu.memref_slice %arg5[%mul3A_2] : memref<320000xf32, #tpu.memory_space<hbm>> -> memref<10000xf32, #tpu.memory_space<hbm>>
      %dma_wait3A_108 = tpu.memref_slice %arg5[%mul3A_2] : memref<320000xf32, #tpu.memory_space<hbm>> -> memref<10000xf32, #tpu.memory_space<hbm>>
      tpu.wait_dma2 semaphore(%run_scoped3A : memref<!tpu.dma_semaphore, #tpu.memory_space<semaphore_mem>>) src(%arg10 : memref<10000xf32, #tpu.memory_space<vmem>>) dst(%dma_wait3A_108 : memref<10000xf32, #tpu.memory_space<hbm>>)
      tpu.yield
    }) : () -> ()
    return
  }
}

</mosaic_0001>

<sc_bundles>
// kernel: kernel.3.cloned.1.call-start
scs
__scs_entry_jumppad:
0x0: {  	(pc) =	sbr.rel $0x88, $3  }
0x1: {  	(tag) =	ssettag $0x0;
	lr =	simm.s32 $0x1  }
0x2: {  	[smem:$0x3F9F] =	sst lr;
	_ =	strace $0xD0000000  }
0x3: {  	_ = 	snop  }
0x4: {  	_ = 	snop  }
0x5: {  	_ = 	snop  }
0x6: {  	_ = 	snop  }
0x7: {  	_ = 	snop  }
__scs_overlays_trampoline_lowered:
0x8: {  	[smem:$0x3FAE] =	sst s0  }
0x9: {  	[smem:$0x3FAF] =	sst s1  }
0xa: {  	[smem:$0x3FB0] =	sst s2  }
0xb: {  	[smem:$0x3FB1] =	sst s3  }
0xc: {  	[smem:$0x3FB2] =	sst s4  }
0xd: {  	[smem:$0x3FB3] =	sst s5  }
0xe: {  	[smem:$0x3FB4] =	sst s6  }
0xf: {  	[smem:$0x3FB5] =	sst s7  }
0x10: {  	[smem:$0x3FB6] =	sst s8  }
0x11: {  	[smem:$0x3FB7] =	sst s9;
	s0 =	simm.s32 @!p0 $0x0  }
0x12: {  	s1 =	sld [smem:$0x3F9D];
	s0 =	simm.s32 @p0 $0x1  }
0x13: {  	[smem:$0x3FB8] =	sst s0;
	s0 =	simm.s32 @!p1 $0x0  }
0x14: {  	s2 =	sld [smem:$0x3F9C];
	s0 =	simm.s32 @p1 $0x1  }
0x15: {  	[smem:$0x3FB9] =	sst s0;
	s0 =	simm.s32 @!p2 $0x0  }
0x16: {  	s3 =	sld [smem:$0x3FDB];
	s0 =	simm.s32 @p2 $0x1  }
0x17: {  	s4 =	simm.s32 $0x1BF5;
	[smem:$0x3FBB] =	sst s0  }
0x18: {  	s0 =	sld [smem:$0x3F9E];
	_ =	swait.ge [sflag:s4], $0x0  }
0x19: {  	s7 =	sld [smem:$0x3F9F]  }
0x1a: {  	s8 =	sadd.s32 $0xFFFFE003, lr  }
0x1b: {  	s9 =	sadd.s32 $0xFFFFFEF7, lr;
	s5 =	simm.s32 $0xFFFFFFFF;
	p2 =	slt.u32 s8, $0xFFFFF086  }
0x1c: {  	p1 =	slt.u32 s9, $0xF7A;
	s5 =	simm.s32 @!p2 $0x0  }
0x1d: {  	s5 =	simm.s32 @p1 $0x1;
	p0 =	seq.s32 s7, s2  }
0x1e: {  	s7 =	smul.u32 @!p0 $0xF7A, s2;
	p2 =	seq.s32 @!p0 s5, $0x0  }
0x1f: {  	s9 =	smul.u32 $0xF7A, s1;
	s8 =	simm.s32 @!p0 $0x1BF5;
	p2 =	por !p2, p0  }
0x20: {  	[sflag:s8] =	ssyncset.s32 @!p0 $0xFFFFF086;
	s6 =	sadd.s32 @!p0 s3, s7;
	s7 =	simm.s32 @!p0 $0x108  }
0x21: {  	s3 =	sadd.s32 s3, s9;
	s6 =	sadd.s32 @!p0 $0x88, s6;
	s7 =	simm.s32 @p2 $0x1082  }
0x22: {  	[simem:s7], [sflag:s8] =	dma.local @!p0 [hbm:s6], $0xF7A  }
0x23: {  	s9 =	sor.u32 $0xD0000000, s2;
	s6 =	simm.s32 $0x108;
	_ =	swait.ge @!p0 [sflag:s8], $0x0  }
0x24: {  	s3 =	sadd.s32 $0x88, s3;
	s6 =	simm.s32 @!p1 $0x1082;
	[sflag:s4] =	ssyncset.s32 $0xFFFFF086  }
0x25: {  	[simem:s6], [sflag:s4] =	dma.local [hbm:s3], $0xF7A  }
0x26: {  	[smem:$0x3F9F] =	sst s1;
	(tag) =	ssettag s2;
	_ =	strace s9  }
0x27: {  	s1 =	sld [smem:$0x3FAF]  }
0x28: {  	s2 =	sld [smem:$0x3FB0]  }
0x29: {  	s4 =	sld [smem:$0x3FB2]  }
0x2a: {  	p0 =	seq.s32 s5, $0x0;
	s5 =	sld [smem:$0x3FB3]  }
0x2b: {  	s6 =	sld [smem:$0x3FB4]  }
0x2c: {  	s7 =	sld [smem:$0x3FB5]  }
0x2d: {  	s3 =	simm.s32 $0x108;
	s8 =	sld [smem:$0x3FB6]  }
0x2e: {  	s3 =	simm.s32 @!p0 $0x1082;
	s9 =	sld [smem:$0x3FB7]  }
0x2f: {  	lr =	sadd.s32 s0, s3;
	s0 =	sld [smem:$0x3FAE]  }
0x30: {  	s3 =	sld [smem:$0x3FB1]  }
0x31: {  	[smem:$0x3FBA] =	sst s10  }
0x32: {  	s10 =	sld [smem:$0x3FB8];
	_ =	sdelay $0x3  }
0x33: {  	p0 =	seq.s32 s10, $0x1;
	s10 =	sld [smem:$0x3FBA];
	_ =	sdelay $0x3  }
0x34: {  	[smem:$0x3FBA] =	sst s10  }
0x35: {  	s10 =	sld [smem:$0x3FB9];
	_ =	sdelay $0x3  }
0x36: {  	p1 =	seq.s32 s10, $0x1;
	s10 =	sld [smem:$0x3FBA];
	_ =	sdelay $0x3  }
0x37: {  	[smem:$0x3FBA] =	sst s10  }
0x38: {  	s10 =	sld [smem:$0x3FBB]  }
0x39: {  	_ = 	snop;
	(pc) =	sbr.ind lr, $3  }
0x3a: {  	_ = 	snop  }
0x3b: {  	_ = 	snop  }
0x3c: {  	p2 =	seq.s32 s10, $0x1;
	s10 =	sld [smem:$0x3FBA]  }
0x3d: {  	_ =	shalt  }
0x3e: {  	_ =	shalt  }
0x3f: {  	_ =	shalt  }
0x40: {  	_ =	shalt  }
0x41: {  	_ =	shalt  }
0x42: {  	_ =	shalt  }
0x43: {  	_ =	shalt  }
0x44: {  	_ =	shalt  }
0x45: {  	_ =	shalt  }
0x46: {  	_ =	shalt  }
0x47: {  	_ =	shalt  }
0x48: {  	_ =	shalt  }
0x49: {  	_ =	shalt  }
0x4a: {  	_ =	shalt  }
0x4b: {  	_ =	shalt  }
0x4c: {  	_ =	shalt  }
0x4d: {  	_ =	shalt  }
0x4e: {  	_ =	shalt  }
0x4f: {  	_ =	shalt  }
0x50: {  	_ =	shalt  }
0x51: {  	_ =	shalt  }
0x52: {  	_ =	shalt  }
0x53: {  	_ =	shalt  }
0x54: {  	_ =	shalt  }
0x55: {  	_ =	shalt  }
0x56: {  	_ =	shalt  }
0x57: {  	_ =	shalt  }
0x58: {  	_ =	shalt  }
0x59: {  	_ =	shalt  }
0x5a: {  	_ =	shalt  }
0x5b: {  	_ =	shalt  }
0x5c: {  	_ =	shalt  }
0x5d: {  	_ =	shalt  }
0x5e: {  	_ =	shalt  }
0x5f: {  	_ =	shalt  }
0x60: {  	_ =	shalt  }
0x61: {  	_ =	shalt  }
0x62: {  	_ =	shalt  }
0x63: {  	_ =	shalt  }
0x64: {  	_ =	shalt  }
0x65: {  	_ =	shalt  }
0x66: {  	_ =	shalt  }
0x67: {  	_ =	shalt  }
0x68: {  	_ =	shalt  }
0x69: {  	_ =	shalt  }
0x6a: {  	_ =	shalt  }
0x6b: {  	_ =	shalt  }
0x6c: {  	_ =	shalt  }
0x6d: {  	_ =	shalt  }
0x6e: {  	_ =	shalt  }
0x6f: {  	_ =	shalt  }
0x70: {  	_ =	shalt  }
0x71: {  	_ =	shalt  }
0x72: {  	_ =	shalt  }
0x73: {  	_ =	shalt  }
0x74: {  	_ =	shalt  }
0x75: {  	_ =	shalt  }
0x76: {  	_ =	shalt  }
0x77: {  	_ =	shalt  }
0x78: {  	_ =	shalt  }
0x79: {  	_ =	shalt  }
0x7a: {  	_ =	shalt  }
0x7b: {  	_ =	shalt  }
0x7c: {  	_ =	shalt  }
0x7d: {  	_ =	shalt  }
0x7e: {  	_ =	shalt  }
0x7f: {  	_ =	shalt  }
0x80: {  	_ =	shalt  }
0x81: {  	_ =	shalt  }
0x82: {  	_ =	shalt  }
0x83: {  	_ =	shalt  }
0x84: {  	_ =	shalt  }
0x85: {  	_ =	shalt  }
0x86: {  	_ =	shalt  }
0x87: {  	_ =	shalt  }
.Lfunc_end0:
.L_simem_size_0:
called_computation_lowered:
.L_overlay_start_0:
0x88: {  	s2 =	sld [smem:$0x3FD9]  }
0x89: {  	s3 =	sld [smem:$0x3FFE];
	_ =	sdelay $0x1  }
0x8a: {  	s1 =	srdreg.scid  }
0x8b: {  	s0 =	sand.u32 $0x1, s1  }
0x8c: {  	s17 =	sshll.u32 s0, $0xA;
	s2 =	sadd.s32 s3, s2  }
0x8d: {  	s2 =	sadd.s32 s2, s17  }
0x8e: {  	[smem:$0x3FC6] =	sst s2  }
0x8f: {  	_ = 	snop  }
0x90: {  	s2 =	sld [smem:$0x3FC9]  }
0x91: {  	s18 =	sld [smem:$0x3FD0];
	(tm) =	ssettm $0x1  }
0x92: {  	s4 =	sld [smem:$0x3FFB];
	_ =	sdelay $0x3  }
0x93: {  	_ =	strace s4  }
0x94: {  	s4 =	sld [smem:$0x3FFC];
	_ =	sdelay $0x3  }
0x95: {  	_ =	strace s4  }
0x96: {  	s4 =	sld [smem:$0x3FFD];
	_ =	sdelay $0x3  }
0x97: {  	_ =	strace s4  }
0x98: {  	_ =	strace $0x8FFFFFFF  }
0x99: {  	s19 =	sld [smem:$0x3FDB];
	_ =	sdelay $0x1  }
0x9a: {  	s5 =	simm.s32 $_scs_section_size  }
0x9b: {  	s6 =	simm.s32 $_size__tile_overlayer_lowered;
	s7 =	simm.s32 $_tile_overlayer_lowered  }
0x9c: {  	s22 =	simm.s32 $0x1BFF;
	s21 =	sshll.u32 s7, $0x1;
	s4 =	sadd.s32 s5, s19  }
0x9d: {  	s8 =	simm.s32 $0x0;
	s20 =	sshll.u32 s6, $0x1;
	s6 =	sadd.s32 s21, s4  }
0x9e: {  	[timem:s8], [sflag:s22] =	dma.local [hbm:s6], s20  }
0x9f: {  	_ =	swait.ge [sflag:s22], s20  }
0xa0: {  	s5 =	ssub.s32 $0x0, s20;
	[sflag:s22] =	ssyncset.done $0x0  }
0xa1: {  	[sflag:s22] =	ssyncadd.s32 s5;
	_ =	sdelay $0x1  }
0xa2: {  	s23 =	simm.s32 $0x1B8B  }
0xa3: {  	_ =	swait.ge [sflag:s23], $0x1  }
0xa4: {  	[sflag:s23] =	ssyncset.done $0x0  }
0xa5: {  	s25 =	simm.s32 $0x1B8E;
	s24 =	sld [smem:$0x3FFE];
	[sflag:s23] =	ssyncadd.s32 $0xFFFFFFFF  }
0xa6: {  	s26 =	simm.s32 $execute0_lowered;
	[smem:$0x3FD2] =	sst s25  }
0xa7: {  	s6 =	sshll.u32 s26, $0x1;
	_ =	strace $0x80000046;
	[dreg:$0x1] =	wrdreg $0xFFFFFFFF  }
0xa8: {  	s28 =	simm.s32 $_size_execute0_lowered;
	s4 =	sadd.s32 s4, s6;
	[dreg:$0x0] =	wrdreg $0x0  }
0xa9: {  	s6 =	sshll.u32 s28, $0x1;
	[dreg:$0x2] =	wrdreg s4  }
0xaa: {  	[dreg:$0x3] =	wrdreg s6  }
0xab: {  	[dreg:$0x4] =	wrdreg $0xC0  }
0xac: {  	_ =	task [dreg:s8], $0x5FFFF  }
0xad: {  	[dreg:$0x1] =	wrdreg $0xFFFFFFFF  }
0xae: {  	[dreg:$0x0] =	wrdreg $0x60  }
0xaf: {  	[dreg:$0x2] =	wrdreg s2  }
0xb0: {  	[dreg:$0x3] =	wrdreg s24  }
0xb1: {  	[dreg:$0x4] =	wrdreg s18  }
0xb2: {  	[dreg:$0x5] =	wrdreg $0xB6800  }
0xb3: {  	[dreg:$0x6] =	wrdreg $0x9  }
0xb4: {  	_ =	task.clear_ibuf [dreg:s8], $0x7FFFF;
	_ =	strace $0x90000046  }
0xb5: {  	s29 =	simm.s32 $0x9;
	_ =	strace $0x80000048  }
0xb6: {  	_ =	swait.ge [sflag:s29], $0x1  }
0xb7: {  	[sflag:s29] =	ssyncadd.s32 $0xFFFFFFFF  }
0xb8: {  	_ =	strace $0x90000048  }
0xb9: {  	_ =	sfence  }
0xba: {  	s30 =	sld [smem:$0x0];
	_ =	sdelay $0x2  }
0xbb: {  	s31 =	sshll.u32 s1, $0xD;
	s1 =	sshrl.u32 s1, $0x2  }
0xbc: {  	s3 =	sand.u32 $0x4000, s31;
	s1 =	sadd.s32 s1, s30  }
0xbd: {  	s0 =	sor.u32 s3, s0;
	s1 =	sshll.u32 s1, $0x11  }
0xbe: {  	s0 =	sor.u32 s1, s0  }
0xbf: {  	s0 =	sadd.s32 $0x8F2B, s0  }
0xc0: {  	[sflag:s0] =	ssyncadd.remote.s32 $0x1  }
0xc1: {  	_ =	sfence.sel $0xFFFF  }
0xc2: {  	[dreg:$0x0] =	wrdreg $0xFFFFFFFF;
	(pc) =	sbr.abs _section_cstart, $3  }
0xc3: {  	[dreg:$0x1] =	wrdreg $0xFFFFFFFF  }
0xc4: {  	_ =	task.clear_ibuf [dreg:s8], $0x2FFFF;
	_ =	strace $0x9FFFFFFF  }
0xc5: {  	(tm) =	ssettm $0x7FFFFFFF  }
tec
execute0_lowered:
.L_overlay_start_1:
0x0: {  	(tag) =	ssettag $0x1  }
0x1: {  	s0 =	rddreg [dreg:$0x0]  }
0x2: {  	s5 =	rddreg [dreg:$0x1]  }
0x3: {  	s8 =	rddreg [dreg:$0x2]  }
0x4: {  	s1 =	rddreg [dreg:$0x3]  }
0x5: {  	s2 =	simm.s32 $0x0;
	s3 =	srdreg.scid;
	s10 =	stileid.u32  }
0x6: {  	s14 =	simm.s32 $0x20;
	s15 =	simm.s32 $0x4F00;
	s16 =	simm.s32 $0x6F00  }
0x7: {  	s17 =	simm.s32 $0x5F00;
	s18 =	simm.s32 $0x7F00;
	s19 =	simm.s32 $0x1  }
0x8: {  	s20 =	simm.s32 $0x2;
	s21 =	simm.s32 $0x10;
	s25 =	simm.s32 $0x0  }
0x9: {  	[smem:$0x7FF] =	sst s2;
	s3 =	sand.u32 $0x1, s3;
	s7 =	smul.u32 $0x4E000, s10  }
0xa: {  	s6 =	sshll.u32 s10, $0x1;
	s29 =	smul.u32 $0x2700, s10;
	s31 =	sshll.u32 s10, $0x6  }
0xb: {  	s13 =	sadd.s32 $0x138000, s1;
	p0 =	sne.s32 s10, $0x0;
	_ =	strace $0x80000047  }
0xc: {  	s4 =	ssub.s32 $0x2, s3;
	s3 =	sor.u32 s3, s6;
	s6 =	sadd.s32 $0x27000, s0  }
0xd: {  	s9 =	sshrl.u32 s4, $0x1;
	s30 =	sshrl.u32 s7, $0x2;
	s11 =	smul.u32 $0x4E2, s3  }
0xe: {  	s3 =	sadd.s32 s0, s29;
	s9 =	ssub.s32 s4, s9;
	s12 =	sadd.s32 s30, s1  }
0xf: {  	s4 =	sor.u32 $0x1C03, s31;
	s5 =	sadd.s32 s5, s11;
	s8 =	sadd.s32 s8, s11  }
0x10: {  	s9 =	smax.u32 s9, $0x1;
	s10 =	sshrl.u32 s12, $0x3;
	s11 =	simm.s32 $0x3  }
0x11: {  	v0 =	vlaneseq.u32;
	s12 =	sshrl.u32 @!p0 s13, $0x3;
	s13 =	simm.s32 $0x2780;
	s7 =	sadd.s32 $0x9E00, s5  }
.LBB2_1:
0x12: {  	[spmem:s10], [sflag:s4] =	dma.local [hbm:s3], $0x2700  }
0x13: {  	_ =	swait.ge [sflag:s11], $0x2700  }
0x14: {  	[sflag:s11] =	ssyncset.done $0x0  }
0x15: {  	s0 =	simm.s32 @!p0 $0x3;
	[sflag:s11] =	ssyncadd.s32 $0xFFFFD900  }
0x16: {  	[spmem:s12], [sflag:s4] =	dma.local @!p0 [hbm:s6], $0x100  }
0x17: {  	_ =	swait.ge @!p0 [sflag:s0], $0x100  }
0x18: {  	[sflag:s0] =	ssyncset.done @!p0 $0x0  }
0x19: {  	[sflag:s0] =	ssyncadd.s32 @!p0 $0xFFFFFF00  }
0x1a: {  	[tilespmem:s2], [sflag:$0x3] =	stream.linear.gather [hbm4b:s7+s2], $0x2710, $0x38;
	[tilespmem:$0x1EF00] =	vst v63  }
0x1b: {  	_ =	swait.ge [sflag:s11], $0x2710  }
0x1c: {  	[sflag:s11] =	ssyncset.done $0x0  }
0x1d: {  	[sflag:s11] =	ssyncadd.s32 $0xFFFFD8F0  }
0x1e: {  	[tilespmem:s13], [sflag:$0x3] =	stream.linear.gather [hbm4b:s5+s2], $0x2710, $0x38;
	[tilespmem:$0x1EF00] =	vst v63  }
0x1f: {  	_ =	swait.ge [sflag:s11], $0x2710  }
0x20: {  	[sflag:s11] =	ssyncset.done $0x0  }
0x21: {  	[sflag:s11] =	ssyncadd.s32 $0xFFFFD8F0  }
0x22: {  	[bflag:$0x0] =	sbarrier.arrive $0xFFFF  }
0x23: {  	[tilespmem:s15], [sflag:$0x1] =	stream.indirect.gather [spmem:s1], $0x80, s2, s14, $0xb8;
	[tilespmem:$0x1EF00] =	vst v63  }
0x24: {  	s26 =	simm.s32 $0x0  }
0x25: {  	[tilespmem:s16], [sflag:$0x1] =	stream.indirect.gather [spmem:s1], $0x80, s13, s14, $0xb8;
	[tilespmem:$0x1EF00] =	vst v63  }
.LBB2_2:
0x26: {  	s29 =	sshll.u32 s26, $0x6  }
0x27: {  	s28 =	sor.u32 $0x20, s29  }
0x28: {  	[tilespmem:s17], [sflag:$0x2] =	stream.indirect.gather [spmem:s1], $0x80, s28, s14, $0xb8;
	[tilespmem:$0x1EF00] =	vst v63  }
0x29: {  	s0 =	sadd.s32 $0x27A0, s29  }
0x2a: {  	[tilespmem:s18], [sflag:$0x2] =	stream.indirect.gather [spmem:s1], $0x80, s0, s14, $0xb8;
	[tilespmem:$0x1EF00] =	vst v63  }
0x2b: {  	_ =	swait.ge [sflag:s19], $0x1000  }
0x2c: {  	[sflag:s19] =	ssyncset.done $0x0  }
0x2d: {  	[sflag:s19] =	ssyncadd.s32 $0xFFFFF000  }
0x2e: {  	_ =	swait.ge [sflag:s19], $0x1000  }
0x2f: {  	[sflag:s19] =	ssyncset.done $0x0  }
0x30: {  	s24 =	simm.s32 $0x4F80;
	[sflag:s19] =	ssyncadd.s32 $0xFFFFF000  }
0x31: {  	s22 =	simm.s32 $0x6F80;
	v4 =	vld [tilespmem:s24+$0x70]  }
0x32: {  	v5 =	vld [tilespmem:s22+$0x70]  }
0x33: {  	v1 =	vld [tilespmem:s24+$0x60]  }
0x34: {  	v3 =	vld [tilespmem:s22+$0x60]  }
0x35: {  	v2 =	vld [tilespmem:s24+$0x50]  }
0x36: {  	v6 =	vld [tilespmem:s22+$0x50]  }
0x37: {  	v7 =	vld [tilespmem:s24+$0x40]  }
0x38: {  	v8 =	vld [tilespmem:s22+$0x40]  }
0x39: {  	v9 =	vld [tilespmem:s24+$0x30]  }
0x3a: {  	v10 =	vld [tilespmem:s22+$0x30]  }
0x3b: {  	v11 =	vld [tilespmem:s24+$0x20]  }
0x3c: {  	v12 =	vld [tilespmem:s22+$0x20]  }
0x3d: {  	v13 =	vld [tilespmem:s24+$0x0]  }
0x3e: {  	v14 =	vld [tilespmem:s22+$0x0]  }
0x3f: {  	v15 =	vld [tilespmem:s24+$0x10]  }
0x40: {  	v16 =	vld [tilespmem:s22+$0x10]  }
0x41: {  	v17 =	vld [tilespmem:s24+$0xFFFFFF80]  }
0x42: {  	v18 =	vld [tilespmem:s22+$0xFFFFFF80]  }
0x43: {  	v19 =	vld [tilespmem:s24+$0xFFFFFF90]  }
0x44: {  	v20 =	vld [tilespmem:s22+$0xFFFFFF90]  }
0x45: {  	v21 =	vld [tilespmem:s24+$0xFFFFFFA0]  }
0x46: {  	v22 =	vld [tilespmem:s22+$0xFFFFFFA0]  }
0x47: {  	v23 =	vld [tilespmem:s24+$0xFFFFFFB0]  }
0x48: {  	v13 =	vmul.f32 v14, v13;
	v14 =	vmul.f32 v16, v15;
	v15 =	vld [tilespmem:s22+$0xFFFFFFB0]  }
0x49: {  	v16 =	vmul.f32 v18, v17;
	v17 =	vmul.f32 v20, v19;
	v18 =	vld [tilespmem:s24+$0xFFFFFFC0]  }
0x4a: {  	v11 =	vmul.f32 v12, v11;
	v12 =	vld [tilespmem:s22+$0xFFFFFFC0];
	v13 =	vadd.f32 v14, v13  }
0x4b: {  	v9 =	vmul.f32 v10, v9;
	v10 =	vld [tilespmem:s22+$0xFFFFFFD0];
	v14 =	vadd.f32 v17, v16;
	v16 =	vmul.f32 v22, v21  }
0x4c: {  	v17 =	vld [tilespmem:s24+$0xFFFFFFD0];
	v11 =	vadd.f32 v11, v13  }
0x4d: {  	v7 =	vmul.f32 v8, v7;
	v8 =	vld [tilespmem:s22+$0xFFFFFFE0];
	v13 =	vadd.f32 v16, v14;
	v14 =	vmul.f32 v15, v23  }
0x4e: {  	v15 =	vld [tilespmem:s24+$0xFFFFFFE0];
	v9 =	vadd.f32 v9, v11  }
0x4f: {  	v12 =	vmul.f32 v12, v18;
	v11 =	vadd.f32 v14, v13;
	v13 =	vld [tilespmem:s24+$0xFFFFFFF0]  }
0x50: {  	s31 =	simm.s32 $0x7080;
	v6 =	vmul.f32 v6, v2;
	v7 =	vadd.f32 v7, v9;
	v9 =	vld [tilespmem:s22+$0xFFFFFFF0]  }
0x51: {  	v24 =	vld [tilespmem:s31+$0x10];
	v10 =	vmul.f32 v10, v17;
	v11 =	vadd.f32 v12, v11  }
0x52: {  	s30 =	simm.s32 $0x5080;
	v25 =	vld [tilespmem:s31+$0xFFFFFF90];
	v6 =	vadd.f32 v6, v7;
	v7 =	vmul.f32 v3, v1  }
0x53: {  	v2 =	vld [tilespmem:s30+$0x70];
	v8 =	vmul.f32 v8, v15;
	v10 =	vadd.f32 v10, v11  }
0x54: {  	v4 =	vmul.f32 v5, v4;
	v5 =	vld [tilespmem:s31+$0x60];
	v7 =	vadd.f32 v7, v6  }
0x55: {  	v19 =	vld [tilespmem:s30+$0x0];
	v10 =	vadd.f32 v8, v10;
	v9 =	vmul.f32 v9, v13  }
0x56: {  	v20 =	vld [tilespmem:s31+$0x0];
	v4 =	vadd.f32 v4, v7  }
0x57: {  	v22 =	vld [tilespmem:s30+$0x10];
	v11 =	vadd.f32 v9, v10  }
0x58: {  	v21 =	vld [tilespmem:s31+$0xFFFFFF80];
	(xrf2) =	vadd.scan.msk.f32 $0xffff, v4  }
0x59: {  	v18 =	vld [tilespmem:s30+$0xFFFFFF80];
	(xrf2) =	vadd.scan.msk.f32 $0xffff, v11  }
0x5a: {  	v23 =	vld [tilespmem:s30+$0xFFFFFF90]  }
0x5b: {  	v14 =	vld [tilespmem:s31+$0x20]  }
0x5c: {  	v1 =	vld [tilespmem:s31+$0x70]  }
0x5d: {  	v3 =	vld [tilespmem:s30+$0x60]  }
0x5e: {  	v6 =	vld [tilespmem:s30+$0x50]  }
0x5f: {  	v8 =	vld [tilespmem:s30+$0x40]  }
0x60: {  	v13 =	vld [tilespmem:s30+$0x20]  }
0x61: {  	v7 =	vld [tilespmem:s31+$0x50]  }
0x62: {  	s23 =	simm.s32 $0x0;
	v9 =	vld [tilespmem:s31+$0x40];
	v12, _, _ =	vpop (xrf2)  }
0x63: {  	v16 =	vmov s23;
	s24 =	simm.s32 $0x1;
	v10 =	vld [tilespmem:s30+$0x30];
	v15, _, _ =	vpop (xrf2)  }
0x64: {  	s0 =	simm.s32 $0x2;
	s22 =	simm.s32 $0x4;
	v17 =	vmov s24;
	v4 =	vimm.f32 $0.0e+00;
	v11 =	vld [tilespmem:s31+$0x30];
	v15 =	vbroadcast v15, $0xF  }
.LBB2_3:
0x65: {  	p1 =	slt.u32 s22, $0xE;
	v26 =	vld [tilespmem:s30+$0xFFFFFFA0];
	vm0 =	veq.s32 v16, v0;
	vm1 =	veq.s32 v17, v0;
	v12 =	vbroadcast v12, $0xF  }
0x66: {  	v17 =	vmul.f32 v20, v19;
	v19 =	vmul.f32 v24, v22;
	v16 =	vld [tilespmem:s31+$0xFFFFFFA0];
	v4 =	vsel vm0, v15, v4  }
0x67: {  	v15 =	vld [tilespmem:s30+$0xFFFFFFB0];
	v4 =	vsel vm1, v12, v4  }
0x68: {  	v13 =	vmul.f32 v14, v13;
	v17 =	vadd.f32 v19, v17;
	v12 =	vld [tilespmem:s31+$0xFFFFFFB0]  }
0x69: {  	v14 =	vmul.f32 v21, v18;
	v18 =	vmul.f32 v25, v23;
	v19 =	vld [tilespmem:s30+$0xFFFFFFC0]  }
0x6a: {  	v10 =	vmul.f32 v11, v10;
	v13 =	vadd.f32 v13, v17;
	v20 =	vld [tilespmem:s31+$0xFFFFFFC0]  }
0x6b: {  	v11 =	vadd.f32 v18, v14;
	v14 =	vmul.f32 v16, v26;
	v16 =	vld [tilespmem:s30+$0xFFFFFFD0]  }
0x6c: {  	v8 =	vmul.f32 v9, v8;
	v10 =	vadd.f32 v10, v13;
	v17 =	vld [tilespmem:s31+$0xFFFFFFD0]  }
0x6d: {  	v9 =	vadd.f32 v14, v11;
	v11 =	vmul.f32 v12, v15;
	v12 =	vld [tilespmem:s30+$0xFFFFFFE0]  }
0x6e: {  	v6 =	vmul.f32 v7, v6;
	v8 =	vadd.f32 v8, v10;
	v13 =	vld [tilespmem:s31+$0xFFFFFFE0]  }
0x6f: {  	v7 =	vadd.f32 v11, v9;
	v9 =	vmul.f32 v20, v19;
	v10 =	vld [tilespmem:s30+$0xFFFFFFF0]  }
0x70: {  	v3 =	vmul.f32 v5, v3;
	v6 =	vadd.f32 v6, v8;
	s30 =	sadd.s32 $0x100, s30;
	v11 =	vld [tilespmem:s31+$0xFFFFFFF0]  }
0x71: {  	s31 =	sadd.s32 $0x100, s31;
	v8 =	vld [tilespmem:s30+$0x70];
	v5 =	vadd.f32 v9, v7;
	v7 =	vmul.f32 v17, v16  }
0x72: {  	v2 =	vmul.f32 v1, v2;
	v6 =	vadd.f32 v3, v6;
	v1 =	vld [tilespmem:s31+$0x70]  }
0x73: {  	v3 =	vld [tilespmem:s30+$0x60];
	v7 =	vadd.f32 v7, v5;
	v9 =	vmul.f32 v13, v12  }
0x74: {  	v12 =	vadd.f32 v2, v6;
	v5 =	vld [tilespmem:s31+$0x60]  }
0x75: {  	v6 =	vld [tilespmem:s30+$0x50];
	v9 =	vadd.f32 v9, v7;
	v10 =	vmul.f32 v11, v10  }
0x76: {  	v7 =	vld [tilespmem:s31+$0x50];
	(xrf2) =	vadd.scan.msk.f32 $0xffff, v12;
	v2 =	vmov v8  }
0x77: {  	v8 =	vld [tilespmem:s30+$0x40];
	v11 =	vadd.f32 v10, v9  }
0x78: {  	v9 =	vld [tilespmem:s31+$0x40]  }
0x79: {  	v10 =	vld [tilespmem:s30+$0x30];
	(xrf2) =	vadd.scan.msk.f32 $0xffff, v11  }
0x7a: {  	v11 =	vld [tilespmem:s31+$0x30]  }
0x7b: {  	v13 =	vld [tilespmem:s30+$0x20]  }
0x7c: {  	v14 =	vld [tilespmem:s31+$0x20]  }
0x7d: {  	v19 =	vld [tilespmem:s30+$0x0]  }
0x7e: {  	v20 =	vld [tilespmem:s31+$0x0]  }
0x7f: {  	v22 =	vld [tilespmem:s30+$0x10]  }
.Ltmp0:
0x80: {  	v24 =	vld [tilespmem:s31+$0x10];
	v12, _, _ =	vpop (xrf2);
	(pc) =	sbr.rel @p1 .LBB2_3-.Ltmp0, $4  }
0x81: {  	v18 =	vld [tilespmem:s30+$0xFFFFFF80]  }
0x82: {  	v21 =	vld [tilespmem:s31+$0xFFFFFF80]  }
0x83: {  	s23 =	sadd.s32 $0x1, s0;
	v23 =	vld [tilespmem:s30+$0xFFFFFF90];
	v15, _, _ =	vpop (xrf2)  }
0x84: {  	v16 =	vmov s0;
	v17 =	vmov s23;
	s0 =	smov.u32 s22;
	s22 =	sadd.s32 $0x2, s22;
	v25 =	vld [tilespmem:s31+$0xFFFFFF90];
	v15 =	vbroadcast v15, $0xF  }
0x85: {  	v26 =	vld [tilespmem:s30+$0xFFFFFFA0]  }
0x86: {  	v27 =	vld [tilespmem:s31+$0xFFFFFFA0]  }
0x87: {  	v28 =	vld [tilespmem:s30+$0xFFFFFFB0];
	v19 =	vmul.f32 v20, v19  }
0x88: {  	v20 =	vmul.f32 v24, v22;
	v22 =	vld [tilespmem:s31+$0xFFFFFFB0];
	v13 =	vmul.f32 v14, v13  }
0x89: {  	v14 =	vld [tilespmem:s31+$0xFFFFFFC0];
	v18 =	vmul.f32 v21, v18;
	v21 =	vmul.f32 v25, v23  }
0x8a: {  	v19 =	vadd.f32 v20, v19;
	v23 =	vld [tilespmem:s30+$0xFFFFFFC0]  }
0x8b: {  	v10 =	vmul.f32 v11, v10;
	v11 =	vld [tilespmem:s31+$0xFFFFFFD0];
	v20 =	vmul.f32 v27, v26;
	v18 =	vadd.f32 v21, v18  }
0x8c: {  	v13 =	vadd.f32 v13, v19;
	v21 =	vld [tilespmem:s30+$0xFFFFFFD0]  }
0x8d: {  	v8 =	vmul.f32 v9, v8;
	v9 =	vld [tilespmem:s31+$0xFFFFFFE0];
	v19 =	vmul.f32 v22, v28;
	v18 =	vadd.f32 v20, v18  }
0x8e: {  	v10 =	vadd.f32 v10, v13;
	v20 =	vld [tilespmem:s30+$0xFFFFFFE0]  }
0x8f: {  	v6 =	vmul.f32 v7, v6;
	v7 =	vld [tilespmem:s31+$0xFFFFFFF0];
	v14 =	vmul.f32 v14, v23;
	v13 =	vadd.f32 v19, v18  }
0x90: {  	v8 =	vadd.f32 v8, v10;
	v18 =	vld [tilespmem:s30+$0xFFFFFFF0]  }
0x91: {  	v11 =	vmul.f32 v11, v21;
	v10 =	vadd.f32 v14, v13  }
0x92: {  	v3 =	vmul.f32 v5, v3;
	v6 =	vadd.f32 v6, v8  }
0x93: {  	v8 =	vmul.f32 v9, v20;
	v5 =	vadd.f32 v11, v10  }
0x94: {  	v1 =	vmul.f32 v1, v2;
	v3 =	vadd.f32 v3, v6  }
0x95: {  	v2 =	vadd.f32 v8, v5;
	v5 =	vmul.f32 v7, v18  }
0x96: {  	v1 =	vadd.f32 v1, v3  }
0x97: {  	v2 =	vadd.f32 v5, v2  }
0x98: {  	(xrf2) =	vadd.scan.msk.f32 $0xffff, v1  }
0x99: {  	(xrf2) =	vadd.scan.msk.f32 $0xffff, v2;
	_ =	sdelay $0x8  }
0x9a: {  	vm0 =	veq.s32 v16, v0;
	v1 =	vbroadcast v12, $0xF;
	v2, _, _ =	vpop (xrf2)  }
0x9b: {  	vm1 =	veq.s32 v17, v0;
	v3 =	vsel vm0, v15, v4;
	v4, _, _ =	vpop (xrf2)  }
0x9c: {  	s22 =	sadd.s32 $0x1, s0;
	v1 =	vsel vm1, v1, v3;
	v3 =	vmov s0;
	v4 =	vbroadcast v4, $0xF  }
0x9d: {  	v5 =	vmov s22;
	vm14 =	veq.s32 v3, v0;
	v2 =	vbroadcast v2, $0xF  }
0x9e: {  	vm15 =	veq.s32 v5, v0;
	v1 =	vsel vm14, v4, v1  }
0x9f: {  	v1 =	vsel vm15, v2, v1  }
0xa0: {  	v1 =	vsub.f32 $0.0e+00, v1;
	_ =	sdelay $0x1  }
0xa1: {  	v1 =	vmul.f32 $1.442695020e+00, v1;
	_ =	sdelay $0x1  }
0xa2: {  	(erf) = vpow2.f32 v1;
	_ =	sdelay $0x8  }
0xa3: {  	v1 =	vpop (erf)  }
0xa4: {  	v1 =	vadd.f32 $1.000000000e+00, v1;
	_ =	sdelay $0x1  }
0xa5: {  	(erf) = vrcp.f32 v1;
	_ =	sdelay $0x8  }
0xa6: {  	v1 =	vpop (erf)  }
0xa7: {  	s23 =	simm.s32 $0x57F0;
	[tilespmem:s29+$0x8F00] =	vst v1  }
0xa8: {  	s24 =	simm.s32 $0x77F0;
	v4 =	vld [tilespmem:s23+$0x0]  }
0xa9: {  	v5 =	vld [tilespmem:s24+$0x0]  }
0xaa: {  	v1 =	vld [tilespmem:s23+$0xFFFFFFF0]  }
0xab: {  	v3 =	vld [tilespmem:s24+$0xFFFFFFF0]  }
0xac: {  	v2 =	vld [tilespmem:s23+$0xFFFFFFE0]  }
0xad: {  	v6 =	vld [tilespmem:s24+$0xFFFFFFE0]  }
0xae: {  	v7 =	vld [tilespmem:s23+$0xFFFFFFD0]  }
0xaf: {  	v8 =	vld [tilespmem:s24+$0xFFFFFFD0]  }
0xb0: {  	v9 =	vld [tilespmem:s23+$0xFFFFFFC0]  }
0xb1: {  	v10 =	vld [tilespmem:s24+$0xFFFFFFC0]  }
0xb2: {  	v11 =	vld [tilespmem:s23+$0xFFFFFFB0]  }
0xb3: {  	v12 =	vld [tilespmem:s24+$0xFFFFFFB0]  }
0xb4: {  	v13 =	vld [tilespmem:s23+$0xFFFFFF90]  }
0xb5: {  	v14 =	vld [tilespmem:s24+$0xFFFFFF90]  }
0xb6: {  	v15 =	vld [tilespmem:s23+$0xFFFFFFA0]  }
0xb7: {  	v16 =	vld [tilespmem:s24+$0xFFFFFFA0]  }
0xb8: {  	v17 =	vld [tilespmem:s23+$0xFFFFFF10]  }
0xb9: {  	v18 =	vld [tilespmem:s24+$0xFFFFFF10]  }
0xba: {  	v19 =	vld [tilespmem:s23+$0xFFFFFF20]  }
0xbb: {  	v20 =	vld [tilespmem:s24+$0xFFFFFF20]  }
0xbc: {  	v21 =	vld [tilespmem:s23+$0xFFFFFF30]  }
0xbd: {  	v22 =	vld [tilespmem:s24+$0xFFFFFF30]  }
0xbe: {  	v23 =	vld [tilespmem:s23+$0xFFFFFF40]  }
0xbf: {  	v13 =	vmul.f32 v14, v13;
	v14 =	vmul.f32 v16, v15;
	v15 =	vld [tilespmem:s24+$0xFFFFFF40]  }
0xc0: {  	v16 =	vmul.f32 v18, v17;
	v17 =	vmul.f32 v20, v19;
	v18 =	vld [tilespmem:s23+$0xFFFFFF50]  }
0xc1: {  	v11 =	vmul.f32 v12, v11;
	v12 =	vld [tilespmem:s24+$0xFFFFFF50];
	v13 =	vadd.f32 v14, v13  }
0xc2: {  	v9 =	vmul.f32 v10, v9;
	v10 =	vld [tilespmem:s24+$0xFFFFFF60];
	v14 =	vadd.f32 v17, v16;
	v16 =	vmul.f32 v22, v21  }
0xc3: {  	v17 =	vld [tilespmem:s23+$0xFFFFFF60];
	v11 =	vadd.f32 v11, v13  }
0xc4: {  	v7 =	vmul.f32 v8, v7;
	v8 =	vld [tilespmem:s24+$0xFFFFFF70];
	v13 =	vadd.f32 v16, v14;
	v14 =	vmul.f32 v15, v23  }
0xc5: {  	v15 =	vld [tilespmem:s23+$0xFFFFFF70];
	v9 =	vadd.f32 v9, v11  }
0xc6: {  	v12 =	vmul.f32 v12, v18;
	v11 =	vadd.f32 v14, v13;
	v13 =	vld [tilespmem:s23+$0xFFFFFF80]  }
0xc7: {  	s31 =	simm.s32 $0x78F0;
	v6 =	vmul.f32 v6, v2;
	v7 =	vadd.f32 v7, v9;
	v9 =	vld [tilespmem:s24+$0xFFFFFF80]  }
0xc8: {  	v24 =	vld [tilespmem:s31+$0xFFFFFFA0];
	v10 =	vmul.f32 v10, v17;
	v11 =	vadd.f32 v12, v11  }
0xc9: {  	s30 =	simm.s32 $0x58F0;
	v25 =	vld [tilespmem:s31+$0xFFFFFF20];
	v6 =	vadd.f32 v6, v7;
	v7 =	vmul.f32 v3, v1  }
0xca: {  	v2 =	vld [tilespmem:s30+$0x0];
	v8 =	vmul.f32 v8, v15;
	v10 =	vadd.f32 v10, v11  }
0xcb: {  	v4 =	vmul.f32 v5, v4;
	v5 =	vld [tilespmem:s31+$0xFFFFFFF0];
	v7 =	vadd.f32 v7, v6  }
0xcc: {  	v19 =	vld [tilespmem:s30+$0xFFFFFF90];
	v10 =	vadd.f32 v8, v10;
	v9 =	vmul.f32 v9, v13  }
0xcd: {  	v20 =	vld [tilespmem:s31+$0xFFFFFF90];
	v4 =	vadd.f32 v4, v7  }
0xce: {  	v22 =	vld [tilespmem:s30+$0xFFFFFFA0];
	v11 =	vadd.f32 v9, v10  }
0xcf: {  	v21 =	vld [tilespmem:s31+$0xFFFFFF10];
	(xrf2) =	vadd.scan.msk.f32 $0xffff, v4  }
0xd0: {  	v18 =	vld [tilespmem:s30+$0xFFFFFF10];
	(xrf2) =	vadd.scan.msk.f32 $0xffff, v11  }
0xd1: {  	v23 =	vld [tilespmem:s30+$0xFFFFFF20]  }
0xd2: {  	v14 =	vld [tilespmem:s31+$0xFFFFFFB0]  }
0xd3: {  	v1 =	vld [tilespmem:s31+$0x0]  }
0xd4: {  	v3 =	vld [tilespmem:s30+$0xFFFFFFF0]  }
0xd5: {  	v6 =	vld [tilespmem:s30+$0xFFFFFFE0]  }
0xd6: {  	v8 =	vld [tilespmem:s30+$0xFFFFFFD0]  }
0xd7: {  	v13 =	vld [tilespmem:s30+$0xFFFFFFB0]  }
0xd8: {  	v7 =	vld [tilespmem:s31+$0xFFFFFFE0]  }
0xd9: {  	s23 =	simm.s32 $0x0;
	v9 =	vld [tilespmem:s31+$0xFFFFFFD0];
	v12, _, _ =	vpop (xrf2)  }
0xda: {  	s24 =	simm.s32 $0x1;
	v16 =	vmov s23;
	v10 =	vld [tilespmem:s30+$0xFFFFFFC0];
	v15, _, _ =	vpop (xrf2)  }
0xdb: {  	s0 =	simm.s32 $0x2;
	s22 =	simm.s32 $0x4;
	v17 =	vmov s24;
	v4 =	vimm.f32 $0.0e+00;
	v11 =	vld [tilespmem:s31+$0xFFFFFFC0];
	v15 =	vbroadcast v15, $0xF  }
.LBB2_5:
0xdc: {  	p1 =	slt.u32 s22, $0xE;
	v26 =	vld [tilespmem:s30+$0xFFFFFF30];
	vm0 =	veq.s32 v16, v0;
	vm1 =	veq.s32 v17, v0;
	v12 =	vbroadcast v12, $0xF  }
0xdd: {  	v17 =	vmul.f32 v20, v19;
	v19 =	vmul.f32 v24, v22;
	v16 =	vld [tilespmem:s31+$0xFFFFFF30];
	v4 =	vsel vm0, v15, v4  }
0xde: {  	v15 =	vld [tilespmem:s30+$0xFFFFFF40];
	v4 =	vsel vm1, v12, v4  }
0xdf: {  	v13 =	vmul.f32 v14, v13;
	v17 =	vadd.f32 v19, v17;
	v12 =	vld [tilespmem:s31+$0xFFFFFF40]  }
0xe0: {  	v14 =	vmul.f32 v21, v18;
	v18 =	vmul.f32 v25, v23;
	v19 =	vld [tilespmem:s30+$0xFFFFFF50]  }
0xe1: {  	v10 =	vmul.f32 v11, v10;
	v13 =	vadd.f32 v13, v17;
	v20 =	vld [tilespmem:s31+$0xFFFFFF50]  }
0xe2: {  	v11 =	vadd.f32 v18, v14;
	v14 =	vmul.f32 v16, v26;
	v16 =	vld [tilespmem:s30+$0xFFFFFF60]  }
0xe3: {  	v8 =	vmul.f32 v9, v8;
	v10 =	vadd.f32 v10, v13;
	v17 =	vld [tilespmem:s31+$0xFFFFFF60]  }
0xe4: {  	v9 =	vadd.f32 v14, v11;
	v11 =	vmul.f32 v12, v15;
	v12 =	vld [tilespmem:s30+$0xFFFFFF70]  }
0xe5: {  	v6 =	vmul.f32 v7, v6;
	v8 =	vadd.f32 v8, v10;
	v13 =	vld [tilespmem:s31+$0xFFFFFF70]  }
0xe6: {  	v7 =	vadd.f32 v11, v9;
	v9 =	vmul.f32 v20, v19;
	v10 =	vld [tilespmem:s30+$0xFFFFFF80]  }
0xe7: {  	v3 =	vmul.f32 v5, v3;
	v6 =	vadd.f32 v6, v8;
	s30 =	sadd.s32 $0x100, s30;
	v11 =	vld [tilespmem:s31+$0xFFFFFF80]  }
0xe8: {  	s31 =	sadd.s32 $0x100, s31;
	v8 =	vld [tilespmem:s30+$0x0];
	v5 =	vadd.f32 v9, v7;
	v7 =	vmul.f32 v17, v16  }
0xe9: {  	v2 =	vmul.f32 v1, v2;
	v6 =	vadd.f32 v3, v6;
	v1 =	vld [tilespmem:s31+$0x0]  }
0xea: {  	v3 =	vld [tilespmem:s30+$0xFFFFFFF0];
	v7 =	vadd.f32 v7, v5;
	v9 =	vmul.f32 v13, v12  }
0xeb: {  	v12 =	vadd.f32 v2, v6;
	v5 =	vld [tilespmem:s31+$0xFFFFFFF0]  }
0xec: {  	v6 =	vld [tilespmem:s30+$0xFFFFFFE0];
	v9 =	vadd.f32 v9, v7;
	v10 =	vmul.f32 v11, v10  }
0xed: {  	v7 =	vld [tilespmem:s31+$0xFFFFFFE0];
	(xrf2) =	vadd.scan.msk.f32 $0xffff, v12;
	v2 =	vmov v8  }
0xee: {  	v8 =	vld [tilespmem:s30+$0xFFFFFFD0];
	v11 =	vadd.f32 v10, v9  }
0xef: {  	v9 =	vld [tilespmem:s31+$0xFFFFFFD0]  }
0xf0: {  	v10 =	vld [tilespmem:s30+$0xFFFFFFC0];
	(xrf2) =	vadd.scan.msk.f32 $0xffff, v11  }
0xf1: {  	v11 =	vld [tilespmem:s31+$0xFFFFFFC0]  }
0xf2: {  	v13 =	vld [tilespmem:s30+$0xFFFFFFB0]  }
0xf3: {  	v14 =	vld [tilespmem:s31+$0xFFFFFFB0]  }
0xf4: {  	v19 =	vld [tilespmem:s30+$0xFFFFFF90]  }
0xf5: {  	v20 =	vld [tilespmem:s31+$0xFFFFFF90]  }
0xf6: {  	v22 =	vld [tilespmem:s30+$0xFFFFFFA0]  }
.Ltmp1:
0xf7: {  	v24 =	vld [tilespmem:s31+$0xFFFFFFA0];
	v12, _, _ =	vpop (xrf2);
	(pc) =	sbr.rel @p1 .LBB2_5-.Ltmp1, $4  }
0xf8: {  	v18 =	vld [tilespmem:s30+$0xFFFFFF10]  }
0xf9: {  	v21 =	vld [tilespmem:s31+$0xFFFFFF10]  }
0xfa: {  	s23 =	sadd.s32 $0x1, s0;
	v23 =	vld [tilespmem:s30+$0xFFFFFF20];
	v15, _, _ =	vpop (xrf2)  }
0xfb: {  	v16 =	vmov s0;
	v17 =	vmov s23;
	s0 =	smov.u32 s22;
	s22 =	sadd.s32 $0x2, s22;
	v25 =	vld [tilespmem:s31+$0xFFFFFF20];
	v15 =	vbroadcast v15, $0xF  }
0xfc: {  	v26 =	vld [tilespmem:s30+$0xFFFFFF30]  }
0xfd: {  	v27 =	vld [tilespmem:s31+$0xFFFFFF30]  }
0xfe: {  	v28 =	vld [tilespmem:s30+$0xFFFFFF40];
	v19 =	vmul.f32 v20, v19  }
0xff: {  	v20 =	vmul.f32 v24, v22;
	v22 =	vld [tilespmem:s31+$0xFFFFFF40];
	v13 =	vmul.f32 v14, v13  }
0x100: {  	v14 =	vld [tilespmem:s31+$0xFFFFFF50];
	v18 =	vmul.f32 v21, v18;
	v21 =	vmul.f32 v25, v23  }
0x101: {  	v19 =	vadd.f32 v20, v19;
	v23 =	vld [tilespmem:s30+$0xFFFFFF50]  }
0x102: {  	v10 =	vmul.f32 v11, v10;
	v11 =	vld [tilespmem:s31+$0xFFFFFF60];
	v20 =	vmul.f32 v27, v26;
	v18 =	vadd.f32 v21, v18  }
0x103: {  	v13 =	vadd.f32 v13, v19;
	v21 =	vld [tilespmem:s30+$0xFFFFFF60]  }
0x104: {  	v8 =	vmul.f32 v9, v8;
	v9 =	vld [tilespmem:s31+$0xFFFFFF70];
	v19 =	vmul.f32 v22, v28;
	v18 =	vadd.f32 v20, v18  }
0x105: {  	v10 =	vadd.f32 v10, v13;
	v20 =	vld [tilespmem:s30+$0xFFFFFF70]  }
0x106: {  	v6 =	vmul.f32 v7, v6;
	v7 =	vld [tilespmem:s31+$0xFFFFFF80];
	v14 =	vmul.f32 v14, v23;
	v13 =	vadd.f32 v19, v18  }
0x107: {  	v8 =	vadd.f32 v8, v10;
	v18 =	vld [tilespmem:s30+$0xFFFFFF80]  }
0x108: {  	v11 =	vmul.f32 v11, v21;
	v10 =	vadd.f32 v14, v13  }
0x109: {  	v3 =	vmul.f32 v5, v3;
	v6 =	vadd.f32 v6, v8  }
0x10a: {  	v8 =	vmul.f32 v9, v20;
	v5 =	vadd.f32 v11, v10  }
0x10b: {  	v1 =	vmul.f32 v1, v2;
	v3 =	vadd.f32 v3, v6  }
0x10c: {  	v2 =	vadd.f32 v8, v5;
	v5 =	vmul.f32 v7, v18  }
0x10d: {  	v1 =	vadd.f32 v1, v3  }
0x10e: {  	v2 =	vadd.f32 v5, v2  }
0x10f: {  	(xrf2) =	vadd.scan.msk.f32 $0xffff, v1  }
0x110: {  	(xrf2) =	vadd.scan.msk.f32 $0xffff, v2;
	_ =	sdelay $0x8  }
0x111: {  	vm0 =	veq.s32 v16, v0;
	v1 =	vbroadcast v12, $0xF;
	v2, _, _ =	vpop (xrf2)  }
0x112: {  	vm1 =	veq.s32 v17, v0;
	v3 =	vsel vm0, v15, v4;
	v4, _, _ =	vpop (xrf2)  }
0x113: {  	s22 =	sadd.s32 $0x1, s0;
	v1 =	vsel vm1, v1, v3;
	v3 =	vmov s0;
	v4 =	vbroadcast v4, $0xF  }
0x114: {  	v5 =	vmov s22;
	vm14 =	veq.s32 v3, v0;
	v2 =	vbroadcast v2, $0xF  }
0x115: {  	vm15 =	veq.s32 v5, v0;
	v1 =	vsel vm14, v4, v1  }
0x116: {  	v1 =	vsel vm15, v2, v1  }
0x117: {  	v1 =	vsub.f32 $0.0e+00, v1;
	_ =	sdelay $0x1  }
0x118: {  	v1 =	vmul.f32 $1.442695020e+00, v1;
	_ =	sdelay $0x1  }
0x119: {  	(erf) = vpow2.f32 v1;
	_ =	sdelay $0x8  }
0x11a: {  	v1 =	vpop (erf)  }
0x11b: {  	v1 =	vadd.f32 $1.000000000e+00, v1;
	_ =	sdelay $0x1  }
0x11c: {  	(erf) = vrcp.f32 v1;
	_ =	sdelay $0x8  }
0x11d: {  	p1 =	seq.s32 s26, $0x9B;
	v1 =	vpop (erf)  }
0x11e: {  	s23 =	simm.s32 @!p1 $0x4F00;
	s0 =	sadd.s32 @!p1 $0x40, s29;
	s22 =	simm.s32 @!p1 $0x20;
	[tilespmem:s29+$0x8F10] =	vst v1  }
0x11f: {  	[tilespmem:s23], [sflag:$0x1] =	stream.indirect.gather @!p1 [spmem:s1], $0x80, s0, s22, $0xb8;
	[tilespmem:$0x1EF00] =	vst v63  }
0x120: {  	s0 =	sadd.s32 @!p1 $0x27C0, s29;
	s23 =	simm.s32 @!p1 $0x6F00  }
0x121: {  	[tilespmem:s23], [sflag:$0x1] =	stream.indirect.gather @!p1 [spmem:s1], $0x80, s0, s22, $0xb8;
	[tilespmem:$0x1EF00] =	vst v63  }
0x122: {  	_ =	swait.ge [sflag:s20], $0x1000  }
0x123: {  	[sflag:s20] =	ssyncset.done $0x0  }
0x124: {  	[sflag:s20] =	ssyncadd.s32 $0xFFFFF000  }
0x125: {  	_ =	swait.ge [sflag:s20], $0x1000  }
0x126: {  	[sflag:s20] =	ssyncset.done $0x0  }
0x127: {  	s23 =	simm.s32 $0x5FF0;
	[sflag:s20] =	ssyncadd.s32 $0xFFFFF000  }
0x128: {  	s24 =	simm.s32 $0x7FF0;
	v4 =	vld [tilespmem:s23+$0x0]  }
0x129: {  	v5 =	vld [tilespmem:s24+$0x0]  }
0x12a: {  	v1 =	vld [tilespmem:s23+$0xFFFFFFF0]  }
0x12b: {  	v3 =	vld [tilespmem:s24+$0xFFFFFFF0]  }
0x12c: {  	v2 =	vld [tilespmem:s23+$0xFFFFFFE0]  }
0x12d: {  	v6 =	vld [tilespmem:s24+$0xFFFFFFE0]  }
0x12e: {  	v7 =	vld [tilespmem:s23+$0xFFFFFFD0]  }
0x12f: {  	v8 =	vld [tilespmem:s24+$0xFFFFFFD0]  }
0x130: {  	v9 =	vld [tilespmem:s23+$0xFFFFFFC0]  }
0x131: {  	v10 =	vld [tilespmem:s24+$0xFFFFFFC0]  }
0x132: {  	v11 =	vld [tilespmem:s23+$0xFFFFFFB0]  }
0x133: {  	v12 =	vld [tilespmem:s24+$0xFFFFFFB0]  }
0x134: {  	v13 =	vld [tilespmem:s23+$0xFFFFFF90]  }
0x135: {  	v14 =	vld [tilespmem:s24+$0xFFFFFF90]  }
0x136: {  	v15 =	vld [tilespmem:s23+$0xFFFFFFA0]  }
0x137: {  	v16 =	vld [tilespmem:s24+$0xFFFFFFA0]  }
0x138: {  	v17 =	vld [tilespmem:s23+$0xFFFFFF10]  }
0x139: {  	v18 =	vld [tilespmem:s24+$0xFFFFFF10]  }
0x13a: {  	v19 =	vld [tilespmem:s23+$0xFFFFFF20]  }
0x13b: {  	v20 =	vld [tilespmem:s24+$0xFFFFFF20]  }
0x13c: {  	v21 =	vld [tilespmem:s23+$0xFFFFFF30]  }
0x13d: {  	v22 =	vld [tilespmem:s24+$0xFFFFFF30]  }
0x13e: {  	v23 =	vld [tilespmem:s23+$0xFFFFFF40]  }
0x13f: {  	v13 =	vmul.f32 v14, v13;
	v14 =	vmul.f32 v16, v15;
	v15 =	vld [tilespmem:s24+$0xFFFFFF40]  }
0x140: {  	v16 =	vmul.f32 v18, v17;
	v17 =	vmul.f32 v20, v19;
	v18 =	vld [tilespmem:s23+$0xFFFFFF50]  }
0x141: {  	v11 =	vmul.f32 v12, v11;
	v12 =	vld [tilespmem:s24+$0xFFFFFF50];
	v13 =	vadd.f32 v14, v13  }
0x142: {  	v9 =	vmul.f32 v10, v9;
	v10 =	vld [tilespmem:s24+$0xFFFFFF60];
	v14 =	vadd.f32 v17, v16;
	v16 =	vmul.f32 v22, v21  }
0x143: {  	v17 =	vld [tilespmem:s23+$0xFFFFFF60];
	v11 =	vadd.f32 v11, v13  }
0x144: {  	v7 =	vmul.f32 v8, v7;
	v8 =	vld [tilespmem:s24+$0xFFFFFF70];
	v13 =	vadd.f32 v16, v14;
	v14 =	vmul.f32 v15, v23  }
0x145: {  	v15 =	vld [tilespmem:s23+$0xFFFFFF70];
	v9 =	vadd.f32 v9, v11  }
0x146: {  	v12 =	vmul.f32 v12, v18;
	v11 =	vadd.f32 v14, v13;
	v13 =	vld [tilespmem:s23+$0xFFFFFF80]  }
0x147: {  	s30 =	simm.s32 $0x80F0;
	v6 =	vmul.f32 v6, v2;
	v7 =	vadd.f32 v7, v9;
	v9 =	vld [tilespmem:s24+$0xFFFFFF80]  }
0x148: {  	v24 =	vld [tilespmem:s30+$0xFFFFFFA0];
	v10 =	vmul.f32 v10, v17;
	v11 =	vadd.f32 v12, v11  }
0x149: {  	s29 =	simm.s32 $0x60F0;
	v25 =	vld [tilespmem:s30+$0xFFFFFF20];
	v6 =	vadd.f32 v6, v7;
	v7 =	vmul.f32 v3, v1  }
0x14a: {  	v2 =	vld [tilespmem:s29+$0x0];
	v8 =	vmul.f32 v8, v15;
	v10 =	vadd.f32 v10, v11  }
0x14b: {  	v4 =	vmul.f32 v5, v4;
	v5 =	vld [tilespmem:s30+$0xFFFFFFF0];
	v7 =	vadd.f32 v7, v6  }
0x14c: {  	v19 =	vld [tilespmem:s29+$0xFFFFFF90];
	v10 =	vadd.f32 v8, v10;
	v9 =	vmul.f32 v9, v13  }
0x14d: {  	v20 =	vld [tilespmem:s30+$0xFFFFFF90];
	v4 =	vadd.f32 v4, v7  }
0x14e: {  	v22 =	vld [tilespmem:s29+$0xFFFFFFA0];
	v11 =	vadd.f32 v9, v10  }
0x14f: {  	v21 =	vld [tilespmem:s30+$0xFFFFFF10];
	(xrf2) =	vadd.scan.msk.f32 $0xffff, v4  }
0x150: {  	v18 =	vld [tilespmem:s29+$0xFFFFFF10];
	(xrf2) =	vadd.scan.msk.f32 $0xffff, v11  }
0x151: {  	v23 =	vld [tilespmem:s29+$0xFFFFFF20]  }
0x152: {  	v14 =	vld [tilespmem:s30+$0xFFFFFFB0]  }
0x153: {  	v1 =	vld [tilespmem:s30+$0x0]  }
0x154: {  	v3 =	vld [tilespmem:s29+$0xFFFFFFF0]  }
0x155: {  	v6 =	vld [tilespmem:s29+$0xFFFFFFE0]  }
0x156: {  	v8 =	vld [tilespmem:s29+$0xFFFFFFD0]  }
0x157: {  	v13 =	vld [tilespmem:s29+$0xFFFFFFB0]  }
0x158: {  	v7 =	vld [tilespmem:s30+$0xFFFFFFE0]  }
0x159: {  	s31 =	simm.s32 $0x0;
	v9 =	vld [tilespmem:s30+$0xFFFFFFD0];
	v12, _, _ =	vpop (xrf2)  }
0x15a: {  	v16 =	vmov s31;
	s24 =	simm.s32 $0x1;
	v10 =	vld [tilespmem:s29+$0xFFFFFFC0];
	v15, _, _ =	vpop (xrf2)  }
0x15b: {  	s0 =	simm.s32 $0x2;
	s22 =	simm.s32 $0x4;
	v17 =	vmov s24;
	v4 =	vimm.f32 $0.0e+00;
	v11 =	vld [tilespmem:s30+$0xFFFFFFC0];
	v15 =	vbroadcast v15, $0xF  }
.LBB2_7:
0x15c: {  	p1 =	slt.u32 s22, $0xE;
	v26 =	vld [tilespmem:s29+$0xFFFFFF30];
	vm0 =	veq.s32 v16, v0;
	vm1 =	veq.s32 v17, v0;
	v12 =	vbroadcast v12, $0xF  }
0x15d: {  	v17 =	vmul.f32 v20, v19;
	v19 =	vmul.f32 v24, v22;
	v16 =	vld [tilespmem:s30+$0xFFFFFF30];
	v4 =	vsel vm0, v15, v4  }
0x15e: {  	v15 =	vld [tilespmem:s29+$0xFFFFFF40];
	v4 =	vsel vm1, v12, v4  }
0x15f: {  	v13 =	vmul.f32 v14, v13;
	v17 =	vadd.f32 v19, v17;
	v12 =	vld [tilespmem:s30+$0xFFFFFF40]  }
0x160: {  	v14 =	vmul.f32 v21, v18;
	v18 =	vmul.f32 v25, v23;
	v19 =	vld [tilespmem:s29+$0xFFFFFF50]  }
0x161: {  	v10 =	vmul.f32 v11, v10;
	v13 =	vadd.f32 v13, v17;
	v20 =	vld [tilespmem:s30+$0xFFFFFF50]  }
0x162: {  	v11 =	vadd.f32 v18, v14;
	v14 =	vmul.f32 v16, v26;
	v16 =	vld [tilespmem:s29+$0xFFFFFF60]  }
0x163: {  	v8 =	vmul.f32 v9, v8;
	v10 =	vadd.f32 v10, v13;
	v17 =	vld [tilespmem:s30+$0xFFFFFF60]  }
0x164: {  	v9 =	vadd.f32 v14, v11;
	v11 =	vmul.f32 v12, v15;
	v12 =	vld [tilespmem:s29+$0xFFFFFF70]  }
0x165: {  	v6 =	vmul.f32 v7, v6;
	v8 =	vadd.f32 v8, v10;
	v13 =	vld [tilespmem:s30+$0xFFFFFF70]  }
0x166: {  	v7 =	vadd.f32 v11, v9;
	v9 =	vmul.f32 v20, v19;
	v10 =	vld [tilespmem:s29+$0xFFFFFF80]  }
0x167: {  	v3 =	vmul.f32 v5, v3;
	v6 =	vadd.f32 v6, v8;
	s29 =	sadd.s32 $0x100, s29;
	v11 =	vld [tilespmem:s30+$0xFFFFFF80]  }
0x168: {  	s30 =	sadd.s32 $0x100, s30;
	v8 =	vld [tilespmem:s29+$0x0];
	v5 =	vadd.f32 v9, v7;
	v7 =	vmul.f32 v17, v16  }
0x169: {  	v2 =	vmul.f32 v1, v2;
	v6 =	vadd.f32 v3, v6;
	v1 =	vld [tilespmem:s30+$0x0]  }
0x16a: {  	v3 =	vld [tilespmem:s29+$0xFFFFFFF0];
	v7 =	vadd.f32 v7, v5;
	v9 =	vmul.f32 v13, v12  }
0x16b: {  	v12 =	vadd.f32 v2, v6;
	v5 =	vld [tilespmem:s30+$0xFFFFFFF0]  }
0x16c: {  	v6 =	vld [tilespmem:s29+$0xFFFFFFE0];
	v9 =	vadd.f32 v9, v7;
	v10 =	vmul.f32 v11, v10  }
0x16d: {  	v7 =	vld [tilespmem:s30+$0xFFFFFFE0];
	(xrf2) =	vadd.scan.msk.f32 $0xffff, v12;
	v2 =	vmov v8  }
0x16e: {  	v8 =	vld [tilespmem:s29+$0xFFFFFFD0];
	v11 =	vadd.f32 v10, v9  }
0x16f: {  	v9 =	vld [tilespmem:s30+$0xFFFFFFD0]  }
0x170: {  	v10 =	vld [tilespmem:s29+$0xFFFFFFC0];
	(xrf2) =	vadd.scan.msk.f32 $0xffff, v11  }
0x171: {  	v11 =	vld [tilespmem:s30+$0xFFFFFFC0]  }
0x172: {  	v13 =	vld [tilespmem:s29+$0xFFFFFFB0]  }
0x173: {  	v14 =	vld [tilespmem:s30+$0xFFFFFFB0]  }
0x174: {  	v19 =	vld [tilespmem:s29+$0xFFFFFF90]  }
0x175: {  	v20 =	vld [tilespmem:s30+$0xFFFFFF90]  }
0x176: {  	v22 =	vld [tilespmem:s29+$0xFFFFFFA0]  }
.Ltmp2:
0x177: {  	v24 =	vld [tilespmem:s30+$0xFFFFFFA0];
	v12, _, _ =	vpop (xrf2);
	(pc) =	sbr.rel @p1 .LBB2_7-.Ltmp2, $4  }
0x178: {  	v18 =	vld [tilespmem:s29+$0xFFFFFF10]  }
0x179: {  	v21 =	vld [tilespmem:s30+$0xFFFFFF10]  }
0x17a: {  	s23 =	sadd.s32 $0x1, s0;
	v23 =	vld [tilespmem:s29+$0xFFFFFF20];
	v15, _, _ =	vpop (xrf2)  }
0x17b: {  	v16 =	vmov s0;
	v17 =	vmov s23;
	s0 =	smov.u32 s22;
	s22 =	sadd.s32 $0x2, s22;
	v25 =	vld [tilespmem:s30+$0xFFFFFF20];
	v15 =	vbroadcast v15, $0xF  }
0x17c: {  	v26 =	vld [tilespmem:s29+$0xFFFFFF30]  }
0x17d: {  	v27 =	vld [tilespmem:s30+$0xFFFFFF30]  }
0x17e: {  	v28 =	vld [tilespmem:s29+$0xFFFFFF40];
	v19 =	vmul.f32 v20, v19  }
0x17f: {  	v20 =	vmul.f32 v24, v22;
	v22 =	vld [tilespmem:s30+$0xFFFFFF40];
	v13 =	vmul.f32 v14, v13  }
0x180: {  	v14 =	vld [tilespmem:s30+$0xFFFFFF50];
	v18 =	vmul.f32 v21, v18;
	v21 =	vmul.f32 v25, v23  }
0x181: {  	v19 =	vadd.f32 v20, v19;
	v23 =	vld [tilespmem:s29+$0xFFFFFF50]  }
0x182: {  	v10 =	vmul.f32 v11, v10;
	v11 =	vld [tilespmem:s30+$0xFFFFFF60];
	v20 =	vmul.f32 v27, v26;
	v18 =	vadd.f32 v21, v18  }
0x183: {  	v13 =	vadd.f32 v13, v19;
	v21 =	vld [tilespmem:s29+$0xFFFFFF60]  }
0x184: {  	v8 =	vmul.f32 v9, v8;
	v9 =	vld [tilespmem:s30+$0xFFFFFF70];
	v19 =	vmul.f32 v22, v28;
	v18 =	vadd.f32 v20, v18  }
0x185: {  	v10 =	vadd.f32 v10, v13;
	v20 =	vld [tilespmem:s29+$0xFFFFFF70]  }
0x186: {  	v6 =	vmul.f32 v7, v6;
	v7 =	vld [tilespmem:s30+$0xFFFFFF80];
	v14 =	vmul.f32 v14, v23;
	v13 =	vadd.f32 v19, v18  }
0x187: {  	v8 =	vadd.f32 v8, v10;
	v18 =	vld [tilespmem:s29+$0xFFFFFF80]  }
0x188: {  	v11 =	vmul.f32 v11, v21;
	v10 =	vadd.f32 v14, v13  }
0x189: {  	v3 =	vmul.f32 v5, v3;
	v6 =	vadd.f32 v6, v8  }
0x18a: {  	v8 =	vmul.f32 v9, v20;
	v5 =	vadd.f32 v11, v10  }
0x18b: {  	v1 =	vmul.f32 v1, v2;
	v3 =	vadd.f32 v3, v6  }
0x18c: {  	v2 =	vadd.f32 v8, v5;
	v5 =	vmul.f32 v7, v18  }
0x18d: {  	v1 =	vadd.f32 v1, v3  }
0x18e: {  	v2 =	vadd.f32 v5, v2  }
0x18f: {  	(xrf2) =	vadd.scan.msk.f32 $0xffff, v1  }
0x190: {  	(xrf2) =	vadd.scan.msk.f32 $0xffff, v2;
	_ =	sdelay $0x8  }
0x191: {  	vm0 =	veq.s32 v16, v0;
	v1 =	vbroadcast v12, $0xF;
	v2, _, _ =	vpop (xrf2)  }
0x192: {  	vm1 =	veq.s32 v17, v0;
	v3 =	vsel vm0, v15, v4;
	v4, _, _ =	vpop (xrf2)  }
0x193: {  	s22 =	sadd.s32 $0x1, s0;
	v1 =	vsel vm1, v1, v3;
	v3 =	vmov s0;
	v4 =	vbroadcast v4, $0xF  }
0x194: {  	v5 =	vmov s22;
	vm14 =	veq.s32 v3, v0;
	v2 =	vbroadcast v2, $0xF  }
0x195: {  	vm15 =	veq.s32 v5, v0;
	v1 =	vsel vm14, v4, v1  }
0x196: {  	v1 =	vsel vm15, v2, v1  }
0x197: {  	v1 =	vsub.f32 $0.0e+00, v1;
	_ =	sdelay $0x1  }
0x198: {  	v1 =	vmul.f32 $1.442695020e+00, v1;
	_ =	sdelay $0x1  }
0x199: {  	(erf) = vpow2.f32 v1;
	_ =	sdelay $0x8  }
0x19a: {  	v1 =	vpop (erf)  }
0x19b: {  	v1 =	vadd.f32 $1.000000000e+00, v1;
	_ =	sdelay $0x1  }
0x19c: {  	(erf) = vrcp.f32 v1;
	_ =	sdelay $0x8  }
0x19d: {  	v1 =	vpop (erf)  }
0x19e: {  	s24 =	simm.s32 $0x67F0;
	[tilespmem:s28+$0x8F00] =	vst v1  }
0x19f: {  	s31 =	simm.s32 $0x87F0;
	v4 =	vld [tilespmem:s24+$0x0]  }
0x1a0: {  	v5 =	vld [tilespmem:s31+$0x0]  }
0x1a1: {  	v1 =	vld [tilespmem:s24+$0xFFFFFFF0]  }
0x1a2: {  	v3 =	vld [tilespmem:s31+$0xFFFFFFF0]  }
0x1a3: {  	v2 =	vld [tilespmem:s24+$0xFFFFFFE0]  }
0x1a4: {  	v6 =	vld [tilespmem:s31+$0xFFFFFFE0]  }
0x1a5: {  	v7 =	vld [tilespmem:s24+$0xFFFFFFD0]  }
0x1a6: {  	v8 =	vld [tilespmem:s31+$0xFFFFFFD0]  }
0x1a7: {  	v9 =	vld [tilespmem:s24+$0xFFFFFFC0]  }
0x1a8: {  	v10 =	vld [tilespmem:s31+$0xFFFFFFC0]  }
0x1a9: {  	v11 =	vld [tilespmem:s24+$0xFFFFFFB0]  }
0x1aa: {  	v12 =	vld [tilespmem:s31+$0xFFFFFFB0]  }
0x1ab: {  	v13 =	vld [tilespmem:s24+$0xFFFFFF90]  }
0x1ac: {  	v14 =	vld [tilespmem:s31+$0xFFFFFF90]  }
0x1ad: {  	v15 =	vld [tilespmem:s24+$0xFFFFFFA0]  }
0x1ae: {  	v16 =	vld [tilespmem:s31+$0xFFFFFFA0]  }
0x1af: {  	v17 =	vld [tilespmem:s24+$0xFFFFFF10]  }
0x1b0: {  	v18 =	vld [tilespmem:s31+$0xFFFFFF10]  }
0x1b1: {  	v19 =	vld [tilespmem:s24+$0xFFFFFF20]  }
0x1b2: {  	v20 =	vld [tilespmem:s31+$0xFFFFFF20]  }
0x1b3: {  	v21 =	vld [tilespmem:s24+$0xFFFFFF30]  }
0x1b4: {  	v22 =	vld [tilespmem:s31+$0xFFFFFF30]  }
0x1b5: {  	v23 =	vld [tilespmem:s24+$0xFFFFFF40]  }
0x1b6: {  	v13 =	vmul.f32 v14, v13;
	v14 =	vmul.f32 v16, v15;
	v15 =	vld [tilespmem:s31+$0xFFFFFF40]  }
0x1b7: {  	v16 =	vmul.f32 v18, v17;
	v17 =	vmul.f32 v20, v19;
	v18 =	vld [tilespmem:s24+$0xFFFFFF50]  }
0x1b8: {  	v11 =	vmul.f32 v12, v11;
	v12 =	vld [tilespmem:s31+$0xFFFFFF50];
	v13 =	vadd.f32 v14, v13  }
0x1b9: {  	v9 =	vmul.f32 v10, v9;
	v10 =	vld [tilespmem:s31+$0xFFFFFF60];
	v14 =	vadd.f32 v17, v16;
	v16 =	vmul.f32 v22, v21  }
0x1ba: {  	v17 =	vld [tilespmem:s24+$0xFFFFFF60];
	v11 =	vadd.f32 v11, v13  }
0x1bb: {  	v7 =	vmul.f32 v8, v7;
	v8 =	vld [tilespmem:s31+$0xFFFFFF70];
	v13 =	vadd.f32 v16, v14;
	v14 =	vmul.f32 v15, v23  }
0x1bc: {  	v15 =	vld [tilespmem:s24+$0xFFFFFF70];
	v9 =	vadd.f32 v9, v11  }
0x1bd: {  	v12 =	vmul.f32 v12, v18;
	v11 =	vadd.f32 v14, v13;
	v13 =	vld [tilespmem:s24+$0xFFFFFF80]  }
0x1be: {  	s30 =	simm.s32 $0x88F0;
	v6 =	vmul.f32 v6, v2;
	v7 =	vadd.f32 v7, v9;
	v9 =	vld [tilespmem:s31+$0xFFFFFF80]  }
0x1bf: {  	v24 =	vld [tilespmem:s30+$0xFFFFFFA0];
	v10 =	vmul.f32 v10, v17;
	v11 =	vadd.f32 v12, v11  }
0x1c0: {  	s29 =	simm.s32 $0x68F0;
	v25 =	vld [tilespmem:s30+$0xFFFFFF20];
	v6 =	vadd.f32 v6, v7;
	v7 =	vmul.f32 v3, v1  }
0x1c1: {  	v2 =	vld [tilespmem:s29+$0x0];
	v8 =	vmul.f32 v8, v15;
	v10 =	vadd.f32 v10, v11  }
0x1c2: {  	v4 =	vmul.f32 v5, v4;
	v5 =	vld [tilespmem:s30+$0xFFFFFFF0];
	v7 =	vadd.f32 v7, v6  }
0x1c3: {  	v19 =	vld [tilespmem:s29+$0xFFFFFF90];
	v10 =	vadd.f32 v8, v10;
	v9 =	vmul.f32 v9, v13  }
0x1c4: {  	v20 =	vld [tilespmem:s30+$0xFFFFFF90];
	v4 =	vadd.f32 v4, v7  }
0x1c5: {  	v22 =	vld [tilespmem:s29+$0xFFFFFFA0];
	v11 =	vadd.f32 v9, v10  }
0x1c6: {  	v21 =	vld [tilespmem:s30+$0xFFFFFF10];
	(xrf2) =	vadd.scan.msk.f32 $0xffff, v4  }
0x1c7: {  	v18 =	vld [tilespmem:s29+$0xFFFFFF10];
	(xrf2) =	vadd.scan.msk.f32 $0xffff, v11  }
0x1c8: {  	v23 =	vld [tilespmem:s29+$0xFFFFFF20]  }
0x1c9: {  	v14 =	vld [tilespmem:s30+$0xFFFFFFB0]  }
0x1ca: {  	v1 =	vld [tilespmem:s30+$0x0]  }
0x1cb: {  	v3 =	vld [tilespmem:s29+$0xFFFFFFF0]  }
0x1cc: {  	v6 =	vld [tilespmem:s29+$0xFFFFFFE0]  }
0x1cd: {  	v8 =	vld [tilespmem:s29+$0xFFFFFFD0]  }
0x1ce: {  	v13 =	vld [tilespmem:s29+$0xFFFFFFB0]  }
0x1cf: {  	v7 =	vld [tilespmem:s30+$0xFFFFFFE0]  }
0x1d0: {  	s23 =	simm.s32 $0x0;
	v9 =	vld [tilespmem:s30+$0xFFFFFFD0];
	v12, _, _ =	vpop (xrf2)  }
0x1d1: {  	v16 =	vmov s23;
	s24 =	simm.s32 $0x1;
	v10 =	vld [tilespmem:s29+$0xFFFFFFC0];
	v15, _, _ =	vpop (xrf2)  }
0x1d2: {  	s0 =	simm.s32 $0x2;
	s22 =	simm.s32 $0x4;
	v17 =	vmov s24;
	v4 =	vimm.f32 $0.0e+00;
	v11 =	vld [tilespmem:s30+$0xFFFFFFC0];
	v15 =	vbroadcast v15, $0xF  }
.LBB2_9:
0x1d3: {  	p1 =	slt.u32 s22, $0xE;
	v26 =	vld [tilespmem:s29+$0xFFFFFF30];
	vm0 =	veq.s32 v16, v0;
	vm1 =	veq.s32 v17, v0;
	v12 =	vbroadcast v12, $0xF  }
0x1d4: {  	v17 =	vmul.f32 v20, v19;
	v19 =	vmul.f32 v24, v22;
	v16 =	vld [tilespmem:s30+$0xFFFFFF30];
	v4 =	vsel vm0, v15, v4  }
0x1d5: {  	v15 =	vld [tilespmem:s29+$0xFFFFFF40];
	v4 =	vsel vm1, v12, v4  }
0x1d6: {  	v13 =	vmul.f32 v14, v13;
	v17 =	vadd.f32 v19, v17;
	v12 =	vld [tilespmem:s30+$0xFFFFFF40]  }
0x1d7: {  	v14 =	vmul.f32 v21, v18;
	v18 =	vmul.f32 v25, v23;
	v19 =	vld [tilespmem:s29+$0xFFFFFF50]  }
0x1d8: {  	v10 =	vmul.f32 v11, v10;
	v13 =	vadd.f32 v13, v17;
	v20 =	vld [tilespmem:s30+$0xFFFFFF50]  }
0x1d9: {  	v11 =	vadd.f32 v18, v14;
	v14 =	vmul.f32 v16, v26;
	v16 =	vld [tilespmem:s29+$0xFFFFFF60]  }
0x1da: {  	v8 =	vmul.f32 v9, v8;
	v10 =	vadd.f32 v10, v13;
	v17 =	vld [tilespmem:s30+$0xFFFFFF60]  }
0x1db: {  	v9 =	vadd.f32 v14, v11;
	v11 =	vmul.f32 v12, v15;
	v12 =	vld [tilespmem:s29+$0xFFFFFF70]  }
0x1dc: {  	v6 =	vmul.f32 v7, v6;
	v8 =	vadd.f32 v8, v10;
	v13 =	vld [tilespmem:s30+$0xFFFFFF70]  }
0x1dd: {  	v7 =	vadd.f32 v11, v9;
	v9 =	vmul.f32 v20, v19;
	v10 =	vld [tilespmem:s29+$0xFFFFFF80]  }
0x1de: {  	v3 =	vmul.f32 v5, v3;
	v6 =	vadd.f32 v6, v8;
	s29 =	sadd.s32 $0x100, s29;
	v11 =	vld [tilespmem:s30+$0xFFFFFF80]  }
0x1df: {  	s30 =	sadd.s32 $0x100, s30;
	v8 =	vld [tilespmem:s29+$0x0];
	v5 =	vadd.f32 v9, v7;
	v7 =	vmul.f32 v17, v16  }
0x1e0: {  	v2 =	vmul.f32 v1, v2;
	v6 =	vadd.f32 v3, v6;
	v1 =	vld [tilespmem:s30+$0x0]  }
0x1e1: {  	v3 =	vld [tilespmem:s29+$0xFFFFFFF0];
	v7 =	vadd.f32 v7, v5;
	v9 =	vmul.f32 v13, v12  }
0x1e2: {  	v12 =	vadd.f32 v2, v6;
	v5 =	vld [tilespmem:s30+$0xFFFFFFF0]  }
0x1e3: {  	v6 =	vld [tilespmem:s29+$0xFFFFFFE0];
	v9 =	vadd.f32 v9, v7;
	v10 =	vmul.f32 v11, v10  }
0x1e4: {  	v7 =	vld [tilespmem:s30+$0xFFFFFFE0];
	(xrf2) =	vadd.scan.msk.f32 $0xffff, v12;
	v2 =	vmov v8  }
0x1e5: {  	v8 =	vld [tilespmem:s29+$0xFFFFFFD0];
	v11 =	vadd.f32 v10, v9  }
0x1e6: {  	v9 =	vld [tilespmem:s30+$0xFFFFFFD0]  }
0x1e7: {  	v10 =	vld [tilespmem:s29+$0xFFFFFFC0];
	(xrf2) =	vadd.scan.msk.f32 $0xffff, v11  }
0x1e8: {  	v11 =	vld [tilespmem:s30+$0xFFFFFFC0]  }
0x1e9: {  	v13 =	vld [tilespmem:s29+$0xFFFFFFB0]  }
0x1ea: {  	v14 =	vld [tilespmem:s30+$0xFFFFFFB0]  }
0x1eb: {  	v19 =	vld [tilespmem:s29+$0xFFFFFF90]  }
0x1ec: {  	v20 =	vld [tilespmem:s30+$0xFFFFFF90]  }
0x1ed: {  	v22 =	vld [tilespmem:s29+$0xFFFFFFA0]  }
.Ltmp3:
0x1ee: {  	v24 =	vld [tilespmem:s30+$0xFFFFFFA0];
	v12, _, _ =	vpop (xrf2);
	(pc) =	sbr.rel @p1 .LBB2_9-.Ltmp3, $4  }
0x1ef: {  	v18 =	vld [tilespmem:s29+$0xFFFFFF10]  }
0x1f0: {  	v21 =	vld [tilespmem:s30+$0xFFFFFF10]  }
0x1f1: {  	s23 =	sadd.s32 $0x1, s0;
	v23 =	vld [tilespmem:s29+$0xFFFFFF20];
	v15, _, _ =	vpop (xrf2)  }
0x1f2: {  	v16 =	vmov s0;
	v17 =	vmov s23;
	s0 =	smov.u32 s22;
	s22 =	sadd.s32 $0x2, s22;
	v25 =	vld [tilespmem:s30+$0xFFFFFF20];
	v15 =	vbroadcast v15, $0xF  }
0x1f3: {  	v26 =	vld [tilespmem:s29+$0xFFFFFF30]  }
0x1f4: {  	v27 =	vld [tilespmem:s30+$0xFFFFFF30]  }
0x1f5: {  	v28 =	vld [tilespmem:s29+$0xFFFFFF40]  }
0x1f6: {  	v19 =	vmul.f32 v20, v19;
	v44 =	vmul.f32 v24, v22;
	v45 =	vld [tilespmem:s30+$0xFFFFFF40]  }
0x1f7: {  	v47 =	vld [tilespmem:s29+$0xFFFFFF50];
	v18 =	vmul.f32 v21, v18;
	v46 =	vmul.f32 v25, v23  }
0x1f8: {  	v13 =	vmul.f32 v14, v13;
	v48 =	vld [tilespmem:s30+$0xFFFFFF50];
	v19 =	vadd.f32 v44, v19  }
0x1f9: {  	v50 =	vld [tilespmem:s29+$0xFFFFFF60];
	v49 =	vmul.f32 v27, v26;
	v18 =	vadd.f32 v46, v18  }
0x1fa: {  	v10 =	vmul.f32 v11, v10;
	v51 =	vld [tilespmem:s30+$0xFFFFFF60];
	v13 =	vadd.f32 v13, v19  }
0x1fb: {  	v53 =	vld [tilespmem:s29+$0xFFFFFF70];
	v52 =	vmul.f32 v45, v28;
	v18 =	vadd.f32 v49, v18  }
0x1fc: {  	v8 =	vmul.f32 v9, v8;
	v54 =	vld [tilespmem:s30+$0xFFFFFF70];
	v10 =	vadd.f32 v10, v13  }
0x1fd: {  	v56 =	vld [tilespmem:s29+$0xFFFFFF80];
	v14 =	vmul.f32 v48, v47;
	v55 =	vadd.f32 v52, v18  }
0x1fe: {  	v6 =	vmul.f32 v7, v6;
	v57 =	vld [tilespmem:s30+$0xFFFFFF80];
	v8 =	vadd.f32 v8, v10  }
0x1ff: {  	v11 =	vmul.f32 v51, v50;
	v58 =	vadd.f32 v14, v55  }
0x200: {  	v3 =	vmul.f32 v5, v3;
	v6 =	vadd.f32 v6, v8  }
0x201: {  	v60 =	vmul.f32 v54, v53;
	v59 =	vadd.f32 v11, v58  }
0x202: {  	v1 =	vmul.f32 v1, v2;
	v3 =	vadd.f32 v3, v6  }
0x203: {  	v61 =	vmul.f32 v57, v56;
	v2 =	vadd.f32 v60, v59  }
0x204: {  	v1 =	vadd.f32 v1, v3  }
0x205: {  	v2 =	vadd.f32 v61, v2  }
0x206: {  	(xrf2) =	vadd.scan.msk.f32 $0xffff, v1  }
0x207: {  	(xrf2) =	vadd.scan.msk.f32 $0xffff, v2;
	_ =	sdelay $0x8  }
0x208: {  	vm0 =	veq.s32 v16, v0;
	v1 =	vbroadcast v12, $0xF;
	v2, _, _ =	vpop (xrf2)  }
0x209: {  	vm1 =	veq.s32 v17, v0;
	v3 =	vsel vm0, v15, v4;
	v62, _, _ =	vpop (xrf2)  }
0x20a: {  	s22 =	sadd.s32 $0x1, s0;
	v1 =	vsel vm1, v1, v3;
	v3 =	vmov s0;
	v4 =	vbroadcast v62, $0xF  }
0x20b: {  	v63 =	vmov s22;
	vm14 =	veq.s32 v3, v0;
	v2 =	vbroadcast v2, $0xF  }
0x20c: {  	vm15 =	veq.s32 v63, v0;
	v1 =	vsel vm14, v4, v1  }
0x20d: {  	v1 =	vsel vm15, v2, v1  }
0x20e: {  	v1 =	vsub.f32 $0.0e+00, v1;
	_ =	sdelay $0x1  }
0x20f: {  	v1 =	vmul.f32 $1.442695020e+00, v1;
	_ =	sdelay $0x1  }
0x210: {  	(erf) = vpow2.f32 v1;
	_ =	sdelay $0x8  }
0x211: {  	v1 =	vpop (erf)  }
0x212: {  	v1 =	vadd.f32 $1.000000000e+00, v1;
	_ =	sdelay $0x1  }
0x213: {  	(erf) = vrcp.f32 v1;
	_ =	sdelay $0x3  }
0x214: {  	s26 =	sadd.s32 $0x1, s26  }
0x215: {  	p1 =	sne.s32 s26, $0x9C  }
.Ltmp4:
0x216: {  	_ = 	snop;
	(pc) =	sbr.rel @p1 .LBB2_2-.Ltmp4, $3  }
0x217: {  	_ =	sdelay $0x1  }
0x218: {  	v1 =	vpop (erf)  }
0x219: {  	[tilespmem:s28+$0x8F10] =	vst v1  }
0x21a: {  	s0 =	simm.s32 $0x2700  }
0x21b: {  	[tilespmem:s15], [sflag:$0x1] =	stream.indirect.gather [spmem:s1], $0x80, s0, s21, $0xb8;
	[tilespmem:$0x1EF00] =	vst v63  }
0x21c: {  	s30 =	simm.s32 $0x4E80  }
0x21d: {  	[tilespmem:s16], [sflag:$0x1] =	stream.indirect.gather [spmem:s1], $0x80, s30, s21, $0xb8;
	[tilespmem:$0x1EF00] =	vst v63  }
0x21e: {  	_ =	swait.ge [sflag:s19], $0x800  }
0x21f: {  	[sflag:s19] =	ssyncset.done $0x0  }
0x220: {  	[sflag:s19] =	ssyncadd.s32 $0xFFFFF800  }
0x221: {  	_ =	swait.ge [sflag:s19], $0x800  }
0x222: {  	[sflag:s19] =	ssyncset.done $0x0  }
0x223: {  	s31 =	simm.s32 $0x4F80;
	[sflag:s19] =	ssyncadd.s32 $0xFFFFF800  }
0x224: {  	s22 =	simm.s32 $0x6F80;
	v4 =	vld [tilespmem:s31+$0x70]  }
0x225: {  	v5 =	vld [tilespmem:s22+$0x70]  }
0x226: {  	v1 =	vld [tilespmem:s31+$0x60]  }
0x227: {  	v3 =	vld [tilespmem:s22+$0x60]  }
0x228: {  	v2 =	vld [tilespmem:s31+$0x50]  }
0x229: {  	v6 =	vld [tilespmem:s22+$0x50]  }
0x22a: {  	v7 =	vld [tilespmem:s31+$0x40]  }
0x22b: {  	v8 =	vld [tilespmem:s22+$0x40]  }
0x22c: {  	v9 =	vld [tilespmem:s31+$0x30]  }
0x22d: {  	v10 =	vld [tilespmem:s22+$0x30]  }
0x22e: {  	v11 =	vld [tilespmem:s31+$0x20]  }
0x22f: {  	v12 =	vld [tilespmem:s22+$0x20]  }
0x230: {  	v13 =	vld [tilespmem:s31+$0x0]  }
0x231: {  	v14 =	vld [tilespmem:s22+$0x0]  }
0x232: {  	v15 =	vld [tilespmem:s31+$0x10]  }
0x233: {  	v16 =	vld [tilespmem:s22+$0x10]  }
0x234: {  	v17 =	vld [tilespmem:s31+$0xFFFFFF80]  }
0x235: {  	v18 =	vld [tilespmem:s22+$0xFFFFFF80]  }
0x236: {  	v19 =	vld [tilespmem:s31+$0xFFFFFF90]  }
0x237: {  	v20 =	vld [tilespmem:s22+$0xFFFFFF90]  }
0x238: {  	v21 =	vld [tilespmem:s31+$0xFFFFFFA0]  }
0x239: {  	v22 =	vld [tilespmem:s22+$0xFFFFFFA0]  }
0x23a: {  	v23 =	vld [tilespmem:s31+$0xFFFFFFB0]  }
0x23b: {  	v13 =	vmul.f32 v14, v13;
	v14 =	vmul.f32 v16, v15;
	v15 =	vld [tilespmem:s22+$0xFFFFFFB0]  }
0x23c: {  	v16 =	vmul.f32 v18, v17;
	v17 =	vmul.f32 v20, v19;
	v18 =	vld [tilespmem:s31+$0xFFFFFFC0]  }
0x23d: {  	v11 =	vmul.f32 v12, v11;
	v12 =	vld [tilespmem:s22+$0xFFFFFFC0];
	v13 =	vadd.f32 v14, v13  }
0x23e: {  	v9 =	vmul.f32 v10, v9;
	v10 =	vld [tilespmem:s22+$0xFFFFFFD0];
	v14 =	vadd.f32 v17, v16;
	v16 =	vmul.f32 v22, v21  }
0x23f: {  	v17 =	vld [tilespmem:s31+$0xFFFFFFD0];
	v11 =	vadd.f32 v11, v13  }
0x240: {  	v7 =	vmul.f32 v8, v7;
	v8 =	vld [tilespmem:s22+$0xFFFFFFE0];
	v13 =	vadd.f32 v16, v14;
	v14 =	vmul.f32 v15, v23  }
0x241: {  	v15 =	vld [tilespmem:s31+$0xFFFFFFE0];
	v9 =	vadd.f32 v9, v11  }
0x242: {  	v12 =	vmul.f32 v12, v18;
	v11 =	vadd.f32 v14, v13;
	v13 =	vld [tilespmem:s31+$0xFFFFFFF0]  }
0x243: {  	s28 =	simm.s32 $0x7080;
	v6 =	vmul.f32 v6, v2;
	v7 =	vadd.f32 v7, v9;
	v9 =	vld [tilespmem:s22+$0xFFFFFFF0]  }
0x244: {  	v24 =	vld [tilespmem:s28+$0x10];
	v10 =	vmul.f32 v10, v17;
	v11 =	vadd.f32 v12, v11  }
0x245: {  	s26 =	simm.s32 $0x5080;
	v25 =	vld [tilespmem:s28+$0xFFFFFF90];
	v6 =	vadd.f32 v6, v7;
	v7 =	vmul.f32 v3, v1  }
0x246: {  	v2 =	vld [tilespmem:s26+$0x70];
	v8 =	vmul.f32 v8, v15;
	v10 =	vadd.f32 v10, v11  }
0x247: {  	v4 =	vmul.f32 v5, v4;
	v5 =	vld [tilespmem:s28+$0x60];
	v7 =	vadd.f32 v7, v6  }
0x248: {  	v19 =	vld [tilespmem:s26+$0x0];
	v10 =	vadd.f32 v8, v10;
	v9 =	vmul.f32 v9, v13  }
0x249: {  	v20 =	vld [tilespmem:s28+$0x0];
	v4 =	vadd.f32 v4, v7  }
0x24a: {  	v22 =	vld [tilespmem:s26+$0x10];
	v11 =	vadd.f32 v9, v10  }
0x24b: {  	v21 =	vld [tilespmem:s28+$0xFFFFFF80];
	(xrf2) =	vadd.scan.msk.f32 $0xffff, v4  }
0x24c: {  	v18 =	vld [tilespmem:s26+$0xFFFFFF80];
	(xrf2) =	vadd.scan.msk.f32 $0xffff, v11  }
0x24d: {  	v23 =	vld [tilespmem:s26+$0xFFFFFF90]  }
0x24e: {  	v14 =	vld [tilespmem:s28+$0x20]  }
0x24f: {  	v1 =	vld [tilespmem:s28+$0x70]  }
0x250: {  	v3 =	vld [tilespmem:s26+$0x60]  }
0x251: {  	v6 =	vld [tilespmem:s26+$0x50]  }
0x252: {  	v8 =	vld [tilespmem:s26+$0x40]  }
0x253: {  	v13 =	vld [tilespmem:s26+$0x20]  }
0x254: {  	v7 =	vld [tilespmem:s28+$0x50]  }
0x255: {  	s23 =	simm.s32 $0x0;
	v9 =	vld [tilespmem:s28+$0x40];
	v12, _, _ =	vpop (xrf2)  }
0x256: {  	s24 =	simm.s32 $0x1;
	v16 =	vmov s23;
	v10 =	vld [tilespmem:s26+$0x30];
	v15, _, _ =	vpop (xrf2)  }
0x257: {  	s0 =	simm.s32 $0x2;
	v17 =	vmov s24;
	s22 =	simm.s32 $0x4;
	v4 =	vimm.f32 $0.0e+00;
	v11 =	vld [tilespmem:s28+$0x30];
	v15 =	vbroadcast v15, $0xF  }
.LBB2_12:
0x258: {  	p1 =	slt.u32 s22, $0xE;
	v26 =	vld [tilespmem:s26+$0xFFFFFFA0];
	vm0 =	veq.s32 v16, v0;
	vm1 =	veq.s32 v17, v0;
	v12 =	vbroadcast v12, $0xF  }
0x259: {  	v17 =	vmul.f32 v20, v19;
	v19 =	vmul.f32 v24, v22;
	v16 =	vld [tilespmem:s28+$0xFFFFFFA0];
	v4 =	vsel vm0, v15, v4  }
0x25a: {  	v15 =	vld [tilespmem:s26+$0xFFFFFFB0];
	v4 =	vsel vm1, v12, v4  }
0x25b: {  	v13 =	vmul.f32 v14, v13;
	v17 =	vadd.f32 v19, v17;
	v12 =	vld [tilespmem:s28+$0xFFFFFFB0]  }
0x25c: {  	v14 =	vmul.f32 v21, v18;
	v18 =	vmul.f32 v25, v23;
	v19 =	vld [tilespmem:s26+$0xFFFFFFC0]  }
0x25d: {  	v10 =	vmul.f32 v11, v10;
	v13 =	vadd.f32 v13, v17;
	v20 =	vld [tilespmem:s28+$0xFFFFFFC0]  }
0x25e: {  	v11 =	vadd.f32 v18, v14;
	v14 =	vmul.f32 v16, v26;
	v16 =	vld [tilespmem:s26+$0xFFFFFFD0]  }
0x25f: {  	v8 =	vmul.f32 v9, v8;
	v10 =	vadd.f32 v10, v13;
	v17 =	vld [tilespmem:s28+$0xFFFFFFD0]  }
0x260: {  	v9 =	vadd.f32 v14, v11;
	v11 =	vmul.f32 v12, v15;
	v12 =	vld [tilespmem:s26+$0xFFFFFFE0]  }
0x261: {  	v6 =	vmul.f32 v7, v6;
	v8 =	vadd.f32 v8, v10;
	v13 =	vld [tilespmem:s28+$0xFFFFFFE0]  }
0x262: {  	v7 =	vadd.f32 v11, v9;
	v9 =	vmul.f32 v20, v19;
	v10 =	vld [tilespmem:s26+$0xFFFFFFF0]  }
0x263: {  	v3 =	vmul.f32 v5, v3;
	v6 =	vadd.f32 v6, v8;
	s26 =	sadd.s32 $0x100, s26;
	v11 =	vld [tilespmem:s28+$0xFFFFFFF0]  }
0x264: {  	s28 =	sadd.s32 $0x100, s28;
	v8 =	vld [tilespmem:s26+$0x70];
	v5 =	vadd.f32 v9, v7;
	v7 =	vmul.f32 v17, v16  }
0x265: {  	v2 =	vmul.f32 v1, v2;
	v6 =	vadd.f32 v3, v6;
	v1 =	vld [tilespmem:s28+$0x70]  }
0x266: {  	v3 =	vld [tilespmem:s26+$0x60];
	v7 =	vadd.f32 v7, v5;
	v9 =	vmul.f32 v13, v12  }
0x267: {  	v12 =	vadd.f32 v2, v6;
	v5 =	vld [tilespmem:s28+$0x60]  }
0x268: {  	v6 =	vld [tilespmem:s26+$0x50];
	v9 =	vadd.f32 v9, v7;
	v10 =	vmul.f32 v11, v10  }
0x269: {  	v7 =	vld [tilespmem:s28+$0x50];
	(xrf2) =	vadd.scan.msk.f32 $0xffff, v12;
	v2 =	vmov v8  }
0x26a: {  	v8 =	vld [tilespmem:s26+$0x40];
	v11 =	vadd.f32 v10, v9  }
0x26b: {  	v9 =	vld [tilespmem:s28+$0x40]  }
0x26c: {  	v10 =	vld [tilespmem:s26+$0x30];
	(xrf2) =	vadd.scan.msk.f32 $0xffff, v11  }
0x26d: {  	v11 =	vld [tilespmem:s28+$0x30]  }
0x26e: {  	v13 =	vld [tilespmem:s26+$0x20]  }
0x26f: {  	v14 =	vld [tilespmem:s28+$0x20]  }
0x270: {  	v19 =	vld [tilespmem:s26+$0x0]  }
0x271: {  	v20 =	vld [tilespmem:s28+$0x0]  }
0x272: {  	v22 =	vld [tilespmem:s26+$0x10]  }
.Ltmp5:
0x273: {  	v24 =	vld [tilespmem:s28+$0x10];
	v12, _, _ =	vpop (xrf2);
	(pc) =	sbr.rel @p1 .LBB2_12-.Ltmp5, $4  }
0x274: {  	v18 =	vld [tilespmem:s26+$0xFFFFFF80]  }
0x275: {  	v21 =	vld [tilespmem:s28+$0xFFFFFF80]  }
0x276: {  	s23 =	sadd.s32 $0x1, s0;
	v23 =	vld [tilespmem:s26+$0xFFFFFF90];
	v15, _, _ =	vpop (xrf2)  }
0x277: {  	v16 =	vmov s0;
	v17 =	vmov s23;
	s0 =	smov.u32 s22;
	s22 =	sadd.s32 $0x2, s22;
	v25 =	vld [tilespmem:s28+$0xFFFFFF90];
	v15 =	vbroadcast v15, $0xF  }
0x278: {  	v26 =	vld [tilespmem:s26+$0xFFFFFFA0]  }
0x279: {  	v27 =	vld [tilespmem:s28+$0xFFFFFFA0]  }
0x27a: {  	v28 =	vld [tilespmem:s26+$0xFFFFFFB0]  }
0x27b: {  	v19 =	vmul.f32 v20, v19;
	v44 =	vmul.f32 v24, v22;
	v45 =	vld [tilespmem:s28+$0xFFFFFFB0]  }
0x27c: {  	v47 =	vld [tilespmem:s26+$0xFFFFFFC0];
	v18 =	vmul.f32 v21, v18;
	v46 =	vmul.f32 v25, v23  }
0x27d: {  	v13 =	vmul.f32 v14, v13;
	v48 =	vld [tilespmem:s28+$0xFFFFFFC0];
	v19 =	vadd.f32 v44, v19  }
0x27e: {  	v50 =	vld [tilespmem:s26+$0xFFFFFFD0];
	v49 =	vmul.f32 v27, v26;
	v18 =	vadd.f32 v46, v18  }
0x27f: {  	v10 =	vmul.f32 v11, v10;
	v51 =	vld [tilespmem:s28+$0xFFFFFFD0];
	v13 =	vadd.f32 v13, v19  }
0x280: {  	v53 =	vld [tilespmem:s26+$0xFFFFFFE0];
	v52 =	vmul.f32 v45, v28;
	v18 =	vadd.f32 v49, v18  }
0x281: {  	v8 =	vmul.f32 v9, v8;
	v54 =	vld [tilespmem:s28+$0xFFFFFFE0];
	v10 =	vadd.f32 v10, v13  }
0x282: {  	v56 =	vld [tilespmem:s26+$0xFFFFFFF0];
	v14 =	vmul.f32 v48, v47;
	v55 =	vadd.f32 v52, v18  }
0x283: {  	v6 =	vmul.f32 v7, v6;
	v57 =	vld [tilespmem:s28+$0xFFFFFFF0];
	v8 =	vadd.f32 v8, v10  }
0x284: {  	v11 =	vmul.f32 v51, v50;
	v58 =	vadd.f32 v14, v55  }
0x285: {  	v3 =	vmul.f32 v5, v3;
	v6 =	vadd.f32 v6, v8  }
0x286: {  	v60 =	vmul.f32 v54, v53;
	v59 =	vadd.f32 v11, v58  }
0x287: {  	v1 =	vmul.f32 v1, v2;
	v3 =	vadd.f32 v3, v6  }
0x288: {  	v61 =	vmul.f32 v57, v56;
	v2 =	vadd.f32 v60, v59  }
0x289: {  	v1 =	vadd.f32 v1, v3  }
0x28a: {  	v2 =	vadd.f32 v61, v2  }
0x28b: {  	(xrf2) =	vadd.scan.msk.f32 $0xffff, v1  }
0x28c: {  	(xrf2) =	vadd.scan.msk.f32 $0xffff, v2;
	_ =	sdelay $0x8  }
0x28d: {  	vm0 =	veq.s32 v16, v0;
	v1 =	vbroadcast v12, $0xF;
	v2, _, _ =	vpop (xrf2)  }
0x28e: {  	vm1 =	veq.s32 v17, v0;
	v3 =	vsel vm0, v15, v4;
	v62, _, _ =	vpop (xrf2)  }
0x28f: {  	s22 =	sadd.s32 $0x1, s0;
	v1 =	vsel vm1, v1, v3;
	v3 =	vmov s0;
	v4 =	vbroadcast v62, $0xF  }
0x290: {  	v63 =	vmov s22;
	vm14 =	veq.s32 v3, v0;
	v2 =	vbroadcast v2, $0xF  }
0x291: {  	vm15 =	veq.s32 v63, v0;
	v1 =	vsel vm14, v4, v1  }
0x292: {  	v1 =	vsel vm15, v2, v1  }
0x293: {  	v1 =	vsub.f32 $0.0e+00, v1;
	_ =	sdelay $0x1  }
0x294: {  	v1 =	vmul.f32 $1.442695020e+00, v1;
	_ =	sdelay $0x1  }
0x295: {  	(erf) = vpow2.f32 v1;
	_ =	sdelay $0x8  }
0x296: {  	v1 =	vpop (erf)  }
0x297: {  	v1 =	vadd.f32 $1.000000000e+00, v1;
	_ =	sdelay $0x1  }
0x298: {  	(erf) = vrcp.f32 v1;
	_ =	sdelay $0x7  }
0x299: {  	s25 =	sadd.s32 $0x1, s25  }
0x29a: {  	p1 =	sne.s32 s25, s9;
	v1 =	vpop (erf)  }
.Ltmp6:
0x29b: {  	s31 =	simm.s32 $0x8F00;
	[tilespmem:$0xB600] =	vst v1;
	(pc) =	sbr.rel @p1 .LBB2_1-.Ltmp6, $4  }
0x29c: {  	[hbm4b:s8+s2] =	stream.linear.scatter [tilespmem:s31], [sflag:$0x3], $0x2710, $0x38;
	[tilespmem:$0x1EF00] =	vst v63  }
0x29d: {  	_ =	swait.ge [sflag:s11], $0x2710  }
0x29e: {  	[sflag:s11] =	ssyncset.done $0x0  }
0x29f: {  	[sflag:s11] =	ssyncadd.s32 $0xFFFFD8F0  }
0x2a0: {  	_ =	sfence.sel $0x180000  }
0x2a1: {  	[bflag:$0x0] =	sbarrier.arrive $0xFFFF  }
0x2a2: {  	_ =	strace $0x90000047  }
0x2a3: {  	[bflag:$0x2] =	sbarrier.arrive $0xFFFF  }
0x2a4: {  	s0 =	rddreg [dreg:$0x4]  }
0x2a5: {  	s0 =	sadd.s32 @!p0 $0x100000, s0  }
0x2a6: {  	[sflag:s0] =	ssyncadd.tile.s32 @!p0 $0x1;
	_ =	shalt  }
.Lfunc_end2:
_tile_overlayer_lowered:
.L_overlay_start_2:
0x2a7: {  	(tag) =	ssettag $0x2  }
0x2a8: {  	s0 =	rddreg [dreg:$0x0];
	s2 =	stileid.u32  }
0x2a9: {  	s1 =	rddreg [dreg:$0x1];
	p0 =	sne.s32 s2, $0x0  }
0x2aa: {  	s3 =	rddreg [dreg:$0x2];
	[bflag:$0x3] =	sbarrier.arrive $0xFFFF;
	s2 =	simm.s32 @!p0 $0x1C03  }
0x2ab: {  	[timem:s3], [sflag:s2] =	dma.local @!p0 [hbm:s0], s1  }
0x2ac: {  	s0 =	simm.s32 @!p0 $0x3  }
0x2ad: {  	_ =	swait.ge @!p0 [sflag:s0], s1  }
0x2ae: {  	s1 =	ssub.s32 @!p0 $0x0, s1;
	[sflag:s0] =	ssyncset.done @!p0 $0x0  }
0x2af: {  	[sflag:s0] =	ssyncadd.s32 @!p0 s1  }
0x2b0: {  	[bflag:$0x3] =	sbarrier.arrive $0xFFFF  }
0x2b1: {  	_ =	shalt  }

</sc_bundles>
